<compile_context>
chip_gen: v7x
topology: tpu7x:2x2x1
jax: 0.10.2.dev20260603
libtpu: 0.0.44.dev20260713+nightly
codegen_flags: <defaults>
</compile_context>

<pallas_src>
import functools

import jax
import jax.numpy as jnp
from jax import lax
from jax.experimental import pallas as pl
from jax.experimental.pallas import tpu as pltpu
from jax.experimental.pallas import tpu_sc as plsc

NUM_FIELDS = 26
CARD1 = 100001
EMB_DIM = 32
BATCH = 16384

_info = plsc.get_sparse_core_info()
NC, NS = _info.num_cores, _info.num_subcores
NW = NC * NS

TS = 33408
T_BASE = (0, TS, 2 * TS)
T_SIZE = (TS, TS, CARD1 - 2 * TS)
CHK = 4096
NCHK = BATCH // CHK


def _sweep(tT, xT):
    mesh = plsc.VectorSubcoreMesh(core_axis_name="c", subcore_axis_name="s")

    @functools.partial(
        pl.kernel,
        out_type=jax.ShapeDtypeStruct((NUM_FIELDS, EMB_DIM, BATCH), jnp.float32),
        mesh=mesh,
        scratch_types=[
            pltpu.VMEM((T_SIZE[0],), jnp.float32),
            pltpu.VMEM((T_SIZE[1],), jnp.float32),
            pltpu.VMEM((T_SIZE[2],), jnp.float32),
            pltpu.VMEM((2, CHK), jnp.int32),
            pltpu.VMEM((2, CHK), jnp.float32),
            pltpu.SemaphoreType.DMA,
            pltpu.SemaphoreType.DMA,
            pltpu.SemaphoreType.DMA,
            pltpu.SemaphoreType.DMA,
            pltpu.SemaphoreType.DMA,
        ],
        compiler_params=pltpu.CompilerParams(
            use_tc_tiling_on_sc=True, needs_layout_passes=False
        ),
    )
    def k(tT_hbm, xT_hbm, out_hbm, rA, rB, rC, ids_v, o_v,
          semA, semB, semC, sem_i, sem_o):
        w = lax.axis_index("s") * NC + lax.axis_index("c")
        rbufs = (rA, rB, rC)
        rsems = (semA, semB, semC)

        def piece_desc(f, k):
            return pltpu.make_async_copy(
                tT_hbm.at[f].at[w, pl.ds(T_BASE[k], T_SIZE[k])],
                rbufs[k],
                rsems[k],
            )

        def ids_desc(f, c):
            return pltpu.make_async_copy(
                xT_hbm.at[f, pl.ds(c * CHK, CHK)], ids_v.at[c % 2], sem_i
            )

        def out_desc(f, c):
            return pltpu.make_async_copy(
                o_v.at[c % 2], out_hbm.at[f].at[w, pl.ds(c * CHK, CHK)], sem_o
            )

        def gather_pass(kp, c):
            base = T_BASE[kp]

            @pl.loop(0, CHK // 16, unroll=4)
            def _g(i):
                ids16 = ids_v[c % 2, pl.ds(i * 16, 16)]
                if kp == 0:
                    m = ids16 < T_SIZE[0]
                elif kp == 2:
                    m = ids16 >= base
                else:
                    m = jnp.logical_and(ids16 >= base, ids16 < base + TS)
                vals = plsc.load_gather(rbufs[kp], [ids16 - base], mask=m)
                prev = (
                    jnp.zeros_like(vals)
                    if kp == 0
                    else o_v[c % 2, pl.ds(i * 16, 16)]
                )
                o_v[c % 2, pl.ds(i * 16, 16)] = jnp.where(m, vals, prev)

        for kp in range(3):
            piece_desc(0, kp).start()
        ids_desc(0, 0).start()

        @pl.loop(0, NUM_FIELDS)
        def _field(f):
            for kp in range(3):
                piece_desc(f, kp).wait()
            for c in range(NCHK):
                ids_desc(f, c).wait()
                if c + 1 < NCHK:
                    ids_desc(f, c + 1).start()
                else:

                    @pl.when(f + 1 < NUM_FIELDS)
                    def _():
                        ids_desc(f + 1, 0).start()

                if c >= 2:
                    out_desc(f, c - 2).wait()
                for kp in range(3):
                    gather_pass(kp, c)
                    if c == NCHK - 1:

                        @pl.when(f + 1 < NUM_FIELDS)
                        def _(kp=kp):
                            piece_desc(f + 1, kp).start()

                out_desc(f, c).start()

            out_desc(f, NCHK - 2).wait()
            out_desc(f, NCHK - 1).wait()

    return k(tT, xT)


@jax.jit
def kernel(x, tables):
    xT = x.T
    tT = jnp.transpose(tables, (0, 2, 1))
    outT = _sweep(tT, xT)
    return jnp.transpose(outT, (2, 0, 1))

# --- scband reference (transcript-rebuilt; emitter-appended) ---
"""Pipeline reference for scband-categorical-embedding-68839735820953 (READ-ONLY COPY).

The authoritative reference and input builder live on the scoring server;
editing this copy changes nothing except your own understanding.
"""

import jax, jax.numpy as jnp
import numpy as np

NUM_FIELDS = 26
CARDINALITY = 100000
EMB_DIM = 32
BATCH = 16384

def setup_inputs(seed: int = 0) -> dict:
    key = jax.random.key(seed)
    k_x, k_t = jax.random.split(key)
    x = jax.random.randint(k_x, (BATCH, NUM_FIELDS), 0, CARDINALITY, dtype=jnp.int64 if jax.config.jax_enable_x64 else jnp.int32)
    x = x.astype(jnp.int32)
    # one embedding table per field, each of shape [cardinality + 1, emb_dim], padding_idx=0 row zeroed
    tables = jax.random.normal(k_t, (NUM_FIELDS, CARDINALITY + 1, EMB_DIM), dtype=jnp.float32)
    tables = tables.at[:, 0, :].set(0.0)
    return {"x": x, "tables": tables}

def reference(x, tables):
    # x = (x > 0) * x  -> clamp negatives/zeros to index 0 (padding)
    x = jnp.where(x > 0, x, 0)

    def per_field(table, ids):
        emb = jnp.take(table, ids, axis=0)
        # padding_idx=0: output is zero row and receives no gradient
        mask = (ids > 0).astype(emb.dtype)[:, None]
        return emb * mask

    # stack over fields -> [B, NUM_FIELDS, EMB_DIM]
    encoding = jax.vmap(per_field, in_axes=(0, 1), out_axes=1)(tables, x)
    return encoding

if __name__ == "__main__":
    import jax
    _d = setup_inputs()
    print(jax.jit(kernel)(*tuple(_d.values())))

</pallas_src>

<mosaic_0001>
#map = affine_map<(d0, d1) -> (0, 0, 0)>
#map1 = affine_map<(d0, d1) -> (0, 0)>
module attributes {stable_mosaic.version = 14 : i64} {
  func.func @k(%arg0: i32, %arg1: i32, %arg2: memref<26x32x100001xf32, #tpu.memory_space<hbm>>, %arg3: memref<26x16384xi32, #tpu.memory_space<hbm>>, %arg4: memref<26x32x16384xf32, #tpu.memory_space<hbm>>, %arg5: memref<33408xf32, #tpu.memory_space<vmem>>, %arg6: memref<33408xf32, #tpu.memory_space<vmem>>, %arg7: memref<33185xf32, #tpu.memory_space<vmem>>, %arg8: memref<2x4096xi32, #tpu.memory_space<vmem>>, %arg9: memref<2x4096xf32, #tpu.memory_space<vmem>>, %arg10: memref<!tpu.dma_semaphore, #tpu.memory_space<semaphore_mem>>, %arg11: memref<!tpu.dma_semaphore, #tpu.memory_space<semaphore_mem>>, %arg12: memref<!tpu.dma_semaphore, #tpu.memory_space<semaphore_mem>>, %arg13: memref<!tpu.dma_semaphore, #tpu.memory_space<semaphore_mem>>, %arg14: memref<!tpu.dma_semaphore, #tpu.memory_space<semaphore_mem>>) attributes {dimension_semantics = [#tpu.dimension_semantics<core_parallel>, #tpu.dimension_semantics<subcore_parallel>], iteration_bounds = array<i64: 2, 16>, scalar_prefetch = 0 : i64, scratch_operands = 10 : i64, tpu.core_type = #tpu.core_type<sc_vector_subcore>, window_params = [{transform_indices = #map}, {transform_indices = #map1}, {transform_indices = #map}]} {
    %mul3A = arith.constant 2 : i32
    %mul3A_0 = arith.muli %arg1, %mul3A : i32
    %add3A = arith.addi %mul3A_0, %arg0 : i32
    %dma_start3A = arith.constant 0 : i32
    %dma_start3A_1 = arith.constant 0 : i32
    %dma_start3A_2 = arith.constant 0 : i32
    %dma_start3A_3 = tpu.memref_slice %arg2[%dma_start3A, %dma_start3A_1, %dma_start3A_2] : memref<26x32x100001xf32, #tpu.memory_space<hbm>> -> memref<1x32x100001xf32, #tpu.memory_space<hbm>>
    %dma_start3A_4 = tpu.memref_squeeze %dma_start3A_3 : memref<1x32x100001xf32, #tpu.memory_space<hbm>> -> memref<32x100001xf32, #tpu.memory_space<hbm>>
    %dma_start3A_5 = arith.constant 0 : i32
    %dma_start3A_6 = tpu.memref_slice %dma_start3A_4[%add3A, %dma_start3A_5] : memref<32x100001xf32, #tpu.memory_space<hbm>> -> memref<1x33408xf32, #tpu.memory_space<hbm>>
    %dma_start3A_7 = tpu.memref_squeeze %dma_start3A_6 : memref<1x33408xf32, #tpu.memory_space<hbm>> -> memref<33408xf32, #tpu.memory_space<hbm>>
    %dma_start3A_8 = arith.constant 0 : i32
    %dma_start3A_9 = arith.constant 0 : i32
    %dma_start3A_10 = tpu.memref_slice %arg2[%dma_start3A, %dma_start3A_8, %dma_start3A_9] : memref<26x32x100001xf32, #tpu.memory_space<hbm>> -> memref<1x32x100001xf32, #tpu.memory_space<hbm>>
    %dma_start3A_11 = tpu.memref_squeeze %dma_start3A_10 : memref<1x32x100001xf32, #tpu.memory_space<hbm>> -> memref<32x100001xf32, #tpu.memory_space<hbm>>
    %dma_start3A_12 = arith.constant 0 : i32
    %dma_start3A_13 = tpu.memref_slice %dma_start3A_11[%add3A, %dma_start3A_12] : memref<32x100001xf32, #tpu.memory_space<hbm>> -> memref<1x33408xf32, #tpu.memory_space<hbm>>
    %dma_start3A_14 = tpu.memref_squeeze %dma_start3A_13 : memref<1x33408xf32, #tpu.memory_space<hbm>> -> memref<33408xf32, #tpu.memory_space<hbm>>
    tpu.enqueue_dma source(%dma_start3A_14 : memref<33408xf32, #tpu.memory_space<hbm>>) target(%arg5 : memref<33408xf32, #tpu.memory_space<vmem>>) target_semaphore(%arg10 : memref<!tpu.dma_semaphore, #tpu.memory_space<semaphore_mem>>)
    %dma_start3A_15 = arith.constant 0 : i32
    %dma_start3A_16 = arith.constant 0 : i32
    %dma_start3A_17 = arith.constant 0 : i32
    %dma_start3A_18 = tpu.memref_slice %arg2[%dma_start3A_15, %dma_start3A_16, %dma_start3A_17] : memref<26x32x100001xf32, #tpu.memory_space<hbm>> -> memref<1x32x100001xf32, #tpu.memory_space<hbm>>
    %dma_start3A_19 = tpu.memref_squeeze %dma_start3A_18 : memref<1x32x100001xf32, #tpu.memory_space<hbm>> -> memref<32x100001xf32, #tpu.memory_space<hbm>>
    %dma_start3A_20 = arith.constant 33408 : i32
    %dma_start3A_21 = tpu.memref_slice %dma_start3A_19[%add3A, %dma_start3A_20] : memref<32x100001xf32, #tpu.memory_space<hbm>> -> memref<1x33408xf32, #tpu.memory_space<hbm>>
    %dma_start3A_22 = tpu.memref_squeeze %dma_start3A_21 : memref<1x33408xf32, #tpu.memory_space<hbm>> -> memref<33408xf32, #tpu.memory_space<hbm>>
    %dma_start3A_23 = arith.constant 0 : i32
    %dma_start3A_24 = arith.constant 0 : i32
    %dma_start3A_25 = tpu.memref_slice %arg2[%dma_start3A_15, %dma_start3A_23, %dma_start3A_24] : memref<26x32x100001xf32, #tpu.memory_space<hbm>> -> memref<1x32x100001xf32, #tpu.memory_space<hbm>>
    %dma_start3A_26 = tpu.memref_squeeze %dma_start3A_25 : memref<1x32x100001xf32, #tpu.memory_space<hbm>> -> memref<32x100001xf32, #tpu.memory_space<hbm>>
    %dma_start3A_27 = arith.constant 33408 : i32
    %dma_start3A_28 = tpu.memref_slice %dma_start3A_26[%add3A, %dma_start3A_27] : memref<32x100001xf32, #tpu.memory_space<hbm>> -> memref<1x33408xf32, #tpu.memory_space<hbm>>
    %dma_start3A_29 = tpu.memref_squeeze %dma_start3A_28 : memref<1x33408xf32, #tpu.memory_space<hbm>> -> memref<33408xf32, #tpu.memory_space<hbm>>
    tpu.enqueue_dma source(%dma_start3A_29 : memref<33408xf32, #tpu.memory_space<hbm>>) target(%arg6 : memref<33408xf32, #tpu.memory_space<vmem>>) target_semaphore(%arg11 : memref<!tpu.dma_semaphore, #tpu.memory_space<semaphore_mem>>)
    %dma_start3A_30 = arith.constant 0 : i32
    %dma_start3A_31 = arith.constant 0 : i32
    %dma_start3A_32 = arith.constant 0 : i32
    %dma_start3A_33 = tpu.memref_slice %arg2[%dma_start3A_30, %dma_start3A_31, %dma_start3A_32] : memref<26x32x100001xf32, #tpu.memory_space<hbm>> -> memref<1x32x100001xf32, #tpu.memory_space<hbm>>
    %dma_start3A_34 = tpu.memref_squeeze %dma_start3A_33 : memref<1x32x100001xf32, #tpu.memory_space<hbm>> -> memref<32x100001xf32, #tpu.memory_space<hbm>>
    %dma_start3A_35 = arith.constant 66816 : i32
    %dma_start3A_36 = tpu.memref_slice %dma_start3A_34[%add3A, %dma_start3A_35] : memref<32x100001xf32, #tpu.memory_space<hbm>> -> memref<1x33185xf32, #tpu.memory_space<hbm>>
    %dma_start3A_37 = tpu.memref_squeeze %dma_start3A_36 : memref<1x33185xf32, #tpu.memory_space<hbm>> -> memref<33185xf32, #tpu.memory_space<hbm>>
    %dma_start3A_38 = arith.constant 0 : i32
    %dma_start3A_39 = arith.constant 0 : i32
    %dma_start3A_40 = tpu.memref_slice %arg2[%dma_start3A_30, %dma_start3A_38, %dma_start3A_39] : memref<26x32x100001xf32, #tpu.memory_space<hbm>> -> memref<1x32x100001xf32, #tpu.memory_space<hbm>>
    %dma_start3A_41 = tpu.memref_squeeze %dma_start3A_40 : memref<1x32x100001xf32, #tpu.memory_space<hbm>> -> memref<32x100001xf32, #tpu.memory_space<hbm>>
    %dma_start3A_42 = arith.constant 66816 : i32
    %dma_start3A_43 = tpu.memref_slice %dma_start3A_41[%add3A, %dma_start3A_42] : memref<32x100001xf32, #tpu.memory_space<hbm>> -> memref<1x33185xf32, #tpu.memory_space<hbm>>
    %dma_start3A_44 = tpu.memref_squeeze %dma_start3A_43 : memref<1x33185xf32, #tpu.memory_space<hbm>> -> memref<33185xf32, #tpu.memory_space<hbm>>
    tpu.enqueue_dma source(%dma_start3A_44 : memref<33185xf32, #tpu.memory_space<hbm>>) target(%arg7 : memref<33185xf32, #tpu.memory_space<vmem>>) target_semaphore(%arg12 : memref<!tpu.dma_semaphore, #tpu.memory_space<semaphore_mem>>)
    %dma_start3A_45 = arith.constant 0 : i32
    %dma_start3A_46 = arith.constant 0 : i32
    %dma_start3A_47 = arith.constant 0 : i32
    %dma_start3A_48 = tpu.memref_slice %arg8[%dma_start3A_46, %dma_start3A_47] : memref<2x4096xi32, #tpu.memory_space<vmem>> -> memref<1x4096xi32, #tpu.memory_space<vmem>>
    %dma_start3A_49 = tpu.memref_squeeze %dma_start3A_48 : memref<1x4096xi32, #tpu.memory_space<vmem>> -> memref<4096xi32, #tpu.memory_space<vmem>>
    %dma_start3A_50 = arith.constant 0 : i32
    %dma_start3A_51 = tpu.memref_slice %arg3[%dma_start3A_45, %dma_start3A_50] : memref<26x16384xi32, #tpu.memory_space<hbm>> -> memref<1x4096xi32, #tpu.memory_space<hbm>>
    %dma_start3A_52 = tpu.memref_squeeze %dma_start3A_51 : memref<1x4096xi32, #tpu.memory_space<hbm>> -> memref<4096xi32, #tpu.memory_space<hbm>>
    %dma_start3A_53 = arith.constant 0 : i32
    %dma_start3A_54 = tpu.memref_slice %arg8[%dma_start3A_46, %dma_start3A_53] : memref<2x4096xi32, #tpu.memory_space<vmem>> -> memref<1x4096xi32, #tpu.memory_space<vmem>>
    %dma_start3A_55 = tpu.memref_squeeze %dma_start3A_54 : memref<1x4096xi32, #tpu.memory_space<vmem>> -> memref<4096xi32, #tpu.memory_space<vmem>>
    %dma_start3A_56 = arith.constant 0 : i32
    %dma_start3A_57 = tpu.memref_slice %arg3[%dma_start3A_45, %dma_start3A_56] : memref<26x16384xi32, #tpu.memory_space<hbm>> -> memref<1x4096xi32, #tpu.memory_space<hbm>>
    %dma_start3A_58 = tpu.memref_squeeze %dma_start3A_57 : memref<1x4096xi32, #tpu.memory_space<hbm>> -> memref<4096xi32, #tpu.memory_space<hbm>>
    tpu.enqueue_dma source(%dma_start3A_58 : memref<4096xi32, #tpu.memory_space<hbm>>) target(%dma_start3A_55 : memref<4096xi32, #tpu.memory_space<vmem>>) target_semaphore(%arg13 : memref<!tpu.dma_semaphore, #tpu.memory_space<semaphore_mem>>)
    %scan3A = arith.constant 0 : i32
    %scan3A_59 = arith.constant 26 : i32
    %scan3A_60 = arith.addi %scan3A, %scan3A_59 : i32
    %scan3A_61 = arith.constant 1 : i32
    scf.for %scan3A_63 = %scan3A to %scan3A_60 step %scan3A_61  : i32 {
      %mul3A_64 = arith.constant 1 : i32
      %mul3A_65 = arith.muli %scan3A_63, %mul3A_64 : i32
      %add3A_66 = arith.constant 0 : i32
      %add3A_67 = arith.addi %add3A_66, %mul3A_65 : i32
      %dma_wait3A = arith.constant 0 : i32
      %dma_wait3A_68 = arith.constant 0 : i32
      %dma_wait3A_69 = tpu.memref_slice %arg2[%add3A_67, %dma_wait3A, %dma_wait3A_68] : memref<26x32x100001xf32, #tpu.memory_space<hbm>> -> memref<1x32x100001xf32, #tpu.memory_space<hbm>>
      %dma_wait3A_70 = tpu.memref_squeeze %dma_wait3A_69 : memref<1x32x100001xf32, #tpu.memory_space<hbm>> -> memref<32x100001xf32, #tpu.memory_space<hbm>>
      %dma_wait3A_71 = arith.constant 0 : i32
      %dma_wait3A_72 = tpu.memref_slice %dma_wait3A_70[%add3A, %dma_wait3A_71] : memref<32x100001xf32, #tpu.memory_space<hbm>> -> memref<1x33408xf32, #tpu.memory_space<hbm>>
      %dma_wait3A_73 = tpu.memref_squeeze %dma_wait3A_72 : memref<1x33408xf32, #tpu.memory_space<hbm>> -> memref<33408xf32, #tpu.memory_space<hbm>>
      %dma_wait3A_74 = arith.constant 0 : i32
      %dma_wait3A_75 = arith.constant 0 : i32
      %dma_wait3A_76 = tpu.memref_slice %arg2[%add3A_67, %dma_wait3A_74, %dma_wait3A_75] : memref<26x32x100001xf32, #tpu.memory_space<hbm>> -> memref<1x32x100001xf32, #tpu.memory_space<hbm>>
      %dma_wait3A_77 = tpu.memref_squeeze %dma_wait3A_76 : memref<1x32x100001xf32, #tpu.memory_space<hbm>> -> memref<32x100001xf32, #tpu.memory_space<hbm>>
      %dma_wait3A_78 = arith.constant 0 : i32
      %dma_wait3A_79 = tpu.memref_slice %dma_wait3A_77[%add3A, %dma_wait3A_78] : memref<32x100001xf32, #tpu.memory_space<hbm>> -> memref<1x33408xf32, #tpu.memory_space<hbm>>
      %dma_wait3A_80 = tpu.memref_squeeze %dma_wait3A_79 : memref<1x33408xf32, #tpu.memory_space<hbm>> -> memref<33408xf32, #tpu.memory_space<hbm>>
      tpu.wait_dma2 semaphore(%arg10 : memref<!tpu.dma_semaphore, #tpu.memory_space<semaphore_mem>>) src(%dma_wait3A_80 : memref<33408xf32, #tpu.memory_space<hbm>>) dst(%arg5 : memref<33408xf32, #tpu.memory_space<vmem>>)
      %dma_wait3A_81 = arith.constant 0 : i32
      %dma_wait3A_82 = arith.constant 0 : i32
      %dma_wait3A_83 = tpu.memref_slice %arg2[%add3A_67, %dma_wait3A_81, %dma_wait3A_82] : memref<26x32x100001xf32, #tpu.memory_space<hbm>> -> memref<1x32x100001xf32, #tpu.memory_space<hbm>>
      %dma_wait3A_84 = tpu.memref_squeeze %dma_wait3A_83 : memref<1x32x100001xf32, #tpu.memory_space<hbm>> -> memref<32x100001xf32, #tpu.memory_space<hbm>>
      %dma_wait3A_85 = arith.constant 33408 : i32
      %dma_wait3A_86 = tpu.memref_slice %dma_wait3A_84[%add3A, %dma_wait3A_85] : memref<32x100001xf32, #tpu.memory_space<hbm>> -> memref<1x33408xf32, #tpu.memory_space<hbm>>
      %dma_wait3A_87 = tpu.memref_squeeze %dma_wait3A_86 : memref<1x33408xf32, #tpu.memory_space<hbm>> -> memref<33408xf32, #tpu.memory_space<hbm>>
      %dma_wait3A_88 = arith.constant 0 : i32
      %dma_wait3A_89 = arith.constant 0 : i32
      %dma_wait3A_90 = tpu.memref_slice %arg2[%add3A_67, %dma_wait3A_88, %dma_wait3A_89] : memref<26x32x100001xf32, #tpu.memory_space<hbm>> -> memref<1x32x100001xf32, #tpu.memory_space<hbm>>
      %dma_wait3A_91 = tpu.memref_squeeze %dma_wait3A_90 : memref<1x32x100001xf32, #tpu.memory_space<hbm>> -> memref<32x100001xf32, #tpu.memory_space<hbm>>
      %dma_wait3A_92 = arith.constant 33408 : i32
      %dma_wait3A_93 = tpu.memref_slice %dma_wait3A_91[%add3A, %dma_wait3A_92] : memref<32x100001xf32, #tpu.memory_space<hbm>> -> memref<1x33408xf32, #tpu.memory_space<hbm>>
      %dma_wait3A_94 = tpu.memref_squeeze %dma_wait3A_93 : memref<1x33408xf32, #tpu.memory_space<hbm>> -> memref<33408xf32, #tpu.memory_space<hbm>>
      tpu.wait_dma2 semaphore(%arg11 : memref<!tpu.dma_semaphore, #tpu.memory_space<semaphore_mem>>) src(%dma_wait3A_94 : memref<33408xf32, #tpu.memory_space<hbm>>) dst(%arg6 : memref<33408xf32, #tpu.memory_space<vmem>>)
      %dma_wait3A_95 = arith.constant 0 : i32
      %dma_wait3A_96 = arith.constant 0 : i32
      %dma_wait3A_97 = tpu.memref_slice %arg2[%add3A_67, %dma_wait3A_95, %dma_wait3A_96] : memref<26x32x100001xf32, #tpu.memory_space<hbm>> -> memref<1x32x100001xf32, #tpu.memory_space<hbm>>
      %dma_wait3A_98 = tpu.memref_squeeze %dma_wait3A_97 : memref<1x32x100001xf32, #tpu.memory_space<hbm>> -> memref<32x100001xf32, #tpu.memory_space<hbm>>
      %dma_wait3A_99 = arith.constant 66816 : i32
      %dma_wait3A_100 = tpu.memref_slice %dma_wait3A_98[%add3A, %dma_wait3A_99] : memref<32x100001xf32, #tpu.memory_space<hbm>> -> memref<1x33185xf32, #tpu.memory_space<hbm>>
      %dma_wait3A_101 = tpu.memref_squeeze %dma_wait3A_100 : memref<1x33185xf32, #tpu.memory_space<hbm>> -> memref<33185xf32, #tpu.memory_space<hbm>>
      %dma_wait3A_102 = arith.constant 0 : i32
      %dma_wait3A_103 = arith.constant 0 : i32
      %dma_wait3A_104 = tpu.memref_slice %arg2[%add3A_67, %dma_wait3A_102, %dma_wait3A_103] : memref<26x32x100001xf32, #tpu.memory_space<hbm>> -> memref<1x32x100001xf32, #tpu.memory_space<hbm>>
      %dma_wait3A_105 = tpu.memref_squeeze %dma_wait3A_104 : memref<1x32x100001xf32, #tpu.memory_space<hbm>> -> memref<32x100001xf32, #tpu.memory_space<hbm>>
      %dma_wait3A_106 = arith.constant 66816 : i32
      %dma_wait3A_107 = tpu.memref_slice %dma_wait3A_105[%add3A, %dma_wait3A_106] : memref<32x100001xf32, #tpu.memory_space<hbm>> -> memref<1x33185xf32, #tpu.memory_space<hbm>>
      %dma_wait3A_108 = tpu.memref_squeeze %dma_wait3A_107 : memref<1x33185xf32, #tpu.memory_space<hbm>> -> memref<33185xf32, #tpu.memory_space<hbm>>
      tpu.wait_dma2 semaphore(%arg12 : memref<!tpu.dma_semaphore, #tpu.memory_space<semaphore_mem>>) src(%dma_wait3A_108 : memref<33185xf32, #tpu.memory_space<hbm>>) dst(%arg7 : memref<33185xf32, #tpu.memory_space<vmem>>)
      %dma_wait3A_109 = arith.constant 0 : i32
      %dma_wait3A_110 = arith.constant 0 : i32
      %dma_wait3A_111 = tpu.memref_slice %arg8[%dma_wait3A_109, %dma_wait3A_110] : memref<2x4096xi32, #tpu.memory_space<vmem>> -> memref<1x4096xi32, #tpu.memory_space<vmem>>
      %dma_wait3A_112 = tpu.memref_squeeze %dma_wait3A_111 : memref<1x4096xi32, #tpu.memory_space<vmem>> -> memref<4096xi32, #tpu.memory_space<vmem>>
      %dma_wait3A_113 = arith.constant 0 : i32
      %dma_wait3A_114 = tpu.memref_slice %arg3[%add3A_67, %dma_wait3A_113] : memref<26x16384xi32, #tpu.memory_space<hbm>> -> memref<1x4096xi32, #tpu.memory_space<hbm>>
      %dma_wait3A_115 = tpu.memref_squeeze %dma_wait3A_114 : memref<1x4096xi32, #tpu.memory_space<hbm>> -> memref<4096xi32, #tpu.memory_space<hbm>>
      %dma_wait3A_116 = arith.constant 0 : i32
      %dma_wait3A_117 = tpu.memref_slice %arg8[%dma_wait3A_109, %dma_wait3A_116] : memref<2x4096xi32, #tpu.memory_space<vmem>> -> memref<1x4096xi32, #tpu.memory_space<vmem>>
      %dma_wait3A_118 = tpu.memref_squeeze %dma_wait3A_117 : memref<1x4096xi32, #tpu.memory_space<vmem>> -> memref<4096xi32, #tpu.memory_space<vmem>>
      %dma_wait3A_119 = arith.constant 0 : i32
      %dma_wait3A_120 = tpu.memref_slice %arg3[%add3A_67, %dma_wait3A_119] : memref<26x16384xi32, #tpu.memory_space<hbm>> -> memref<1x4096xi32, #tpu.memory_space<hbm>>
      %dma_wait3A_121 = tpu.memref_squeeze %dma_wait3A_120 : memref<1x4096xi32, #tpu.memory_space<hbm>> -> memref<4096xi32, #tpu.memory_space<hbm>>
      tpu.wait_dma2 semaphore(%arg13 : memref<!tpu.dma_semaphore, #tpu.memory_space<semaphore_mem>>) src(%dma_wait3A_121 : memref<4096xi32, #tpu.memory_space<hbm>>) dst(%dma_wait3A_118 : memref<4096xi32, #tpu.memory_space<vmem>>)
      %dma_start3A_122 = arith.constant 1 : i32
      %dma_start3A_123 = arith.constant 0 : i32
      %dma_start3A_124 = tpu.memref_slice %arg8[%dma_start3A_122, %dma_start3A_123] : memref<2x4096xi32, #tpu.memory_space<vmem>> -> memref<1x4096xi32, #tpu.memory_space<vmem>>
      %dma_start3A_125 = tpu.memref_squeeze %dma_start3A_124 : memref<1x4096xi32, #tpu.memory_space<vmem>> -> memref<4096xi32, #tpu.memory_space<vmem>>
      %dma_start3A_126 = arith.constant 4096 : i32
      %dma_start3A_127 = tpu.memref_slice %arg3[%add3A_67, %dma_start3A_126] : memref<26x16384xi32, #tpu.memory_space<hbm>> -> memref<1x4096xi32, #tpu.memory_space<hbm>>
      %dma_start3A_128 = tpu.memref_squeeze %dma_start3A_127 : memref<1x4096xi32, #tpu.memory_space<hbm>> -> memref<4096xi32, #tpu.memory_space<hbm>>
      %dma_start3A_129 = arith.constant 0 : i32
      %dma_start3A_130 = tpu.memref_slice %arg8[%dma_start3A_122, %dma_start3A_129] : memref<2x4096xi32, #tpu.memory_space<vmem>> -> memref<1x4096xi32, #tpu.memory_space<vmem>>
      %dma_start3A_131 = tpu.memref_squeeze %dma_start3A_130 : memref<1x4096xi32, #tpu.memory_space<vmem>> -> memref<4096xi32, #tpu.memory_space<vmem>>
      %dma_start3A_132 = arith.constant 4096 : i32
      %dma_start3A_133 = tpu.memref_slice %arg3[%add3A_67, %dma_start3A_132] : memref<26x16384xi32, #tpu.memory_space<hbm>> -> memref<1x4096xi32, #tpu.memory_space<hbm>>
      %dma_start3A_134 = tpu.memref_squeeze %dma_start3A_133 : memref<1x4096xi32, #tpu.memory_space<hbm>> -> memref<4096xi32, #tpu.memory_space<hbm>>
      tpu.enqueue_dma source(%dma_start3A_134 : memref<4096xi32, #tpu.memory_space<hbm>>) target(%dma_start3A_131 : memref<4096xi32, #tpu.memory_space<vmem>>) target_semaphore(%arg13 : memref<!tpu.dma_semaphore, #tpu.memory_space<semaphore_mem>>)
      %scan3A_135 = arith.constant 0 : i32
      %scan3A_136 = arith.constant 256 : i32
      %scan3A_137 = arith.addi %scan3A_135, %scan3A_136 : i32
      %scan3A_138 = arith.constant 4 : i32
      scf.for %scan3A_453 = %scan3A_135 to %scan3A_137 step %scan3A_138  : i32 {
        %mul3A_454 = arith.constant 1 : i32
        %mul3A_455 = arith.muli %scan3A_453, %mul3A_454 : i32
        %add3A_456 = arith.constant 0 : i32
        %add3A_457 = arith.addi %add3A_456, %mul3A_455 : i32
        %mul3A_458 = arith.constant 16 : i32
        %mul3A_459 = arith.muli %add3A_457, %mul3A_458 : i32
        %get3A = arith.constant 0 : i32
        %get3A_460 = arith.index_cast %get3A : i32 to index
        %get3A_461 = arith.index_cast %mul3A_459 : i32 to index
        %get3A_462 = tpu.vector_load %arg8[%get3A_460, %get3A_461] {strides = array<i32>} : memref<2x4096xi32, #tpu.memory_space<vmem>>, vector<16xi32>,
        %lt3A_463 = arith.constant 33408 : i32
        %lt3A_464 = vector.broadcast %lt3A_463 : i32 to vector<16xi32>
        %lt3A_465 = arith.cmpi slt, %get3A_462, %lt3A_464 : vector<16xi32>
        %sub3A = arith.constant 0 : i32
        %sub3A_466 = vector.broadcast %sub3A : i32 to vector<16xi32>
        %sub3A_467 = arith.subi %get3A_462, %sub3A_466 : vector<16xi32>
        %gather3A = tpu.vector_load_idx %arg5[%sub3A_467] masked %lt3A_465 : memref<33408xf32, #tpu.memory_space<vmem>>[vector<16xi32>], vector<16xf32>, vector<16xi1>
        %broadcast_in_dim3A = arith.constant 0.000000e+00 : f32
        %broadcast_in_dim3A_468 = vector.broadcast %broadcast_in_dim3A : f32 to vector<16xf32>
        %select_n3A = arith.select %lt3A_465, %gather3A, %broadcast_in_dim3A_468 : vector<16xi1>, vector<16xf32>
        %mul3A_469 = arith.constant 16 : i32
        %mul3A_470 = arith.muli %add3A_457, %mul3A_469 : i32
        %swap3A = arith.constant 0 : i32
        %swap3A_471 = arith.index_cast %swap3A : i32 to index
        %swap3A_472 = arith.index_cast %mul3A_470 : i32 to index
        %swap3A_473 = tpu.vector_load %arg9[%swap3A_471, %swap3A_472] {strides = array<i32>} : memref<2x4096xf32, #tpu.memory_space<vmem>>, vector<16xf32>,
        tpu.vector_store %arg9[%swap3A_471, %swap3A_472], %select_n3A {strides = array<i32>} : memref<2x4096xf32, #tpu.memory_space<vmem>>, vector<16xf32>,
        %scan3A_474 = arith.constant 1 : i32
        %scan3A_475 = arith.addi %scan3A_453, %scan3A_474 : i32
        %mul3A_476 = arith.constant 1 : i32
        %mul3A_477 = arith.muli %scan3A_475, %mul3A_476 : i32
        %add3A_478 = arith.constant 0 : i32
        %add3A_479 = arith.addi %add3A_478, %mul3A_477 : i32
        %mul3A_480 = arith.constant 16 : i32
        %mul3A_481 = arith.muli %add3A_479, %mul3A_480 : i32
        %get3A_482 = arith.constant 0 : i32
        %get3A_483 = arith.index_cast %get3A_482 : i32 to index
        %get3A_484 = arith.index_cast %mul3A_481 : i32 to index
        %get3A_485 = tpu.vector_load %arg8[%get3A_483, %get3A_484] {strides = array<i32>} : memref<2x4096xi32, #tpu.memory_space<vmem>>, vector<16xi32>,
        %lt3A_486 = arith.constant 33408 : i32
        %lt3A_487 = vector.broadcast %lt3A_486 : i32 to vector<16xi32>
        %lt3A_488 = arith.cmpi slt, %get3A_485, %lt3A_487 : vector<16xi32>
        %sub3A_489 = arith.constant 0 : i32
        %sub3A_490 = vector.broadcast %sub3A_489 : i32 to vector<16xi32>
        %sub3A_491 = arith.subi %get3A_485, %sub3A_490 : vector<16xi32>
        %gather3A_492 = tpu.vector_load_idx %arg5[%sub3A_491] masked %lt3A_488 : memref<33408xf32, #tpu.memory_space<vmem>>[vector<16xi32>], vector<16xf32>, vector<16xi1>
        %broadcast_in_dim3A_493 = arith.constant 0.000000e+00 : f32
        %broadcast_in_dim3A_494 = vector.broadcast %broadcast_in_dim3A_493 : f32 to vector<16xf32>
        %select_n3A_495 = arith.select %lt3A_488, %gather3A_492, %broadcast_in_dim3A_494 : vector<16xi1>, vector<16xf32>
        %mul3A_496 = arith.constant 16 : i32
        %mul3A_497 = arith.muli %add3A_479, %mul3A_496 : i32
        %swap3A_498 = arith.constant 0 : i32
        %swap3A_499 = arith.index_cast %swap3A_498 : i32 to index
        %swap3A_500 = arith.index_cast %mul3A_497 : i32 to index
        %swap3A_501 = tpu.vector_load %arg9[%swap3A_499, %swap3A_500] {strides = array<i32>} : memref<2x4096xf32, #tpu.memory_space<vmem>>, vector<16xf32>,
        tpu.vector_store %arg9[%swap3A_499, %swap3A_500], %select_n3A_495 {strides = array<i32>} : memref<2x4096xf32, #tpu.memory_space<vmem>>, vector<16xf32>,
        %scan3A_502 = arith.constant 2 : i32
        %scan3A_503 = arith.addi %scan3A_453, %scan3A_502 : i32
        %mul3A_504 = arith.constant 1 : i32
        %mul3A_505 = arith.muli %scan3A_503, %mul3A_504 : i32
        %add3A_506 = arith.constant 0 : i32
        %add3A_507 = arith.addi %add3A_506, %mul3A_505 : i32
        %mul3A_508 = arith.constant 16 : i32
        %mul3A_509 = arith.muli %add3A_507, %mul3A_508 : i32
        %get3A_510 = arith.constant 0 : i32
        %get3A_511 = arith.index_cast %get3A_510 : i32 to index
        %get3A_512 = arith.index_cast %mul3A_509 : i32 to index
        %get3A_513 = tpu.vector_load %arg8[%get3A_511, %get3A_512] {strides = array<i32>} : memref<2x4096xi32, #tpu.memory_space<vmem>>, vector<16xi32>,
        %lt3A_514 = arith.constant 33408 : i32
        %lt3A_515 = vector.broadcast %lt3A_514 : i32 to vector<16xi32>
        %lt3A_516 = arith.cmpi slt, %get3A_513, %lt3A_515 : vector<16xi32>
        %sub3A_517 = arith.constant 0 : i32
        %sub3A_518 = vector.broadcast %sub3A_517 : i32 to vector<16xi32>
        %sub3A_519 = arith.subi %get3A_513, %sub3A_518 : vector<16xi32>
        %gather3A_520 = tpu.vector_load_idx %arg5[%sub3A_519] masked %lt3A_516 : memref<33408xf32, #tpu.memory_space<vmem>>[vector<16xi32>], vector<16xf32>, vector<16xi1>
        %broadcast_in_dim3A_521 = arith.constant 0.000000e+00 : f32
        %broadcast_in_dim3A_522 = vector.broadcast %broadcast_in_dim3A_521 : f32 to vector<16xf32>
        %select_n3A_523 = arith.select %lt3A_516, %gather3A_520, %broadcast_in_dim3A_522 : vector<16xi1>, vector<16xf32>
        %mul3A_524 = arith.constant 16 : i32
        %mul3A_525 = arith.muli %add3A_507, %mul3A_524 : i32
        %swap3A_526 = arith.constant 0 : i32
        %swap3A_527 = arith.index_cast %swap3A_526 : i32 to index
        %swap3A_528 = arith.index_cast %mul3A_525 : i32 to index
        %swap3A_529 = tpu.vector_load %arg9[%swap3A_527, %swap3A_528] {strides = array<i32>} : memref<2x4096xf32, #tpu.memory_space<vmem>>, vector<16xf32>,
        tpu.vector_store %arg9[%swap3A_527, %swap3A_528], %select_n3A_523 {strides = array<i32>} : memref<2x4096xf32, #tpu.memory_space<vmem>>, vector<16xf32>,
        %scan3A_530 = arith.constant 3 : i32
        %scan3A_531 = arith.addi %scan3A_453, %scan3A_530 : i32
        %mul3A_532 = arith.constant 1 : i32
        %mul3A_533 = arith.muli %scan3A_531, %mul3A_532 : i32
        %add3A_534 = arith.constant 0 : i32
        %add3A_535 = arith.addi %add3A_534, %mul3A_533 : i32
        %mul3A_536 = arith.constant 16 : i32
        %mul3A_537 = arith.muli %add3A_535, %mul3A_536 : i32
        %get3A_538 = arith.constant 0 : i32
        %get3A_539 = arith.index_cast %get3A_538 : i32 to index
        %get3A_540 = arith.index_cast %mul3A_537 : i32 to index
        %get3A_541 = tpu.vector_load %arg8[%get3A_539, %get3A_540] {strides = array<i32>} : memref<2x4096xi32, #tpu.memory_space<vmem>>, vector<16xi32>,
        %lt3A_542 = arith.constant 33408 : i32
        %lt3A_543 = vector.broadcast %lt3A_542 : i32 to vector<16xi32>
        %lt3A_544 = arith.cmpi slt, %get3A_541, %lt3A_543 : vector<16xi32>
        %sub3A_545 = arith.constant 0 : i32
        %sub3A_546 = vector.broadcast %sub3A_545 : i32 to vector<16xi32>
        %sub3A_547 = arith.subi %get3A_541, %sub3A_546 : vector<16xi32>
        %gather3A_548 = tpu.vector_load_idx %arg5[%sub3A_547] masked %lt3A_544 : memref<33408xf32, #tpu.memory_space<vmem>>[vector<16xi32>], vector<16xf32>, vector<16xi1>
        %broadcast_in_dim3A_549 = arith.constant 0.000000e+00 : f32
        %broadcast_in_dim3A_550 = vector.broadcast %broadcast_in_dim3A_549 : f32 to vector<16xf32>
        %select_n3A_551 = arith.select %lt3A_544, %gather3A_548, %broadcast_in_dim3A_550 : vector<16xi1>, vector<16xf32>
        %mul3A_552 = arith.constant 16 : i32
        %mul3A_553 = arith.muli %add3A_535, %mul3A_552 : i32
        %swap3A_554 = arith.constant 0 : i32
        %swap3A_555 = arith.index_cast %swap3A_554 : i32 to index
        %swap3A_556 = arith.index_cast %mul3A_553 : i32 to index
        %swap3A_557 = tpu.vector_load %arg9[%swap3A_555, %swap3A_556] {strides = array<i32>} : memref<2x4096xf32, #tpu.memory_space<vmem>>, vector<16xf32>,
        tpu.vector_store %arg9[%swap3A_555, %swap3A_556], %select_n3A_551 {strides = array<i32>} : memref<2x4096xf32, #tpu.memory_space<vmem>>, vector<16xf32>,
      }
      %scan3A_139 = arith.constant 256 : i32
      %scan3A_140 = arith.constant 0 : i32
      %scan3A_141 = arith.constant 256 : i32
      %scan3A_142 = arith.addi %scan3A_140, %scan3A_141 : i32
      %scan3A_143 = arith.constant 4 : i32
      scf.for %scan3A_453 = %scan3A_140 to %scan3A_142 step %scan3A_143  : i32 {
        %mul3A_454 = arith.constant 1 : i32
        %mul3A_455 = arith.muli %scan3A_453, %mul3A_454 : i32
        %add3A_456 = arith.constant 0 : i32
        %add3A_457 = arith.addi %add3A_456, %mul3A_455 : i32
        %mul3A_458 = arith.constant 16 : i32
        %mul3A_459 = arith.muli %add3A_457, %mul3A_458 : i32
        %get3A = arith.constant 0 : i32
        %get3A_460 = arith.index_cast %get3A : i32 to index
        %get3A_461 = arith.index_cast %mul3A_459 : i32 to index
        %get3A_462 = tpu.vector_load %arg8[%get3A_460, %get3A_461] {strides = array<i32>} : memref<2x4096xi32, #tpu.memory_space<vmem>>, vector<16xi32>,
        %ge3A = arith.constant 33408 : i32
        %ge3A_463 = vector.broadcast %ge3A : i32 to vector<16xi32>
        %ge3A_464 = arith.cmpi sge, %get3A_462, %ge3A_463 : vector<16xi32>
        %lt3A_465 = arith.constant 66816 : i32
        %lt3A_466 = vector.broadcast %lt3A_465 : i32 to vector<16xi32>
        %lt3A_467 = arith.cmpi slt, %get3A_462, %lt3A_466 : vector<16xi32>
        %and3A = arith.andi %ge3A_464, %lt3A_467 : vector<16xi1>
        %sub3A = arith.constant 33408 : i32
        %sub3A_468 = vector.broadcast %sub3A : i32 to vector<16xi32>
        %sub3A_469 = arith.subi %get3A_462, %sub3A_468 : vector<16xi32>
        %gather3A = tpu.vector_load_idx %arg6[%sub3A_469] masked %and3A : memref<33408xf32, #tpu.memory_space<vmem>>[vector<16xi32>], vector<16xf32>, vector<16xi1>
        %mul3A_470 = arith.constant 16 : i32
        %mul3A_471 = arith.muli %add3A_457, %mul3A_470 : i32
        %get3A_472 = arith.constant 0 : i32
        %get3A_473 = arith.index_cast %get3A_472 : i32 to index
        %get3A_474 = arith.index_cast %mul3A_471 : i32 to index
        %get3A_475 = tpu.vector_load %arg9[%get3A_473, %get3A_474] {strides = array<i32>} : memref<2x4096xf32, #tpu.memory_space<vmem>>, vector<16xf32>,
        %select_n3A = arith.select %and3A, %gather3A, %get3A_475 : vector<16xi1>, vector<16xf32>
        %mul3A_476 = arith.constant 16 : i32
        %mul3A_477 = arith.muli %add3A_457, %mul3A_476 : i32
        %swap3A = arith.constant 0 : i32
        %swap3A_478 = arith.index_cast %swap3A : i32 to index
        %swap3A_479 = arith.index_cast %mul3A_477 : i32 to index
        %swap3A_480 = tpu.vector_load %arg9[%swap3A_478, %swap3A_479] {strides = array<i32>} : memref<2x4096xf32, #tpu.memory_space<vmem>>, vector<16xf32>,
        tpu.vector_store %arg9[%swap3A_478, %swap3A_479], %select_n3A {strides = array<i32>} : memref<2x4096xf32, #tpu.memory_space<vmem>>, vector<16xf32>,
        %scan3A_481 = arith.constant 1 : i32
        %scan3A_482 = arith.addi %scan3A_453, %scan3A_481 : i32
        %mul3A_483 = arith.constant 1 : i32
        %mul3A_484 = arith.muli %scan3A_482, %mul3A_483 : i32
        %add3A_485 = arith.constant 0 : i32
        %add3A_486 = arith.addi %add3A_485, %mul3A_484 : i32
        %mul3A_487 = arith.constant 16 : i32
        %mul3A_488 = arith.muli %add3A_486, %mul3A_487 : i32
        %get3A_489 = arith.constant 0 : i32
        %get3A_490 = arith.index_cast %get3A_489 : i32 to index
        %get3A_491 = arith.index_cast %mul3A_488 : i32 to index
        %get3A_492 = tpu.vector_load %arg8[%get3A_490, %get3A_491] {strides = array<i32>} : memref<2x4096xi32, #tpu.memory_space<vmem>>, vector<16xi32>,
        %ge3A_493 = arith.constant 33408 : i32
        %ge3A_494 = vector.broadcast %ge3A_493 : i32 to vector<16xi32>
        %ge3A_495 = arith.cmpi sge, %get3A_492, %ge3A_494 : vector<16xi32>
        %lt3A_496 = arith.constant 66816 : i32
        %lt3A_497 = vector.broadcast %lt3A_496 : i32 to vector<16xi32>
        %lt3A_498 = arith.cmpi slt, %get3A_492, %lt3A_497 : vector<16xi32>
        %and3A_499 = arith.andi %ge3A_495, %lt3A_498 : vector<16xi1>
        %sub3A_500 = arith.constant 33408 : i32
        %sub3A_501 = vector.broadcast %sub3A_500 : i32 to vector<16xi32>
        %sub3A_502 = arith.subi %get3A_492, %sub3A_501 : vector<16xi32>
        %gather3A_503 = tpu.vector_load_idx %arg6[%sub3A_502] masked %and3A_499 : memref<33408xf32, #tpu.memory_space<vmem>>[vector<16xi32>], vector<16xf32>, vector<16xi1>
        %mul3A_504 = arith.constant 16 : i32
        %mul3A_505 = arith.muli %add3A_486, %mul3A_504 : i32
        %get3A_506 = arith.constant 0 : i32
        %get3A_507 = arith.index_cast %get3A_506 : i32 to index
        %get3A_508 = arith.index_cast %mul3A_505 : i32 to index
        %get3A_509 = tpu.vector_load %arg9[%get3A_507, %get3A_508] {strides = array<i32>} : memref<2x4096xf32, #tpu.memory_space<vmem>>, vector<16xf32>,
        %select_n3A_510 = arith.select %and3A_499, %gather3A_503, %get3A_509 : vector<16xi1>, vector<16xf32>
        %mul3A_511 = arith.constant 16 : i32
        %mul3A_512 = arith.muli %add3A_486, %mul3A_511 : i32
        %swap3A_513 = arith.constant 0 : i32
        %swap3A_514 = arith.index_cast %swap3A_513 : i32 to index
        %swap3A_515 = arith.index_cast %mul3A_512 : i32 to index
        %swap3A_516 = tpu.vector_load %arg9[%swap3A_514, %swap3A_515] {strides = array<i32>} : memref<2x4096xf32, #tpu.memory_space<vmem>>, vector<16xf32>,
        tpu.vector_store %arg9[%swap3A_514, %swap3A_515], %select_n3A_510 {strides = array<i32>} : memref<2x4096xf32, #tpu.memory_space<vmem>>, vector<16xf32>,
        %scan3A_517 = arith.constant 2 : i32
        %scan3A_518 = arith.addi %scan3A_453, %scan3A_517 : i32
        %mul3A_519 = arith.constant 1 : i32
        %mul3A_520 = arith.muli %scan3A_518, %mul3A_519 : i32
        %add3A_521 = arith.constant 0 : i32
        %add3A_522 = arith.addi %add3A_521, %mul3A_520 : i32
        %mul3A_523 = arith.constant 16 : i32
        %mul3A_524 = arith.muli %add3A_522, %mul3A_523 : i32
        %get3A_525 = arith.constant 0 : i32
        %get3A_526 = arith.index_cast %get3A_525 : i32 to index
        %get3A_527 = arith.index_cast %mul3A_524 : i32 to index
        %get3A_528 = tpu.vector_load %arg8[%get3A_526, %get3A_527] {strides = array<i32>} : memref<2x4096xi32, #tpu.memory_space<vmem>>, vector<16xi32>,
        %ge3A_529 = arith.constant 33408 : i32
        %ge3A_530 = vector.broadcast %ge3A_529 : i32 to vector<16xi32>
        %ge3A_531 = arith.cmpi sge, %get3A_528, %ge3A_530 : vector<16xi32>
        %lt3A_532 = arith.constant 66816 : i32
        %lt3A_533 = vector.broadcast %lt3A_532 : i32 to vector<16xi32>
        %lt3A_534 = arith.cmpi slt, %get3A_528, %lt3A_533 : vector<16xi32>
        %and3A_535 = arith.andi %ge3A_531, %lt3A_534 : vector<16xi1>
        %sub3A_536 = arith.constant 33408 : i32
        %sub3A_537 = vector.broadcast %sub3A_536 : i32 to vector<16xi32>
        %sub3A_538 = arith.subi %get3A_528, %sub3A_537 : vector<16xi32>
        %gather3A_539 = tpu.vector_load_idx %arg6[%sub3A_538] masked %and3A_535 : memref<33408xf32, #tpu.memory_space<vmem>>[vector<16xi32>], vector<16xf32>, vector<16xi1>
        %mul3A_540 = arith.constant 16 : i32
        %mul3A_541 = arith.muli %add3A_522, %mul3A_540 : i32
        %get3A_542 = arith.constant 0 : i32
        %get3A_543 = arith.index_cast %get3A_542 : i32 to index
        %get3A_544 = arith.index_cast %mul3A_541 : i32 to index
        %get3A_545 = tpu.vector_load %arg9[%get3A_543, %get3A_544] {strides = array<i32>} : memref<2x4096xf32, #tpu.memory_space<vmem>>, vector<16xf32>,
        %select_n3A_546 = arith.select %and3A_535, %gather3A_539, %get3A_545 : vector<16xi1>, vector<16xf32>
        %mul3A_547 = arith.constant 16 : i32
        %mul3A_548 = arith.muli %add3A_522, %mul3A_547 : i32
        %swap3A_549 = arith.constant 0 : i32
        %swap3A_550 = arith.index_cast %swap3A_549 : i32 to index
        %swap3A_551 = arith.index_cast %mul3A_548 : i32 to index
        %swap3A_552 = tpu.vector_load %arg9[%swap3A_550, %swap3A_551] {strides = array<i32>} : memref<2x4096xf32, #tpu.memory_space<vmem>>, vector<16xf32>,
        tpu.vector_store %arg9[%swap3A_550, %swap3A_551], %select_n3A_546 {strides = array<i32>} : memref<2x4096xf32, #tpu.memory_space<vmem>>, vector<16xf32>,
        %scan3A_553 = arith.constant 3 : i32
        %scan3A_554 = arith.addi %scan3A_453, %scan3A_553 : i32
        %mul3A_555 = arith.constant 1 : i32
        %mul3A_556 = arith.muli %scan3A_554, %mul3A_555 : i32
        %add3A_557 = arith.constant 0 : i32
        %add3A_558 = arith.addi %add3A_557, %mul3A_556 : i32
        %mul3A_559 = arith.constant 16 : i32
        %mul3A_560 = arith.muli %add3A_558, %mul3A_559 : i32
        %get3A_561 = arith.constant 0 : i32
        %get3A_562 = arith.index_cast %get3A_561 : i32 to index
        %get3A_563 = arith.index_cast %mul3A_560 : i32 to index
        %get3A_564 = tpu.vector_load %arg8[%get3A_562, %get3A_563] {strides = array<i32>} : memref<2x4096xi32, #tpu.memory_space<vmem>>, vector<16xi32>,
        %ge3A_565 = arith.constant 33408 : i32
        %ge3A_566 = vector.broadcast %ge3A_565 : i32 to vector<16xi32>
        %ge3A_567 = arith.cmpi sge, %get3A_564, %ge3A_566 : vector<16xi32>
        %lt3A_568 = arith.constant 66816 : i32
        %lt3A_569 = vector.broadcast %lt3A_568 : i32 to vector<16xi32>
        %lt3A_570 = arith.cmpi slt, %get3A_564, %lt3A_569 : vector<16xi32>
        %and3A_571 = arith.andi %ge3A_567, %lt3A_570 : vector<16xi1>
        %sub3A_572 = arith.constant 33408 : i32
        %sub3A_573 = vector.broadcast %sub3A_572 : i32 to vector<16xi32>
        %sub3A_574 = arith.subi %get3A_564, %sub3A_573 : vector<16xi32>
        %gather3A_575 = tpu.vector_load_idx %arg6[%sub3A_574] masked %and3A_571 : memref<33408xf32, #tpu.memory_space<vmem>>[vector<16xi32>], vector<16xf32>, vector<16xi1>
        %mul3A_576 = arith.constant 16 : i32
        %mul3A_577 = arith.muli %add3A_558, %mul3A_576 : i32
        %get3A_578 = arith.constant 0 : i32
        %get3A_579 = arith.index_cast %get3A_578 : i32 to index
        %get3A_580 = arith.index_cast %mul3A_577 : i32 to index
        %get3A_581 = tpu.vector_load %arg9[%get3A_579, %get3A_580] {strides = array<i32>} : memref<2x4096xf32, #tpu.memory_space<vmem>>, vector<16xf32>,
        %select_n3A_582 = arith.select %and3A_571, %gather3A_575, %get3A_581 : vector<16xi1>, vector<16xf32>
        %mul3A_583 = arith.constant 16 : i32
        %mul3A_584 = arith.muli %add3A_558, %mul3A_583 : i32
        %swap3A_585 = arith.constant 0 : i32
        %swap3A_586 = arith.index_cast %swap3A_585 : i32 to index
        %swap3A_587 = arith.index_cast %mul3A_584 : i32 to index
        %swap3A_588 = tpu.vector_load %arg9[%swap3A_586, %swap3A_587] {strides = array<i32>} : memref<2x4096xf32, #tpu.memory_space<vmem>>, vector<16xf32>,
        tpu.vector_store %arg9[%swap3A_586, %swap3A_587], %select_n3A_582 {strides = array<i32>} : memref<2x4096xf32, #tpu.memory_space<vmem>>, vector<16xf32>,
      }
      %scan3A_144 = arith.constant 256 : i32
      %scan3A_145 = arith.constant 0 : i32
      %scan3A_146 = arith.constant 256 : i32
      %scan3A_147 = arith.addi %scan3A_145, %scan3A_146 : i32
      %scan3A_148 = arith.constant 4 : i32
      scf.for %scan3A_453 = %scan3A_145 to %scan3A_147 step %scan3A_148  : i32 {
        %mul3A_454 = arith.constant 1 : i32
        %mul3A_455 = arith.muli %scan3A_453, %mul3A_454 : i32
        %add3A_456 = arith.constant 0 : i32
        %add3A_457 = arith.addi %add3A_456, %mul3A_455 : i32
        %mul3A_458 = arith.constant 16 : i32
        %mul3A_459 = arith.muli %add3A_457, %mul3A_458 : i32
        %get3A = arith.constant 0 : i32
        %get3A_460 = arith.index_cast %get3A : i32 to index
        %get3A_461 = arith.index_cast %mul3A_459 : i32 to index
        %get3A_462 = tpu.vector_load %arg8[%get3A_460, %get3A_461] {strides = array<i32>} : memref<2x4096xi32, #tpu.memory_space<vmem>>, vector<16xi32>,
        %ge3A = arith.constant 66816 : i32
        %ge3A_463 = vector.broadcast %ge3A : i32 to vector<16xi32>
        %ge3A_464 = arith.cmpi sge, %get3A_462, %ge3A_463 : vector<16xi32>
        %sub3A = arith.constant 66816 : i32
        %sub3A_465 = vector.broadcast %sub3A : i32 to vector<16xi32>
        %sub3A_466 = arith.subi %get3A_462, %sub3A_465 : vector<16xi32>
        %gather3A = tpu.vector_load_idx %arg7[%sub3A_466] masked %ge3A_464 : memref<33185xf32, #tpu.memory_space<vmem>>[vector<16xi32>], vector<16xf32>, vector<16xi1>
        %mul3A_467 = arith.constant 16 : i32
        %mul3A_468 = arith.muli %add3A_457, %mul3A_467 : i32
        %get3A_469 = arith.constant 0 : i32
        %get3A_470 = arith.index_cast %get3A_469 : i32 to index
        %get3A_471 = arith.index_cast %mul3A_468 : i32 to index
        %get3A_472 = tpu.vector_load %arg9[%get3A_470, %get3A_471] {strides = array<i32>} : memref<2x4096xf32, #tpu.memory_space<vmem>>, vector<16xf32>,
        %select_n3A = arith.select %ge3A_464, %gather3A, %get3A_472 : vector<16xi1>, vector<16xf32>
        %mul3A_473 = arith.constant 16 : i32
        %mul3A_474 = arith.muli %add3A_457, %mul3A_473 : i32
        %swap3A = arith.constant 0 : i32
        %swap3A_475 = arith.index_cast %swap3A : i32 to index
        %swap3A_476 = arith.index_cast %mul3A_474 : i32 to index
        %swap3A_477 = tpu.vector_load %arg9[%swap3A_475, %swap3A_476] {strides = array<i32>} : memref<2x4096xf32, #tpu.memory_space<vmem>>, vector<16xf32>,
        tpu.vector_store %arg9[%swap3A_475, %swap3A_476], %select_n3A {strides = array<i32>} : memref<2x4096xf32, #tpu.memory_space<vmem>>, vector<16xf32>,
        %scan3A_478 = arith.constant 1 : i32
        %scan3A_479 = arith.addi %scan3A_453, %scan3A_478 : i32
        %mul3A_480 = arith.constant 1 : i32
        %mul3A_481 = arith.muli %scan3A_479, %mul3A_480 : i32
        %add3A_482 = arith.constant 0 : i32
        %add3A_483 = arith.addi %add3A_482, %mul3A_481 : i32
        %mul3A_484 = arith.constant 16 : i32
        %mul3A_485 = arith.muli %add3A_483, %mul3A_484 : i32
        %get3A_486 = arith.constant 0 : i32
        %get3A_487 = arith.index_cast %get3A_486 : i32 to index
        %get3A_488 = arith.index_cast %mul3A_485 : i32 to index
        %get3A_489 = tpu.vector_load %arg8[%get3A_487, %get3A_488] {strides = array<i32>} : memref<2x4096xi32, #tpu.memory_space<vmem>>, vector<16xi32>,
        %ge3A_490 = arith.constant 66816 : i32
        %ge3A_491 = vector.broadcast %ge3A_490 : i32 to vector<16xi32>
        %ge3A_492 = arith.cmpi sge, %get3A_489, %ge3A_491 : vector<16xi32>
        %sub3A_493 = arith.constant 66816 : i32
        %sub3A_494 = vector.broadcast %sub3A_493 : i32 to vector<16xi32>
        %sub3A_495 = arith.subi %get3A_489, %sub3A_494 : vector<16xi32>
        %gather3A_496 = tpu.vector_load_idx %arg7[%sub3A_495] masked %ge3A_492 : memref<33185xf32, #tpu.memory_space<vmem>>[vector<16xi32>], vector<16xf32>, vector<16xi1>
        %mul3A_497 = arith.constant 16 : i32
        %mul3A_498 = arith.muli %add3A_483, %mul3A_497 : i32
        %get3A_499 = arith.constant 0 : i32
        %get3A_500 = arith.index_cast %get3A_499 : i32 to index
        %get3A_501 = arith.index_cast %mul3A_498 : i32 to index
        %get3A_502 = tpu.vector_load %arg9[%get3A_500, %get3A_501] {strides = array<i32>} : memref<2x4096xf32, #tpu.memory_space<vmem>>, vector<16xf32>,
        %select_n3A_503 = arith.select %ge3A_492, %gather3A_496, %get3A_502 : vector<16xi1>, vector<16xf32>
        %mul3A_504 = arith.constant 16 : i32
        %mul3A_505 = arith.muli %add3A_483, %mul3A_504 : i32
        %swap3A_506 = arith.constant 0 : i32
        %swap3A_507 = arith.index_cast %swap3A_506 : i32 to index
        %swap3A_508 = arith.index_cast %mul3A_505 : i32 to index
        %swap3A_509 = tpu.vector_load %arg9[%swap3A_507, %swap3A_508] {strides = array<i32>} : memref<2x4096xf32, #tpu.memory_space<vmem>>, vector<16xf32>,
        tpu.vector_store %arg9[%swap3A_507, %swap3A_508], %select_n3A_503 {strides = array<i32>} : memref<2x4096xf32, #tpu.memory_space<vmem>>, vector<16xf32>,
        %scan3A_510 = arith.constant 2 : i32
        %scan3A_511 = arith.addi %scan3A_453, %scan3A_510 : i32
        %mul3A_512 = arith.constant 1 : i32
        %mul3A_513 = arith.muli %scan3A_511, %mul3A_512 : i32
        %add3A_514 = arith.constant 0 : i32
        %add3A_515 = arith.addi %add3A_514, %mul3A_513 : i32
        %mul3A_516 = arith.constant 16 : i32
        %mul3A_517 = arith.muli %add3A_515, %mul3A_516 : i32
        %get3A_518 = arith.constant 0 : i32
        %get3A_519 = arith.index_cast %get3A_518 : i32 to index
        %get3A_520 = arith.index_cast %mul3A_517 : i32 to index
        %get3A_521 = tpu.vector_load %arg8[%get3A_519, %get3A_520] {strides = array<i32>} : memref<2x4096xi32, #tpu.memory_space<vmem>>, vector<16xi32>,
        %ge3A_522 = arith.constant 66816 : i32
        %ge3A_523 = vector.broadcast %ge3A_522 : i32 to vector<16xi32>
        %ge3A_524 = arith.cmpi sge, %get3A_521, %ge3A_523 : vector<16xi32>
        %sub3A_525 = arith.constant 66816 : i32
        %sub3A_526 = vector.broadcast %sub3A_525 : i32 to vector<16xi32>
        %sub3A_527 = arith.subi %get3A_521, %sub3A_526 : vector<16xi32>
        %gather3A_528 = tpu.vector_load_idx %arg7[%sub3A_527] masked %ge3A_524 : memref<33185xf32, #tpu.memory_space<vmem>>[vector<16xi32>], vector<16xf32>, vector<16xi1>
        %mul3A_529 = arith.constant 16 : i32
        %mul3A_530 = arith.muli %add3A_515, %mul3A_529 : i32
        %get3A_531 = arith.constant 0 : i32
        %get3A_532 = arith.index_cast %get3A_531 : i32 to index
        %get3A_533 = arith.index_cast %mul3A_530 : i32 to index
        %get3A_534 = tpu.vector_load %arg9[%get3A_532, %get3A_533] {strides = array<i32>} : memref<2x4096xf32, #tpu.memory_space<vmem>>, vector<16xf32>,
        %select_n3A_535 = arith.select %ge3A_524, %gather3A_528, %get3A_534 : vector<16xi1>, vector<16xf32>
        %mul3A_536 = arith.constant 16 : i32
        %mul3A_537 = arith.muli %add3A_515, %mul3A_536 : i32
        %swap3A_538 = arith.constant 0 : i32
        %swap3A_539 = arith.index_cast %swap3A_538 : i32 to index
        %swap3A_540 = arith.index_cast %mul3A_537 : i32 to index
        %swap3A_541 = tpu.vector_load %arg9[%swap3A_539, %swap3A_540] {strides = array<i32>} : memref<2x4096xf32, #tpu.memory_space<vmem>>, vector<16xf32>,
        tpu.vector_store %arg9[%swap3A_539, %swap3A_540], %select_n3A_535 {strides = array<i32>} : memref<2x4096xf32, #tpu.memory_space<vmem>>, vector<16xf32>,
        %scan3A_542 = arith.constant 3 : i32
        %scan3A_543 = arith.addi %scan3A_453, %scan3A_542 : i32
        %mul3A_544 = arith.constant 1 : i32
        %mul3A_545 = arith.muli %scan3A_543, %mul3A_544 : i32
        %add3A_546 = arith.constant 0 : i32
        %add3A_547 = arith.addi %add3A_546, %mul3A_545 : i32
        %mul3A_548 = arith.constant 16 : i32
        %mul3A_549 = arith.muli %add3A_547, %mul3A_548 : i32
        %get3A_550 = arith.constant 0 : i32
        %get3A_551 = arith.index_cast %get3A_550 : i32 to index
        %get3A_552 = arith.index_cast %mul3A_549 : i32 to index
        %get3A_553 = tpu.vector_load %arg8[%get3A_551, %get3A_552] {strides = array<i32>} : memref<2x4096xi32, #tpu.memory_space<vmem>>, vector<16xi32>,
        %ge3A_554 = arith.constant 66816 : i32
        %ge3A_555 = vector.broadcast %ge3A_554 : i32 to vector<16xi32>
        %ge3A_556 = arith.cmpi sge, %get3A_553, %ge3A_555 : vector<16xi32>
        %sub3A_557 = arith.constant 66816 : i32
        %sub3A_558 = vector.broadcast %sub3A_557 : i32 to vector<16xi32>
        %sub3A_559 = arith.subi %get3A_553, %sub3A_558 : vector<16xi32>
        %gather3A_560 = tpu.vector_load_idx %arg7[%sub3A_559] masked %ge3A_556 : memref<33185xf32, #tpu.memory_space<vmem>>[vector<16xi32>], vector<16xf32>, vector<16xi1>
        %mul3A_561 = arith.constant 16 : i32
        %mul3A_562 = arith.muli %add3A_547, %mul3A_561 : i32
        %get3A_563 = arith.constant 0 : i32
        %get3A_564 = arith.index_cast %get3A_563 : i32 to index
        %get3A_565 = arith.index_cast %mul3A_562 : i32 to index
        %get3A_566 = tpu.vector_load %arg9[%get3A_564, %get3A_565] {strides = array<i32>} : memref<2x4096xf32, #tpu.memory_space<vmem>>, vector<16xf32>,
        %select_n3A_567 = arith.select %ge3A_556, %gather3A_560, %get3A_566 : vector<16xi1>, vector<16xf32>
        %mul3A_568 = arith.constant 16 : i32
        %mul3A_569 = arith.muli %add3A_547, %mul3A_568 : i32
        %swap3A_570 = arith.constant 0 : i32
        %swap3A_571 = arith.index_cast %swap3A_570 : i32 to index
        %swap3A_572 = arith.index_cast %mul3A_569 : i32 to index
        %swap3A_573 = tpu.vector_load %arg9[%swap3A_571, %swap3A_572] {strides = array<i32>} : memref<2x4096xf32, #tpu.memory_space<vmem>>, vector<16xf32>,
        tpu.vector_store %arg9[%swap3A_571, %swap3A_572], %select_n3A_567 {strides = array<i32>} : memref<2x4096xf32, #tpu.memory_space<vmem>>, vector<16xf32>,
      }
      %scan3A_149 = arith.constant 256 : i32
      %dma_start3A_150 = arith.constant 0 : i32
      %dma_start3A_151 = arith.constant 0 : i32
      %dma_start3A_152 = tpu.memref_slice %arg9[%dma_start3A_150, %dma_start3A_151] : memref<2x4096xf32, #tpu.memory_space<vmem>> -> memref<1x4096xf32, #tpu.memory_space<vmem>>
      %dma_start3A_153 = tpu.memref_squeeze %dma_start3A_152 : memref<1x4096xf32, #tpu.memory_space<vmem>> -> memref<4096xf32, #tpu.memory_space<vmem>>
      %dma_start3A_154 = arith.constant 0 : i32
      %dma_start3A_155 = arith.constant 0 : i32
      %dma_start3A_156 = tpu.memref_slice %arg4[%add3A_67, %dma_start3A_154, %dma_start3A_155] : memref<26x32x16384xf32, #tpu.memory_space<hbm>> -> memref<1x32x16384xf32, #tpu.memory_space<hbm>>
      %dma_start3A_157 = tpu.memref_squeeze %dma_start3A_156 : memref<1x32x16384xf32, #tpu.memory_space<hbm>> -> memref<32x16384xf32, #tpu.memory_space<hbm>>
      %dma_start3A_158 = arith.constant 0 : i32
      %dma_start3A_159 = tpu.memref_slice %dma_start3A_157[%add3A, %dma_start3A_158] : memref<32x16384xf32, #tpu.memory_space<hbm>> -> memref<1x4096xf32, #tpu.memory_space<hbm>>
      %dma_start3A_160 = tpu.memref_squeeze %dma_start3A_159 : memref<1x4096xf32, #tpu.memory_space<hbm>> -> memref<4096xf32, #tpu.memory_space<hbm>>
      %dma_start3A_161 = arith.constant 0 : i32
      %dma_start3A_162 = arith.constant 0 : i32
      %dma_start3A_163 = tpu.memref_slice %arg4[%add3A_67, %dma_start3A_161, %dma_start3A_162] : memref<26x32x16384xf32, #tpu.memory_space<hbm>> -> memref<1x32x16384xf32, #tpu.memory_space<hbm>>
      %dma_start3A_164 = tpu.memref_squeeze %dma_start3A_163 : memref<1x32x16384xf32, #tpu.memory_space<hbm>> -> memref<32x16384xf32, #tpu.memory_space<hbm>>
      %dma_start3A_165 = arith.constant 0 : i32
      %dma_start3A_166 = tpu.memref_slice %dma_start3A_164[%add3A, %dma_start3A_165] : memref<32x16384xf32, #tpu.memory_space<hbm>> -> memref<1x4096xf32, #tpu.memory_space<hbm>>
      %dma_start3A_167 = tpu.memref_squeeze %dma_start3A_166 : memref<1x4096xf32, #tpu.memory_space<hbm>> -> memref<4096xf32, #tpu.memory_space<hbm>>
      %dma_start3A_168 = arith.constant 0 : i32
      %dma_start3A_169 = tpu.memref_slice %arg9[%dma_start3A_150, %dma_start3A_168] : memref<2x4096xf32, #tpu.memory_space<vmem>> -> memref<1x4096xf32, #tpu.memory_space<vmem>>
      %dma_start3A_170 = tpu.memref_squeeze %dma_start3A_169 : memref<1x4096xf32, #tpu.memory_space<vmem>> -> memref<4096xf32, #tpu.memory_space<vmem>>
      tpu.enqueue_dma source(%dma_start3A_170 : memref<4096xf32, #tpu.memory_space<vmem>>) target(%dma_start3A_167 : memref<4096xf32, #tpu.memory_space<hbm>>) target_semaphore(%arg14 : memref<!tpu.dma_semaphore, #tpu.memory_space<semaphore_mem>>)
      %dma_wait3A_171 = arith.constant 1 : i32
      %dma_wait3A_172 = arith.constant 0 : i32
      %dma_wait3A_173 = tpu.memref_slice %arg8[%dma_wait3A_171, %dma_wait3A_172] : memref<2x4096xi32, #tpu.memory_space<vmem>> -> memref<1x4096xi32, #tpu.memory_space<vmem>>
      %dma_wait3A_174 = tpu.memref_squeeze %dma_wait3A_173 : memref<1x4096xi32, #tpu.memory_space<vmem>> -> memref<4096xi32, #tpu.memory_space<vmem>>
      %dma_wait3A_175 = arith.constant 4096 : i32
      %dma_wait3A_176 = tpu.memref_slice %arg3[%add3A_67, %dma_wait3A_175] : memref<26x16384xi32, #tpu.memory_space<hbm>> -> memref<1x4096xi32, #tpu.memory_space<hbm>>
      %dma_wait3A_177 = tpu.memref_squeeze %dma_wait3A_176 : memref<1x4096xi32, #tpu.memory_space<hbm>> -> memref<4096xi32, #tpu.memory_space<hbm>>
      %dma_wait3A_178 = arith.constant 0 : i32
      %dma_wait3A_179 = tpu.memref_slice %arg8[%dma_wait3A_171, %dma_wait3A_178] : memref<2x4096xi32, #tpu.memory_space<vmem>> -> memref<1x4096xi32, #tpu.memory_space<vmem>>
      %dma_wait3A_180 = tpu.memref_squeeze %dma_wait3A_179 : memref<1x4096xi32, #tpu.memory_space<vmem>> -> memref<4096xi32, #tpu.memory_space<vmem>>
      %dma_wait3A_181 = arith.constant 4096 : i32
      %dma_wait3A_182 = tpu.memref_slice %arg3[%add3A_67, %dma_wait3A_181] : memref<26x16384xi32, #tpu.memory_space<hbm>> -> memref<1x4096xi32, #tpu.memory_space<hbm>>
      %dma_wait3A_183 = tpu.memref_squeeze %dma_wait3A_182 : memref<1x4096xi32, #tpu.memory_space<hbm>> -> memref<4096xi32, #tpu.memory_space<hbm>>
      tpu.wait_dma2 semaphore(%arg13 : memref<!tpu.dma_semaphore, #tpu.memory_space<semaphore_mem>>) src(%dma_wait3A_183 : memref<4096xi32, #tpu.memory_space<hbm>>) dst(%dma_wait3A_180 : memref<4096xi32, #tpu.memory_space<vmem>>)
      %dma_start3A_184 = arith.constant 0 : i32
      %dma_start3A_185 = arith.constant 0 : i32
      %dma_start3A_186 = tpu.memref_slice %arg8[%dma_start3A_184, %dma_start3A_185] : memref<2x4096xi32, #tpu.memory_space<vmem>> -> memref<1x4096xi32, #tpu.memory_space<vmem>>
      %dma_start3A_187 = tpu.memref_squeeze %dma_start3A_186 : memref<1x4096xi32, #tpu.memory_space<vmem>> -> memref<4096xi32, #tpu.memory_space<vmem>>
      %dma_start3A_188 = arith.constant 8192 : i32
      %dma_start3A_189 = tpu.memref_slice %arg3[%add3A_67, %dma_start3A_188] : memref<26x16384xi32, #tpu.memory_space<hbm>> -> memref<1x4096xi32, #tpu.memory_space<hbm>>
      %dma_start3A_190 = tpu.memref_squeeze %dma_start3A_189 : memref<1x4096xi32, #tpu.memory_space<hbm>> -> memref<4096xi32, #tpu.memory_space<hbm>>
      %dma_start3A_191 = arith.constant 0 : i32
      %dma_start3A_192 = tpu.memref_slice %arg8[%dma_start3A_184, %dma_start3A_191] : memref<2x4096xi32, #tpu.memory_space<vmem>> -> memref<1x4096xi32, #tpu.memory_space<vmem>>
      %dma_start3A_193 = tpu.memref_squeeze %dma_start3A_192 : memref<1x4096xi32, #tpu.memory_space<vmem>> -> memref<4096xi32, #tpu.memory_space<vmem>>
      %dma_start3A_194 = arith.constant 8192 : i32
      %dma_start3A_195 = tpu.memref_slice %arg3[%add3A_67, %dma_start3A_194] : memref<26x16384xi32, #tpu.memory_space<hbm>> -> memref<1x4096xi32, #tpu.memory_space<hbm>>
      %dma_start3A_196 = tpu.memref_squeeze %dma_start3A_195 : memref<1x4096xi32, #tpu.memory_space<hbm>> -> memref<4096xi32, #tpu.memory_space<hbm>>
      tpu.enqueue_dma source(%dma_start3A_196 : memref<4096xi32, #tpu.memory_space<hbm>>) target(%dma_start3A_193 : memref<4096xi32, #tpu.memory_space<vmem>>) target_semaphore(%arg13 : memref<!tpu.dma_semaphore, #tpu.memory_space<semaphore_mem>>)
      %scan3A_197 = arith.constant 0 : i32
      %scan3A_198 = arith.constant 256 : i32
      %scan3A_199 = arith.addi %scan3A_197, %scan3A_198 : i32
      %scan3A_200 = arith.constant 4 : i32
      scf.for %scan3A_453 = %scan3A_197 to %scan3A_199 step %scan3A_200  : i32 {
        %mul3A_454 = arith.constant 1 : i32
        %mul3A_455 = arith.muli %scan3A_453, %mul3A_454 : i32
        %add3A_456 = arith.constant 0 : i32
        %add3A_457 = arith.addi %add3A_456, %mul3A_455 : i32
        %mul3A_458 = arith.constant 16 : i32
        %mul3A_459 = arith.muli %add3A_457, %mul3A_458 : i32
        %get3A = arith.constant 1 : i32
        %get3A_460 = arith.index_cast %get3A : i32 to index
        %get3A_461 = arith.index_cast %mul3A_459 : i32 to index
        %get3A_462 = tpu.vector_load %arg8[%get3A_460, %get3A_461] {strides = array<i32>} : memref<2x4096xi32, #tpu.memory_space<vmem>>, vector<16xi32>,
        %lt3A_463 = arith.constant 33408 : i32
        %lt3A_464 = vector.broadcast %lt3A_463 : i32 to vector<16xi32>
        %lt3A_465 = arith.cmpi slt, %get3A_462, %lt3A_464 : vector<16xi32>
        %sub3A = arith.constant 0 : i32
        %sub3A_466 = vector.broadcast %sub3A : i32 to vector<16xi32>
        %sub3A_467 = arith.subi %get3A_462, %sub3A_466 : vector<16xi32>
        %gather3A = tpu.vector_load_idx %arg5[%sub3A_467] masked %lt3A_465 : memref<33408xf32, #tpu.memory_space<vmem>>[vector<16xi32>], vector<16xf32>, vector<16xi1>
        %broadcast_in_dim3A = arith.constant 0.000000e+00 : f32
        %broadcast_in_dim3A_468 = vector.broadcast %broadcast_in_dim3A : f32 to vector<16xf32>
        %select_n3A = arith.select %lt3A_465, %gather3A, %broadcast_in_dim3A_468 : vector<16xi1>, vector<16xf32>
        %mul3A_469 = arith.constant 16 : i32
        %mul3A_470 = arith.muli %add3A_457, %mul3A_469 : i32
        %swap3A = arith.constant 1 : i32
        %swap3A_471 = arith.index_cast %swap3A : i32 to index
        %swap3A_472 = arith.index_cast %mul3A_470 : i32 to index
        %swap3A_473 = tpu.vector_load %arg9[%swap3A_471, %swap3A_472] {strides = array<i32>} : memref<2x4096xf32, #tpu.memory_space<vmem>>, vector<16xf32>,
        tpu.vector_store %arg9[%swap3A_471, %swap3A_472], %select_n3A {strides = array<i32>} : memref<2x4096xf32, #tpu.memory_space<vmem>>, vector<16xf32>,
        %scan3A_474 = arith.constant 1 : i32
        %scan3A_475 = arith.addi %scan3A_453, %scan3A_474 : i32
        %mul3A_476 = arith.constant 1 : i32
        %mul3A_477 = arith.muli %scan3A_475, %mul3A_476 : i32
        %add3A_478 = arith.constant 0 : i32
        %add3A_479 = arith.addi %add3A_478, %mul3A_477 : i32
        %mul3A_480 = arith.constant 16 : i32
        %mul3A_481 = arith.muli %add3A_479, %mul3A_480 : i32
        %get3A_482 = arith.constant 1 : i32
        %get3A_483 = arith.index_cast %get3A_482 : i32 to index
        %get3A_484 = arith.index_cast %mul3A_481 : i32 to index
        %get3A_485 = tpu.vector_load %arg8[%get3A_483, %get3A_484] {strides = array<i32>} : memref<2x4096xi32, #tpu.memory_space<vmem>>, vector<16xi32>,
        %lt3A_486 = arith.constant 33408 : i32
        %lt3A_487 = vector.broadcast %lt3A_486 : i32 to vector<16xi32>
        %lt3A_488 = arith.cmpi slt, %get3A_485, %lt3A_487 : vector<16xi32>
        %sub3A_489 = arith.constant 0 : i32
        %sub3A_490 = vector.broadcast %sub3A_489 : i32 to vector<16xi32>
        %sub3A_491 = arith.subi %get3A_485, %sub3A_490 : vector<16xi32>
        %gather3A_492 = tpu.vector_load_idx %arg5[%sub3A_491] masked %lt3A_488 : memref<33408xf32, #tpu.memory_space<vmem>>[vector<16xi32>], vector<16xf32>, vector<16xi1>
        %broadcast_in_dim3A_493 = arith.constant 0.000000e+00 : f32
        %broadcast_in_dim3A_494 = vector.broadcast %broadcast_in_dim3A_493 : f32 to vector<16xf32>
        %select_n3A_495 = arith.select %lt3A_488, %gather3A_492, %broadcast_in_dim3A_494 : vector<16xi1>, vector<16xf32>
        %mul3A_496 = arith.constant 16 : i32
        %mul3A_497 = arith.muli %add3A_479, %mul3A_496 : i32
        %swap3A_498 = arith.constant 1 : i32
        %swap3A_499 = arith.index_cast %swap3A_498 : i32 to index
        %swap3A_500 = arith.index_cast %mul3A_497 : i32 to index
        %swap3A_501 = tpu.vector_load %arg9[%swap3A_499, %swap3A_500] {strides = array<i32>} : memref<2x4096xf32, #tpu.memory_space<vmem>>, vector<16xf32>,
        tpu.vector_store %arg9[%swap3A_499, %swap3A_500], %select_n3A_495 {strides = array<i32>} : memref<2x4096xf32, #tpu.memory_space<vmem>>, vector<16xf32>,
        %scan3A_502 = arith.constant 2 : i32
        %scan3A_503 = arith.addi %scan3A_453, %scan3A_502 : i32
        %mul3A_504 = arith.constant 1 : i32
        %mul3A_505 = arith.muli %scan3A_503, %mul3A_504 : i32
        %add3A_506 = arith.constant 0 : i32
        %add3A_507 = arith.addi %add3A_506, %mul3A_505 : i32
        %mul3A_508 = arith.constant 16 : i32
        %mul3A_509 = arith.muli %add3A_507, %mul3A_508 : i32
        %get3A_510 = arith.constant 1 : i32
        %get3A_511 = arith.index_cast %get3A_510 : i32 to index
        %get3A_512 = arith.index_cast %mul3A_509 : i32 to index
        %get3A_513 = tpu.vector_load %arg8[%get3A_511, %get3A_512] {strides = array<i32>} : memref<2x4096xi32, #tpu.memory_space<vmem>>, vector<16xi32>,
        %lt3A_514 = arith.constant 33408 : i32
        %lt3A_515 = vector.broadcast %lt3A_514 : i32 to vector<16xi32>
        %lt3A_516 = arith.cmpi slt, %get3A_513, %lt3A_515 : vector<16xi32>
        %sub3A_517 = arith.constant 0 : i32
        %sub3A_518 = vector.broadcast %sub3A_517 : i32 to vector<16xi32>
        %sub3A_519 = arith.subi %get3A_513, %sub3A_518 : vector<16xi32>
        %gather3A_520 = tpu.vector_load_idx %arg5[%sub3A_519] masked %lt3A_516 : memref<33408xf32, #tpu.memory_space<vmem>>[vector<16xi32>], vector<16xf32>, vector<16xi1>
        %broadcast_in_dim3A_521 = arith.constant 0.000000e+00 : f32
        %broadcast_in_dim3A_522 = vector.broadcast %broadcast_in_dim3A_521 : f32 to vector<16xf32>
        %select_n3A_523 = arith.select %lt3A_516, %gather3A_520, %broadcast_in_dim3A_522 : vector<16xi1>, vector<16xf32>
        %mul3A_524 = arith.constant 16 : i32
        %mul3A_525 = arith.muli %add3A_507, %mul3A_524 : i32
        %swap3A_526 = arith.constant 1 : i32
        %swap3A_527 = arith.index_cast %swap3A_526 : i32 to index
        %swap3A_528 = arith.index_cast %mul3A_525 : i32 to index
        %swap3A_529 = tpu.vector_load %arg9[%swap3A_527, %swap3A_528] {strides = array<i32>} : memref<2x4096xf32, #tpu.memory_space<vmem>>, vector<16xf32>,
        tpu.vector_store %arg9[%swap3A_527, %swap3A_528], %select_n3A_523 {strides = array<i32>} : memref<2x4096xf32, #tpu.memory_space<vmem>>, vector<16xf32>,
        %scan3A_530 = arith.constant 3 : i32
        %scan3A_531 = arith.addi %scan3A_453, %scan3A_530 : i32
        %mul3A_532 = arith.constant 1 : i32
        %mul3A_533 = arith.muli %scan3A_531, %mul3A_532 : i32
        %add3A_534 = arith.constant 0 : i32
        %add3A_535 = arith.addi %add3A_534, %mul3A_533 : i32
        %mul3A_536 = arith.constant 16 : i32
        %mul3A_537 = arith.muli %add3A_535, %mul3A_536 : i32
        %get3A_538 = arith.constant 1 : i32
        %get3A_539 = arith.index_cast %get3A_538 : i32 to index
        %get3A_540 = arith.index_cast %mul3A_537 : i32 to index
        %get3A_541 = tpu.vector_load %arg8[%get3A_539, %get3A_540] {strides = array<i32>} : memref<2x4096xi32, #tpu.memory_space<vmem>>, vector<16xi32>,
        %lt3A_542 = arith.constant 33408 : i32
        %lt3A_543 = vector.broadcast %lt3A_542 : i32 to vector<16xi32>
        %lt3A_544 = arith.cmpi slt, %get3A_541, %lt3A_543 : vector<16xi32>
        %sub3A_545 = arith.constant 0 : i32
        %sub3A_546 = vector.broadcast %sub3A_545 : i32 to vector<16xi32>
        %sub3A_547 = arith.subi %get3A_541, %sub3A_546 : vector<16xi32>
        %gather3A_548 = tpu.vector_load_idx %arg5[%sub3A_547] masked %lt3A_544 : memref<33408xf32, #tpu.memory_space<vmem>>[vector<16xi32>], vector<16xf32>, vector<16xi1>
        %broadcast_in_dim3A_549 = arith.constant 0.000000e+00 : f32
        %broadcast_in_dim3A_550 = vector.broadcast %broadcast_in_dim3A_549 : f32 to vector<16xf32>
        %select_n3A_551 = arith.select %lt3A_544, %gather3A_548, %broadcast_in_dim3A_550 : vector<16xi1>, vector<16xf32>
        %mul3A_552 = arith.constant 16 : i32
        %mul3A_553 = arith.muli %add3A_535, %mul3A_552 : i32
        %swap3A_554 = arith.constant 1 : i32
        %swap3A_555 = arith.index_cast %swap3A_554 : i32 to index
        %swap3A_556 = arith.index_cast %mul3A_553 : i32 to index
        %swap3A_557 = tpu.vector_load %arg9[%swap3A_555, %swap3A_556] {strides = array<i32>} : memref<2x4096xf32, #tpu.memory_space<vmem>>, vector<16xf32>,
        tpu.vector_store %arg9[%swap3A_555, %swap3A_556], %select_n3A_551 {strides = array<i32>} : memref<2x4096xf32, #tpu.memory_space<vmem>>, vector<16xf32>,
      }
      %scan3A_201 = arith.constant 256 : i32
      %scan3A_202 = arith.constant 0 : i32
      %scan3A_203 = arith.constant 256 : i32
      %scan3A_204 = arith.addi %scan3A_202, %scan3A_203 : i32
      %scan3A_205 = arith.constant 4 : i32
      scf.for %scan3A_453 = %scan3A_202 to %scan3A_204 step %scan3A_205  : i32 {
        %mul3A_454 = arith.constant 1 : i32
        %mul3A_455 = arith.muli %scan3A_453, %mul3A_454 : i32
        %add3A_456 = arith.constant 0 : i32
        %add3A_457 = arith.addi %add3A_456, %mul3A_455 : i32
        %mul3A_458 = arith.constant 16 : i32
        %mul3A_459 = arith.muli %add3A_457, %mul3A_458 : i32
        %get3A = arith.constant 1 : i32
        %get3A_460 = arith.index_cast %get3A : i32 to index
        %get3A_461 = arith.index_cast %mul3A_459 : i32 to index
        %get3A_462 = tpu.vector_load %arg8[%get3A_460, %get3A_461] {strides = array<i32>} : memref<2x4096xi32, #tpu.memory_space<vmem>>, vector<16xi32>,
        %ge3A = arith.constant 33408 : i32
        %ge3A_463 = vector.broadcast %ge3A : i32 to vector<16xi32>
        %ge3A_464 = arith.cmpi sge, %get3A_462, %ge3A_463 : vector<16xi32>
        %lt3A_465 = arith.constant 66816 : i32
        %lt3A_466 = vector.broadcast %lt3A_465 : i32 to vector<16xi32>
        %lt3A_467 = arith.cmpi slt, %get3A_462, %lt3A_466 : vector<16xi32>
        %and3A = arith.andi %ge3A_464, %lt3A_467 : vector<16xi1>
        %sub3A = arith.constant 33408 : i32
        %sub3A_468 = vector.broadcast %sub3A : i32 to vector<16xi32>
        %sub3A_469 = arith.subi %get3A_462, %sub3A_468 : vector<16xi32>
        %gather3A = tpu.vector_load_idx %arg6[%sub3A_469] masked %and3A : memref<33408xf32, #tpu.memory_space<vmem>>[vector<16xi32>], vector<16xf32>, vector<16xi1>
        %mul3A_470 = arith.constant 16 : i32
        %mul3A_471 = arith.muli %add3A_457, %mul3A_470 : i32
        %get3A_472 = arith.constant 1 : i32
        %get3A_473 = arith.index_cast %get3A_472 : i32 to index
        %get3A_474 = arith.index_cast %mul3A_471 : i32 to index
        %get3A_475 = tpu.vector_load %arg9[%get3A_473, %get3A_474] {strides = array<i32>} : memref<2x4096xf32, #tpu.memory_space<vmem>>, vector<16xf32>,
        %select_n3A = arith.select %and3A, %gather3A, %get3A_475 : vector<16xi1>, vector<16xf32>
        %mul3A_476 = arith.constant 16 : i32
        %mul3A_477 = arith.muli %add3A_457, %mul3A_476 : i32
        %swap3A = arith.constant 1 : i32
        %swap3A_478 = arith.index_cast %swap3A : i32 to index
        %swap3A_479 = arith.index_cast %mul3A_477 : i32 to index
        %swap3A_480 = tpu.vector_load %arg9[%swap3A_478, %swap3A_479] {strides = array<i32>} : memref<2x4096xf32, #tpu.memory_space<vmem>>, vector<16xf32>,
        tpu.vector_store %arg9[%swap3A_478, %swap3A_479], %select_n3A {strides = array<i32>} : memref<2x4096xf32, #tpu.memory_space<vmem>>, vector<16xf32>,
        %scan3A_481 = arith.constant 1 : i32
        %scan3A_482 = arith.addi %scan3A_453, %scan3A_481 : i32
        %mul3A_483 = arith.constant 1 : i32
        %mul3A_484 = arith.muli %scan3A_482, %mul3A_483 : i32
        %add3A_485 = arith.constant 0 : i32
        %add3A_486 = arith.addi %add3A_485, %mul3A_484 : i32
        %mul3A_487 = arith.constant 16 : i32
        %mul3A_488 = arith.muli %add3A_486, %mul3A_487 : i32
        %get3A_489 = arith.constant 1 : i32
        %get3A_490 = arith.index_cast %get3A_489 : i32 to index
        %get3A_491 = arith.index_cast %mul3A_488 : i32 to index
        %get3A_492 = tpu.vector_load %arg8[%get3A_490, %get3A_491] {strides = array<i32>} : memref<2x4096xi32, #tpu.memory_space<vmem>>, vector<16xi32>,
        %ge3A_493 = arith.constant 33408 : i32
        %ge3A_494 = vector.broadcast %ge3A_493 : i32 to vector<16xi32>
        %ge3A_495 = arith.cmpi sge, %get3A_492, %ge3A_494 : vector<16xi32>
        %lt3A_496 = arith.constant 66816 : i32
        %lt3A_497 = vector.broadcast %lt3A_496 : i32 to vector<16xi32>
        %lt3A_498 = arith.cmpi slt, %get3A_492, %lt3A_497 : vector<16xi32>
        %and3A_499 = arith.andi %ge3A_495, %lt3A_498 : vector<16xi1>
        %sub3A_500 = arith.constant 33408 : i32
        %sub3A_501 = vector.broadcast %sub3A_500 : i32 to vector<16xi32>
        %sub3A_502 = arith.subi %get3A_492, %sub3A_501 : vector<16xi32>
        %gather3A_503 = tpu.vector_load_idx %arg6[%sub3A_502] masked %and3A_499 : memref<33408xf32, #tpu.memory_space<vmem>>[vector<16xi32>], vector<16xf32>, vector<16xi1>
        %mul3A_504 = arith.constant 16 : i32
        %mul3A_505 = arith.muli %add3A_486, %mul3A_504 : i32
        %get3A_506 = arith.constant 1 : i32
        %get3A_507 = arith.index_cast %get3A_506 : i32 to index
        %get3A_508 = arith.index_cast %mul3A_505 : i32 to index
        %get3A_509 = tpu.vector_load %arg9[%get3A_507, %get3A_508] {strides = array<i32>} : memref<2x4096xf32, #tpu.memory_space<vmem>>, vector<16xf32>,
        %select_n3A_510 = arith.select %and3A_499, %gather3A_503, %get3A_509 : vector<16xi1>, vector<16xf32>
        %mul3A_511 = arith.constant 16 : i32
        %mul3A_512 = arith.muli %add3A_486, %mul3A_511 : i32
        %swap3A_513 = arith.constant 1 : i32
        %swap3A_514 = arith.index_cast %swap3A_513 : i32 to index
        %swap3A_515 = arith.index_cast %mul3A_512 : i32 to index
        %swap3A_516 = tpu.vector_load %arg9[%swap3A_514, %swap3A_515] {strides = array<i32>} : memref<2x4096xf32, #tpu.memory_space<vmem>>, vector<16xf32>,
        tpu.vector_store %arg9[%swap3A_514, %swap3A_515], %select_n3A_510 {strides = array<i32>} : memref<2x4096xf32, #tpu.memory_space<vmem>>, vector<16xf32>,
        %scan3A_517 = arith.constant 2 : i32
        %scan3A_518 = arith.addi %scan3A_453, %scan3A_517 : i32
        %mul3A_519 = arith.constant 1 : i32
        %mul3A_520 = arith.muli %scan3A_518, %mul3A_519 : i32
        %add3A_521 = arith.constant 0 : i32
        %add3A_522 = arith.addi %add3A_521, %mul3A_520 : i32
        %mul3A_523 = arith.constant 16 : i32
        %mul3A_524 = arith.muli %add3A_522, %mul3A_523 : i32
        %get3A_525 = arith.constant 1 : i32
        %get3A_526 = arith.index_cast %get3A_525 : i32 to index
        %get3A_527 = arith.index_cast %mul3A_524 : i32 to index
        %get3A_528 = tpu.vector_load %arg8[%get3A_526, %get3A_527] {strides = array<i32>} : memref<2x4096xi32, #tpu.memory_space<vmem>>, vector<16xi32>,
        %ge3A_529 = arith.constant 33408 : i32
        %ge3A_530 = vector.broadcast %ge3A_529 : i32 to vector<16xi32>
        %ge3A_531 = arith.cmpi sge, %get3A_528, %ge3A_530 : vector<16xi32>
        %lt3A_532 = arith.constant 66816 : i32
        %lt3A_533 = vector.broadcast %lt3A_532 : i32 to vector<16xi32>
        %lt3A_534 = arith.cmpi slt, %get3A_528, %lt3A_533 : vector<16xi32>
        %and3A_535 = arith.andi %ge3A_531, %lt3A_534 : vector<16xi1>
        %sub3A_536 = arith.constant 33408 : i32
        %sub3A_537 = vector.broadcast %sub3A_536 : i32 to vector<16xi32>
        %sub3A_538 = arith.subi %get3A_528, %sub3A_537 : vector<16xi32>
        %gather3A_539 = tpu.vector_load_idx %arg6[%sub3A_538] masked %and3A_535 : memref<33408xf32, #tpu.memory_space<vmem>>[vector<16xi32>], vector<16xf32>, vector<16xi1>
        %mul3A_540 = arith.constant 16 : i32
        %mul3A_541 = arith.muli %add3A_522, %mul3A_540 : i32
        %get3A_542 = arith.constant 1 : i32
        %get3A_543 = arith.index_cast %get3A_542 : i32 to index
        %get3A_544 = arith.index_cast %mul3A_541 : i32 to index
        %get3A_545 = tpu.vector_load %arg9[%get3A_543, %get3A_544] {strides = array<i32>} : memref<2x4096xf32, #tpu.memory_space<vmem>>, vector<16xf32>,
        %select_n3A_546 = arith.select %and3A_535, %gather3A_539, %get3A_545 : vector<16xi1>, vector<16xf32>
        %mul3A_547 = arith.constant 16 : i32
        %mul3A_548 = arith.muli %add3A_522, %mul3A_547 : i32
        %swap3A_549 = arith.constant 1 : i32
        %swap3A_550 = arith.index_cast %swap3A_549 : i32 to index
        %swap3A_551 = arith.index_cast %mul3A_548 : i32 to index
        %swap3A_552 = tpu.vector_load %arg9[%swap3A_550, %swap3A_551] {strides = array<i32>} : memref<2x4096xf32, #tpu.memory_space<vmem>>, vector<16xf32>,
        tpu.vector_store %arg9[%swap3A_550, %swap3A_551], %select_n3A_546 {strides = array<i32>} : memref<2x4096xf32, #tpu.memory_space<vmem>>, vector<16xf32>,
        %scan3A_553 = arith.constant 3 : i32
        %scan3A_554 = arith.addi %scan3A_453, %scan3A_553 : i32
        %mul3A_555 = arith.constant 1 : i32
        %mul3A_556 = arith.muli %scan3A_554, %mul3A_555 : i32
        %add3A_557 = arith.constant 0 : i32
        %add3A_558 = arith.addi %add3A_557, %mul3A_556 : i32
        %mul3A_559 = arith.constant 16 : i32
        %mul3A_560 = arith.muli %add3A_558, %mul3A_559 : i32
        %get3A_561 = arith.constant 1 : i32
        %get3A_562 = arith.index_cast %get3A_561 : i32 to index
        %get3A_563 = arith.index_cast %mul3A_560 : i32 to index
        %get3A_564 = tpu.vector_load %arg8[%get3A_562, %get3A_563] {strides = array<i32>} : memref<2x4096xi32, #tpu.memory_space<vmem>>, vector<16xi32>,
        %ge3A_565 = arith.constant 33408 : i32
        %ge3A_566 = vector.broadcast %ge3A_565 : i32 to vector<16xi32>
        %ge3A_567 = arith.cmpi sge, %get3A_564, %ge3A_566 : vector<16xi32>
        %lt3A_568 = arith.constant 66816 : i32
        %lt3A_569 = vector.broadcast %lt3A_568 : i32 to vector<16xi32>
        %lt3A_570 = arith.cmpi slt, %get3A_564, %lt3A_569 : vector<16xi32>
        %and3A_571 = arith.andi %ge3A_567, %lt3A_570 : vector<16xi1>
        %sub3A_572 = arith.constant 33408 : i32
        %sub3A_573 = vector.broadcast %sub3A_572 : i32 to vector<16xi32>
        %sub3A_574 = arith.subi %get3A_564, %sub3A_573 : vector<16xi32>
        %gather3A_575 = tpu.vector_load_idx %arg6[%sub3A_574] masked %and3A_571 : memref<33408xf32, #tpu.memory_space<vmem>>[vector<16xi32>], vector<16xf32>, vector<16xi1>
        %mul3A_576 = arith.constant 16 : i32
        %mul3A_577 = arith.muli %add3A_558, %mul3A_576 : i32
        %get3A_578 = arith.constant 1 : i32
        %get3A_579 = arith.index_cast %get3A_578 : i32 to index
        %get3A_580 = arith.index_cast %mul3A_577 : i32 to index
        %get3A_581 = tpu.vector_load %arg9[%get3A_579, %get3A_580] {strides = array<i32>} : memref<2x4096xf32, #tpu.memory_space<vmem>>, vector<16xf32>,
        %select_n3A_582 = arith.select %and3A_571, %gather3A_575, %get3A_581 : vector<16xi1>, vector<16xf32>
        %mul3A_583 = arith.constant 16 : i32
        %mul3A_584 = arith.muli %add3A_558, %mul3A_583 : i32
        %swap3A_585 = arith.constant 1 : i32
        %swap3A_586 = arith.index_cast %swap3A_585 : i32 to index
        %swap3A_587 = arith.index_cast %mul3A_584 : i32 to index
        %swap3A_588 = tpu.vector_load %arg9[%swap3A_586, %swap3A_587] {strides = array<i32>} : memref<2x4096xf32, #tpu.memory_space<vmem>>, vector<16xf32>,
        tpu.vector_store %arg9[%swap3A_586, %swap3A_587], %select_n3A_582 {strides = array<i32>} : memref<2x4096xf32, #tpu.memory_space<vmem>>, vector<16xf32>,
      }
      %scan3A_206 = arith.constant 256 : i32
      %scan3A_207 = arith.constant 0 : i32
      %scan3A_208 = arith.constant 256 : i32
      %scan3A_209 = arith.addi %scan3A_207, %scan3A_208 : i32
      %scan3A_210 = arith.constant 4 : i32
      scf.for %scan3A_453 = %scan3A_207 to %scan3A_209 step %scan3A_210  : i32 {
        %mul3A_454 = arith.constant 1 : i32
        %mul3A_455 = arith.muli %scan3A_453, %mul3A_454 : i32
        %add3A_456 = arith.constant 0 : i32
        %add3A_457 = arith.addi %add3A_456, %mul3A_455 : i32
        %mul3A_458 = arith.constant 16 : i32
        %mul3A_459 = arith.muli %add3A_457, %mul3A_458 : i32
        %get3A = arith.constant 1 : i32
        %get3A_460 = arith.index_cast %get3A : i32 to index
        %get3A_461 = arith.index_cast %mul3A_459 : i32 to index
        %get3A_462 = tpu.vector_load %arg8[%get3A_460, %get3A_461] {strides = array<i32>} : memref<2x4096xi32, #tpu.memory_space<vmem>>, vector<16xi32>,
        %ge3A = arith.constant 66816 : i32
        %ge3A_463 = vector.broadcast %ge3A : i32 to vector<16xi32>
        %ge3A_464 = arith.cmpi sge, %get3A_462, %ge3A_463 : vector<16xi32>
        %sub3A = arith.constant 66816 : i32
        %sub3A_465 = vector.broadcast %sub3A : i32 to vector<16xi32>
        %sub3A_466 = arith.subi %get3A_462, %sub3A_465 : vector<16xi32>
        %gather3A = tpu.vector_load_idx %arg7[%sub3A_466] masked %ge3A_464 : memref<33185xf32, #tpu.memory_space<vmem>>[vector<16xi32>], vector<16xf32>, vector<16xi1>
        %mul3A_467 = arith.constant 16 : i32
        %mul3A_468 = arith.muli %add3A_457, %mul3A_467 : i32
        %get3A_469 = arith.constant 1 : i32
        %get3A_470 = arith.index_cast %get3A_469 : i32 to index
        %get3A_471 = arith.index_cast %mul3A_468 : i32 to index
        %get3A_472 = tpu.vector_load %arg9[%get3A_470, %get3A_471] {strides = array<i32>} : memref<2x4096xf32, #tpu.memory_space<vmem>>, vector<16xf32>,
        %select_n3A = arith.select %ge3A_464, %gather3A, %get3A_472 : vector<16xi1>, vector<16xf32>
        %mul3A_473 = arith.constant 16 : i32
        %mul3A_474 = arith.muli %add3A_457, %mul3A_473 : i32
        %swap3A = arith.constant 1 : i32
        %swap3A_475 = arith.index_cast %swap3A : i32 to index
        %swap3A_476 = arith.index_cast %mul3A_474 : i32 to index
        %swap3A_477 = tpu.vector_load %arg9[%swap3A_475, %swap3A_476] {strides = array<i32>} : memref<2x4096xf32, #tpu.memory_space<vmem>>, vector<16xf32>,
        tpu.vector_store %arg9[%swap3A_475, %swap3A_476], %select_n3A {strides = array<i32>} : memref<2x4096xf32, #tpu.memory_space<vmem>>, vector<16xf32>,
        %scan3A_478 = arith.constant 1 : i32
        %scan3A_479 = arith.addi %scan3A_453, %scan3A_478 : i32
        %mul3A_480 = arith.constant 1 : i32
        %mul3A_481 = arith.muli %scan3A_479, %mul3A_480 : i32
        %add3A_482 = arith.constant 0 : i32
        %add3A_483 = arith.addi %add3A_482, %mul3A_481 : i32
        %mul3A_484 = arith.constant 16 : i32
        %mul3A_485 = arith.muli %add3A_483, %mul3A_484 : i32
        %get3A_486 = arith.constant 1 : i32
        %get3A_487 = arith.index_cast %get3A_486 : i32 to index
        %get3A_488 = arith.index_cast %mul3A_485 : i32 to index
        %get3A_489 = tpu.vector_load %arg8[%get3A_487, %get3A_488] {strides = array<i32>} : memref<2x4096xi32, #tpu.memory_space<vmem>>, vector<16xi32>,
        %ge3A_490 = arith.constant 66816 : i32
        %ge3A_491 = vector.broadcast %ge3A_490 : i32 to vector<16xi32>
        %ge3A_492 = arith.cmpi sge, %get3A_489, %ge3A_491 : vector<16xi32>
        %sub3A_493 = arith.constant 66816 : i32
        %sub3A_494 = vector.broadcast %sub3A_493 : i32 to vector<16xi32>
        %sub3A_495 = arith.subi %get3A_489, %sub3A_494 : vector<16xi32>
        %gather3A_496 = tpu.vector_load_idx %arg7[%sub3A_495] masked %ge3A_492 : memref<33185xf32, #tpu.memory_space<vmem>>[vector<16xi32>], vector<16xf32>, vector<16xi1>
        %mul3A_497 = arith.constant 16 : i32
        %mul3A_498 = arith.muli %add3A_483, %mul3A_497 : i32
        %get3A_499 = arith.constant 1 : i32
        %get3A_500 = arith.index_cast %get3A_499 : i32 to index
        %get3A_501 = arith.index_cast %mul3A_498 : i32 to index
        %get3A_502 = tpu.vector_load %arg9[%get3A_500, %get3A_501] {strides = array<i32>} : memref<2x4096xf32, #tpu.memory_space<vmem>>, vector<16xf32>,
        %select_n3A_503 = arith.select %ge3A_492, %gather3A_496, %get3A_502 : vector<16xi1>, vector<16xf32>
        %mul3A_504 = arith.constant 16 : i32
        %mul3A_505 = arith.muli %add3A_483, %mul3A_504 : i32
        %swap3A_506 = arith.constant 1 : i32
        %swap3A_507 = arith.index_cast %swap3A_506 : i32 to index
        %swap3A_508 = arith.index_cast %mul3A_505 : i32 to index
        %swap3A_509 = tpu.vector_load %arg9[%swap3A_507, %swap3A_508] {strides = array<i32>} : memref<2x4096xf32, #tpu.memory_space<vmem>>, vector<16xf32>,
        tpu.vector_store %arg9[%swap3A_507, %swap3A_508], %select_n3A_503 {strides = array<i32>} : memref<2x4096xf32, #tpu.memory_space<vmem>>, vector<16xf32>,
        %scan3A_510 = arith.constant 2 : i32
        %scan3A_511 = arith.addi %scan3A_453, %scan3A_510 : i32
        %mul3A_512 = arith.constant 1 : i32
        %mul3A_513 = arith.muli %scan3A_511, %mul3A_512 : i32
        %add3A_514 = arith.constant 0 : i32
        %add3A_515 = arith.addi %add3A_514, %mul3A_513 : i32
        %mul3A_516 = arith.constant 16 : i32
        %mul3A_517 = arith.muli %add3A_515, %mul3A_516 : i32
        %get3A_518 = arith.constant 1 : i32
        %get3A_519 = arith.index_cast %get3A_518 : i32 to index
        %get3A_520 = arith.index_cast %mul3A_517 : i32 to index
        %get3A_521 = tpu.vector_load %arg8[%get3A_519, %get3A_520] {strides = array<i32>} : memref<2x4096xi32, #tpu.memory_space<vmem>>, vector<16xi32>,
        %ge3A_522 = arith.constant 66816 : i32
        %ge3A_523 = vector.broadcast %ge3A_522 : i32 to vector<16xi32>
        %ge3A_524 = arith.cmpi sge, %get3A_521, %ge3A_523 : vector<16xi32>
        %sub3A_525 = arith.constant 66816 : i32
        %sub3A_526 = vector.broadcast %sub3A_525 : i32 to vector<16xi32>
        %sub3A_527 = arith.subi %get3A_521, %sub3A_526 : vector<16xi32>
        %gather3A_528 = tpu.vector_load_idx %arg7[%sub3A_527] masked %ge3A_524 : memref<33185xf32, #tpu.memory_space<vmem>>[vector<16xi32>], vector<16xf32>, vector<16xi1>
        %mul3A_529 = arith.constant 16 : i32
        %mul3A_530 = arith.muli %add3A_515, %mul3A_529 : i32
        %get3A_531 = arith.constant 1 : i32
        %get3A_532 = arith.index_cast %get3A_531 : i32 to index
        %get3A_533 = arith.index_cast %mul3A_530 : i32 to index
        %get3A_534 = tpu.vector_load %arg9[%get3A_532, %get3A_533] {strides = array<i32>} : memref<2x4096xf32, #tpu.memory_space<vmem>>, vector<16xf32>,
        %select_n3A_535 = arith.select %ge3A_524, %gather3A_528, %get3A_534 : vector<16xi1>, vector<16xf32>
        %mul3A_536 = arith.constant 16 : i32
        %mul3A_537 = arith.muli %add3A_515, %mul3A_536 : i32
        %swap3A_538 = arith.constant 1 : i32
        %swap3A_539 = arith.index_cast %swap3A_538 : i32 to index
        %swap3A_540 = arith.index_cast %mul3A_537 : i32 to index
        %swap3A_541 = tpu.vector_load %arg9[%swap3A_539, %swap3A_540] {strides = array<i32>} : memref<2x4096xf32, #tpu.memory_space<vmem>>, vector<16xf32>,
        tpu.vector_store %arg9[%swap3A_539, %swap3A_540], %select_n3A_535 {strides = array<i32>} : memref<2x4096xf32, #tpu.memory_space<vmem>>, vector<16xf32>,
        %scan3A_542 = arith.constant 3 : i32
        %scan3A_543 = arith.addi %scan3A_453, %scan3A_542 : i32
        %mul3A_544 = arith.constant 1 : i32
        %mul3A_545 = arith.muli %scan3A_543, %mul3A_544 : i32
        %add3A_546 = arith.constant 0 : i32
        %add3A_547 = arith.addi %add3A_546, %mul3A_545 : i32
        %mul3A_548 = arith.constant 16 : i32
        %mul3A_549 = arith.muli %add3A_547, %mul3A_548 : i32
        %get3A_550 = arith.constant 1 : i32
        %get3A_551 = arith.index_cast %get3A_550 : i32 to index
        %get3A_552 = arith.index_cast %mul3A_549 : i32 to index
        %get3A_553 = tpu.vector_load %arg8[%get3A_551, %get3A_552] {strides = array<i32>} : memref<2x4096xi32, #tpu.memory_space<vmem>>, vector<16xi32>,
        %ge3A_554 = arith.constant 66816 : i32
        %ge3A_555 = vector.broadcast %ge3A_554 : i32 to vector<16xi32>
        %ge3A_556 = arith.cmpi sge, %get3A_553, %ge3A_555 : vector<16xi32>
        %sub3A_557 = arith.constant 66816 : i32
        %sub3A_558 = vector.broadcast %sub3A_557 : i32 to vector<16xi32>
        %sub3A_559 = arith.subi %get3A_553, %sub3A_558 : vector<16xi32>
        %gather3A_560 = tpu.vector_load_idx %arg7[%sub3A_559] masked %ge3A_556 : memref<33185xf32, #tpu.memory_space<vmem>>[vector<16xi32>], vector<16xf32>, vector<16xi1>
        %mul3A_561 = arith.constant 16 : i32
        %mul3A_562 = arith.muli %add3A_547, %mul3A_561 : i32
        %get3A_563 = arith.constant 1 : i32
        %get3A_564 = arith.index_cast %get3A_563 : i32 to index
        %get3A_565 = arith.index_cast %mul3A_562 : i32 to index
        %get3A_566 = tpu.vector_load %arg9[%get3A_564, %get3A_565] {strides = array<i32>} : memref<2x4096xf32, #tpu.memory_space<vmem>>, vector<16xf32>,
        %select_n3A_567 = arith.select %ge3A_556, %gather3A_560, %get3A_566 : vector<16xi1>, vector<16xf32>
        %mul3A_568 = arith.constant 16 : i32
        %mul3A_569 = arith.muli %add3A_547, %mul3A_568 : i32
        %swap3A_570 = arith.constant 1 : i32
        %swap3A_571 = arith.index_cast %swap3A_570 : i32 to index
        %swap3A_572 = arith.index_cast %mul3A_569 : i32 to index
        %swap3A_573 = tpu.vector_load %arg9[%swap3A_571, %swap3A_572] {strides = array<i32>} : memref<2x4096xf32, #tpu.memory_space<vmem>>, vector<16xf32>,
        tpu.vector_store %arg9[%swap3A_571, %swap3A_572], %select_n3A_567 {strides = array<i32>} : memref<2x4096xf32, #tpu.memory_space<vmem>>, vector<16xf32>,
      }
      %scan3A_211 = arith.constant 256 : i32
      %dma_start3A_212 = arith.constant 1 : i32
      %dma_start3A_213 = arith.constant 0 : i32
      %dma_start3A_214 = tpu.memref_slice %arg9[%dma_start3A_212, %dma_start3A_213] : memref<2x4096xf32, #tpu.memory_space<vmem>> -> memref<1x4096xf32, #tpu.memory_space<vmem>>
      %dma_start3A_215 = tpu.memref_squeeze %dma_start3A_214 : memref<1x4096xf32, #tpu.memory_space<vmem>> -> memref<4096xf32, #tpu.memory_space<vmem>>
      %dma_start3A_216 = arith.constant 0 : i32
      %dma_start3A_217 = arith.constant 0 : i32
      %dma_start3A_218 = tpu.memref_slice %arg4[%add3A_67, %dma_start3A_216, %dma_start3A_217] : memref<26x32x16384xf32, #tpu.memory_space<hbm>> -> memref<1x32x16384xf32, #tpu.memory_space<hbm>>
      %dma_start3A_219 = tpu.memref_squeeze %dma_start3A_218 : memref<1x32x16384xf32, #tpu.memory_space<hbm>> -> memref<32x16384xf32, #tpu.memory_space<hbm>>
      %dma_start3A_220 = arith.constant 4096 : i32
      %dma_start3A_221 = tpu.memref_slice %dma_start3A_219[%add3A, %dma_start3A_220] : memref<32x16384xf32, #tpu.memory_space<hbm>> -> memref<1x4096xf32, #tpu.memory_space<hbm>>
      %dma_start3A_222 = tpu.memref_squeeze %dma_start3A_221 : memref<1x4096xf32, #tpu.memory_space<hbm>> -> memref<4096xf32, #tpu.memory_space<hbm>>
      %dma_start3A_223 = arith.constant 0 : i32
      %dma_start3A_224 = arith.constant 0 : i32
      %dma_start3A_225 = tpu.memref_slice %arg4[%add3A_67, %dma_start3A_223, %dma_start3A_224] : memref<26x32x16384xf32, #tpu.memory_space<hbm>> -> memref<1x32x16384xf32, #tpu.memory_space<hbm>>
      %dma_start3A_226 = tpu.memref_squeeze %dma_start3A_225 : memref<1x32x16384xf32, #tpu.memory_space<hbm>> -> memref<32x16384xf32, #tpu.memory_space<hbm>>
      %dma_start3A_227 = arith.constant 4096 : i32
      %dma_start3A_228 = tpu.memref_slice %dma_start3A_226[%add3A, %dma_start3A_227] : memref<32x16384xf32, #tpu.memory_space<hbm>> -> memref<1x4096xf32, #tpu.memory_space<hbm>>
      %dma_start3A_229 = tpu.memref_squeeze %dma_start3A_228 : memref<1x4096xf32, #tpu.memory_space<hbm>> -> memref<4096xf32, #tpu.memory_space<hbm>>
      %dma_start3A_230 = arith.constant 0 : i32
      %dma_start3A_231 = tpu.memref_slice %arg9[%dma_start3A_212, %dma_start3A_230] : memref<2x4096xf32, #tpu.memory_space<vmem>> -> memref<1x4096xf32, #tpu.memory_space<vmem>>
      %dma_start3A_232 = tpu.memref_squeeze %dma_start3A_231 : memref<1x4096xf32, #tpu.memory_space<vmem>> -> memref<4096xf32, #tpu.memory_space<vmem>>
      tpu.enqueue_dma source(%dma_start3A_232 : memref<4096xf32, #tpu.memory_space<vmem>>) target(%dma_start3A_229 : memref<4096xf32, #tpu.memory_space<hbm>>) target_semaphore(%arg14 : memref<!tpu.dma_semaphore, #tpu.memory_space<semaphore_mem>>)
      %dma_wait3A_233 = arith.constant 0 : i32
      %dma_wait3A_234 = arith.constant 0 : i32
      %dma_wait3A_235 = tpu.memref_slice %arg8[%dma_wait3A_233, %dma_wait3A_234] : memref<2x4096xi32, #tpu.memory_space<vmem>> -> memref<1x4096xi32, #tpu.memory_space<vmem>>
      %dma_wait3A_236 = tpu.memref_squeeze %dma_wait3A_235 : memref<1x4096xi32, #tpu.memory_space<vmem>> -> memref<4096xi32, #tpu.memory_space<vmem>>
      %dma_wait3A_237 = arith.constant 8192 : i32
      %dma_wait3A_238 = tpu.memref_slice %arg3[%add3A_67, %dma_wait3A_237] : memref<26x16384xi32, #tpu.memory_space<hbm>> -> memref<1x4096xi32, #tpu.memory_space<hbm>>
      %dma_wait3A_239 = tpu.memref_squeeze %dma_wait3A_238 : memref<1x4096xi32, #tpu.memory_space<hbm>> -> memref<4096xi32, #tpu.memory_space<hbm>>
      %dma_wait3A_240 = arith.constant 0 : i32
      %dma_wait3A_241 = tpu.memref_slice %arg8[%dma_wait3A_233, %dma_wait3A_240] : memref<2x4096xi32, #tpu.memory_space<vmem>> -> memref<1x4096xi32, #tpu.memory_space<vmem>>
      %dma_wait3A_242 = tpu.memref_squeeze %dma_wait3A_241 : memref<1x4096xi32, #tpu.memory_space<vmem>> -> memref<4096xi32, #tpu.memory_space<vmem>>
      %dma_wait3A_243 = arith.constant 8192 : i32
      %dma_wait3A_244 = tpu.memref_slice %arg3[%add3A_67, %dma_wait3A_243] : memref<26x16384xi32, #tpu.memory_space<hbm>> -> memref<1x4096xi32, #tpu.memory_space<hbm>>
      %dma_wait3A_245 = tpu.memref_squeeze %dma_wait3A_244 : memref<1x4096xi32, #tpu.memory_space<hbm>> -> memref<4096xi32, #tpu.memory_space<hbm>>
      tpu.wait_dma2 semaphore(%arg13 : memref<!tpu.dma_semaphore, #tpu.memory_space<semaphore_mem>>) src(%dma_wait3A_245 : memref<4096xi32, #tpu.memory_space<hbm>>) dst(%dma_wait3A_242 : memref<4096xi32, #tpu.memory_space<vmem>>)
      %dma_start3A_246 = arith.constant 1 : i32
      %dma_start3A_247 = arith.constant 0 : i32
      %dma_start3A_248 = tpu.memref_slice %arg8[%dma_start3A_246, %dma_start3A_247] : memref<2x4096xi32, #tpu.memory_space<vmem>> -> memref<1x4096xi32, #tpu.memory_space<vmem>>
      %dma_start3A_249 = tpu.memref_squeeze %dma_start3A_248 : memref<1x4096xi32, #tpu.memory_space<vmem>> -> memref<4096xi32, #tpu.memory_space<vmem>>
      %dma_start3A_250 = arith.constant 12288 : i32
      %dma_start3A_251 = tpu.memref_slice %arg3[%add3A_67, %dma_start3A_250] : memref<26x16384xi32, #tpu.memory_space<hbm>> -> memref<1x4096xi32, #tpu.memory_space<hbm>>
      %dma_start3A_252 = tpu.memref_squeeze %dma_start3A_251 : memref<1x4096xi32, #tpu.memory_space<hbm>> -> memref<4096xi32, #tpu.memory_space<hbm>>
      %dma_start3A_253 = arith.constant 0 : i32
      %dma_start3A_254 = tpu.memref_slice %arg8[%dma_start3A_246, %dma_start3A_253] : memref<2x4096xi32, #tpu.memory_space<vmem>> -> memref<1x4096xi32, #tpu.memory_space<vmem>>
      %dma_start3A_255 = tpu.memref_squeeze %dma_start3A_254 : memref<1x4096xi32, #tpu.memory_space<vmem>> -> memref<4096xi32, #tpu.memory_space<vmem>>
      %dma_start3A_256 = arith.constant 12288 : i32
      %dma_start3A_257 = tpu.memref_slice %arg3[%add3A_67, %dma_start3A_256] : memref<26x16384xi32, #tpu.memory_space<hbm>> -> memref<1x4096xi32, #tpu.memory_space<hbm>>
      %dma_start3A_258 = tpu.memref_squeeze %dma_start3A_257 : memref<1x4096xi32, #tpu.memory_space<hbm>> -> memref<4096xi32, #tpu.memory_space<hbm>>
      tpu.enqueue_dma source(%dma_start3A_258 : memref<4096xi32, #tpu.memory_space<hbm>>) target(%dma_start3A_255 : memref<4096xi32, #tpu.memory_space<vmem>>) target_semaphore(%arg13 : memref<!tpu.dma_semaphore, #tpu.memory_space<semaphore_mem>>)
      %dma_wait3A_259 = arith.constant 0 : i32
      %dma_wait3A_260 = arith.constant 0 : i32
      %dma_wait3A_261 = tpu.memref_slice %arg9[%dma_wait3A_259, %dma_wait3A_260] : memref<2x4096xf32, #tpu.memory_space<vmem>> -> memref<1x4096xf32, #tpu.memory_space<vmem>>
      %dma_wait3A_262 = tpu.memref_squeeze %dma_wait3A_261 : memref<1x4096xf32, #tpu.memory_space<vmem>> -> memref<4096xf32, #tpu.memory_space<vmem>>
      %dma_wait3A_263 = arith.constant 0 : i32
      %dma_wait3A_264 = arith.constant 0 : i32
      %dma_wait3A_265 = tpu.memref_slice %arg4[%add3A_67, %dma_wait3A_263, %dma_wait3A_264] : memref<26x32x16384xf32, #tpu.memory_space<hbm>> -> memref<1x32x16384xf32, #tpu.memory_space<hbm>>
      %dma_wait3A_266 = tpu.memref_squeeze %dma_wait3A_265 : memref<1x32x16384xf32, #tpu.memory_space<hbm>> -> memref<32x16384xf32, #tpu.memory_space<hbm>>
      %dma_wait3A_267 = arith.constant 0 : i32
      %dma_wait3A_268 = tpu.memref_slice %dma_wait3A_266[%add3A, %dma_wait3A_267] : memref<32x16384xf32, #tpu.memory_space<hbm>> -> memref<1x4096xf32, #tpu.memory_space<hbm>>
      %dma_wait3A_269 = tpu.memref_squeeze %dma_wait3A_268 : memref<1x4096xf32, #tpu.memory_space<hbm>> -> memref<4096xf32, #tpu.memory_space<hbm>>
      %dma_wait3A_270 = arith.constant 0 : i32
      %dma_wait3A_271 = arith.constant 0 : i32
      %dma_wait3A_272 = tpu.memref_slice %arg4[%add3A_67, %dma_wait3A_270, %dma_wait3A_271] : memref<26x32x16384xf32, #tpu.memory_space<hbm>> -> memref<1x32x16384xf32, #tpu.memory_space<hbm>>
      %dma_wait3A_273 = tpu.memref_squeeze %dma_wait3A_272 : memref<1x32x16384xf32, #tpu.memory_space<hbm>> -> memref<32x16384xf32, #tpu.memory_space<hbm>>
      %dma_wait3A_274 = arith.constant 0 : i32
      %dma_wait3A_275 = tpu.memref_slice %dma_wait3A_273[%add3A, %dma_wait3A_274] : memref<32x16384xf32, #tpu.memory_space<hbm>> -> memref<1x4096xf32, #tpu.memory_space<hbm>>
      %dma_wait3A_276 = tpu.memref_squeeze %dma_wait3A_275 : memref<1x4096xf32, #tpu.memory_space<hbm>> -> memref<4096xf32, #tpu.memory_space<hbm>>
      %dma_wait3A_277 = arith.constant 0 : i32
      %dma_wait3A_278 = tpu.memref_slice %arg9[%dma_wait3A_259, %dma_wait3A_277] : memref<2x4096xf32, #tpu.memory_space<vmem>> -> memref<1x4096xf32, #tpu.memory_space<vmem>>
      %dma_wait3A_279 = tpu.memref_squeeze %dma_wait3A_278 : memref<1x4096xf32, #tpu.memory_space<vmem>> -> memref<4096xf32, #tpu.memory_space<vmem>>
      tpu.wait_dma2 semaphore(%arg14 : memref<!tpu.dma_semaphore, #tpu.memory_space<semaphore_mem>>) src(%dma_wait3A_279 : memref<4096xf32, #tpu.memory_space<vmem>>) dst(%dma_wait3A_276 : memref<4096xf32, #tpu.memory_space<hbm>>)
      %scan3A_280 = arith.constant 0 : i32
      %scan3A_281 = arith.constant 256 : i32
      %scan3A_282 = arith.addi %scan3A_280, %scan3A_281 : i32
      %scan3A_283 = arith.constant 4 : i32
      scf.for %scan3A_453 = %scan3A_280 to %scan3A_282 step %scan3A_283  : i32 {
        %mul3A_454 = arith.constant 1 : i32
        %mul3A_455 = arith.muli %scan3A_453, %mul3A_454 : i32
        %add3A_456 = arith.constant 0 : i32
        %add3A_457 = arith.addi %add3A_456, %mul3A_455 : i32
        %mul3A_458 = arith.constant 16 : i32
        %mul3A_459 = arith.muli %add3A_457, %mul3A_458 : i32
        %get3A = arith.constant 0 : i32
        %get3A_460 = arith.index_cast %get3A : i32 to index
        %get3A_461 = arith.index_cast %mul3A_459 : i32 to index
        %get3A_462 = tpu.vector_load %arg8[%get3A_460, %get3A_461] {strides = array<i32>} : memref<2x4096xi32, #tpu.memory_space<vmem>>, vector<16xi32>,
        %lt3A_463 = arith.constant 33408 : i32
        %lt3A_464 = vector.broadcast %lt3A_463 : i32 to vector<16xi32>
        %lt3A_465 = arith.cmpi slt, %get3A_462, %lt3A_464 : vector<16xi32>
        %sub3A = arith.constant 0 : i32
        %sub3A_466 = vector.broadcast %sub3A : i32 to vector<16xi32>
        %sub3A_467 = arith.subi %get3A_462, %sub3A_466 : vector<16xi32>
        %gather3A = tpu.vector_load_idx %arg5[%sub3A_467] masked %lt3A_465 : memref<33408xf32, #tpu.memory_space<vmem>>[vector<16xi32>], vector<16xf32>, vector<16xi1>
        %broadcast_in_dim3A = arith.constant 0.000000e+00 : f32
        %broadcast_in_dim3A_468 = vector.broadcast %broadcast_in_dim3A : f32 to vector<16xf32>
        %select_n3A = arith.select %lt3A_465, %gather3A, %broadcast_in_dim3A_468 : vector<16xi1>, vector<16xf32>
        %mul3A_469 = arith.constant 16 : i32
        %mul3A_470 = arith.muli %add3A_457, %mul3A_469 : i32
        %swap3A = arith.constant 0 : i32
        %swap3A_471 = arith.index_cast %swap3A : i32 to index
        %swap3A_472 = arith.index_cast %mul3A_470 : i32 to index
        %swap3A_473 = tpu.vector_load %arg9[%swap3A_471, %swap3A_472] {strides = array<i32>} : memref<2x4096xf32, #tpu.memory_space<vmem>>, vector<16xf32>,
        tpu.vector_store %arg9[%swap3A_471, %swap3A_472], %select_n3A {strides = array<i32>} : memref<2x4096xf32, #tpu.memory_space<vmem>>, vector<16xf32>,
        %scan3A_474 = arith.constant 1 : i32
        %scan3A_475 = arith.addi %scan3A_453, %scan3A_474 : i32
        %mul3A_476 = arith.constant 1 : i32
        %mul3A_477 = arith.muli %scan3A_475, %mul3A_476 : i32
        %add3A_478 = arith.constant 0 : i32
        %add3A_479 = arith.addi %add3A_478, %mul3A_477 : i32
        %mul3A_480 = arith.constant 16 : i32
        %mul3A_481 = arith.muli %add3A_479, %mul3A_480 : i32
        %get3A_482 = arith.constant 0 : i32
        %get3A_483 = arith.index_cast %get3A_482 : i32 to index
        %get3A_484 = arith.index_cast %mul3A_481 : i32 to index
        %get3A_485 = tpu.vector_load %arg8[%get3A_483, %get3A_484] {strides = array<i32>} : memref<2x4096xi32, #tpu.memory_space<vmem>>, vector<16xi32>,
        %lt3A_486 = arith.constant 33408 : i32
        %lt3A_487 = vector.broadcast %lt3A_486 : i32 to vector<16xi32>
        %lt3A_488 = arith.cmpi slt, %get3A_485, %lt3A_487 : vector<16xi32>
        %sub3A_489 = arith.constant 0 : i32
        %sub3A_490 = vector.broadcast %sub3A_489 : i32 to vector<16xi32>
        %sub3A_491 = arith.subi %get3A_485, %sub3A_490 : vector<16xi32>
        %gather3A_492 = tpu.vector_load_idx %arg5[%sub3A_491] masked %lt3A_488 : memref<33408xf32, #tpu.memory_space<vmem>>[vector<16xi32>], vector<16xf32>, vector<16xi1>
        %broadcast_in_dim3A_493 = arith.constant 0.000000e+00 : f32
        %broadcast_in_dim3A_494 = vector.broadcast %broadcast_in_dim3A_493 : f32 to vector<16xf32>
        %select_n3A_495 = arith.select %lt3A_488, %gather3A_492, %broadcast_in_dim3A_494 : vector<16xi1>, vector<16xf32>
        %mul3A_496 = arith.constant 16 : i32
        %mul3A_497 = arith.muli %add3A_479, %mul3A_496 : i32
        %swap3A_498 = arith.constant 0 : i32
        %swap3A_499 = arith.index_cast %swap3A_498 : i32 to index
        %swap3A_500 = arith.index_cast %mul3A_497 : i32 to index
        %swap3A_501 = tpu.vector_load %arg9[%swap3A_499, %swap3A_500] {strides = array<i32>} : memref<2x4096xf32, #tpu.memory_space<vmem>>, vector<16xf32>,
        tpu.vector_store %arg9[%swap3A_499, %swap3A_500], %select_n3A_495 {strides = array<i32>} : memref<2x4096xf32, #tpu.memory_space<vmem>>, vector<16xf32>,
        %scan3A_502 = arith.constant 2 : i32
        %scan3A_503 = arith.addi %scan3A_453, %scan3A_502 : i32
        %mul3A_504 = arith.constant 1 : i32
        %mul3A_505 = arith.muli %scan3A_503, %mul3A_504 : i32
        %add3A_506 = arith.constant 0 : i32
        %add3A_507 = arith.addi %add3A_506, %mul3A_505 : i32
        %mul3A_508 = arith.constant 16 : i32
        %mul3A_509 = arith.muli %add3A_507, %mul3A_508 : i32
        %get3A_510 = arith.constant 0 : i32
        %get3A_511 = arith.index_cast %get3A_510 : i32 to index
        %get3A_512 = arith.index_cast %mul3A_509 : i32 to index
        %get3A_513 = tpu.vector_load %arg8[%get3A_511, %get3A_512] {strides = array<i32>} : memref<2x4096xi32, #tpu.memory_space<vmem>>, vector<16xi32>,
        %lt3A_514 = arith.constant 33408 : i32
        %lt3A_515 = vector.broadcast %lt3A_514 : i32 to vector<16xi32>
        %lt3A_516 = arith.cmpi slt, %get3A_513, %lt3A_515 : vector<16xi32>
        %sub3A_517 = arith.constant 0 : i32
        %sub3A_518 = vector.broadcast %sub3A_517 : i32 to vector<16xi32>
        %sub3A_519 = arith.subi %get3A_513, %sub3A_518 : vector<16xi32>
        %gather3A_520 = tpu.vector_load_idx %arg5[%sub3A_519] masked %lt3A_516 : memref<33408xf32, #tpu.memory_space<vmem>>[vector<16xi32>], vector<16xf32>, vector<16xi1>
        %broadcast_in_dim3A_521 = arith.constant 0.000000e+00 : f32
        %broadcast_in_dim3A_522 = vector.broadcast %broadcast_in_dim3A_521 : f32 to vector<16xf32>
        %select_n3A_523 = arith.select %lt3A_516, %gather3A_520, %broadcast_in_dim3A_522 : vector<16xi1>, vector<16xf32>
        %mul3A_524 = arith.constant 16 : i32
        %mul3A_525 = arith.muli %add3A_507, %mul3A_524 : i32
        %swap3A_526 = arith.constant 0 : i32
        %swap3A_527 = arith.index_cast %swap3A_526 : i32 to index
        %swap3A_528 = arith.index_cast %mul3A_525 : i32 to index
        %swap3A_529 = tpu.vector_load %arg9[%swap3A_527, %swap3A_528] {strides = array<i32>} : memref<2x4096xf32, #tpu.memory_space<vmem>>, vector<16xf32>,
        tpu.vector_store %arg9[%swap3A_527, %swap3A_528], %select_n3A_523 {strides = array<i32>} : memref<2x4096xf32, #tpu.memory_space<vmem>>, vector<16xf32>,
        %scan3A_530 = arith.constant 3 : i32
        %scan3A_531 = arith.addi %scan3A_453, %scan3A_530 : i32
        %mul3A_532 = arith.constant 1 : i32
        %mul3A_533 = arith.muli %scan3A_531, %mul3A_532 : i32
        %add3A_534 = arith.constant 0 : i32
        %add3A_535 = arith.addi %add3A_534, %mul3A_533 : i32
        %mul3A_536 = arith.constant 16 : i32
        %mul3A_537 = arith.muli %add3A_535, %mul3A_536 : i32
        %get3A_538 = arith.constant 0 : i32
        %get3A_539 = arith.index_cast %get3A_538 : i32 to index
        %get3A_540 = arith.index_cast %mul3A_537 : i32 to index
        %get3A_541 = tpu.vector_load %arg8[%get3A_539, %get3A_540] {strides = array<i32>} : memref<2x4096xi32, #tpu.memory_space<vmem>>, vector<16xi32>,
        %lt3A_542 = arith.constant 33408 : i32
        %lt3A_543 = vector.broadcast %lt3A_542 : i32 to vector<16xi32>
        %lt3A_544 = arith.cmpi slt, %get3A_541, %lt3A_543 : vector<16xi32>
        %sub3A_545 = arith.constant 0 : i32
        %sub3A_546 = vector.broadcast %sub3A_545 : i32 to vector<16xi32>
        %sub3A_547 = arith.subi %get3A_541, %sub3A_546 : vector<16xi32>
        %gather3A_548 = tpu.vector_load_idx %arg5[%sub3A_547] masked %lt3A_544 : memref<33408xf32, #tpu.memory_space<vmem>>[vector<16xi32>], vector<16xf32>, vector<16xi1>
        %broadcast_in_dim3A_549 = arith.constant 0.000000e+00 : f32
        %broadcast_in_dim3A_550 = vector.broadcast %broadcast_in_dim3A_549 : f32 to vector<16xf32>
        %select_n3A_551 = arith.select %lt3A_544, %gather3A_548, %broadcast_in_dim3A_550 : vector<16xi1>, vector<16xf32>
        %mul3A_552 = arith.constant 16 : i32
        %mul3A_553 = arith.muli %add3A_535, %mul3A_552 : i32
        %swap3A_554 = arith.constant 0 : i32
        %swap3A_555 = arith.index_cast %swap3A_554 : i32 to index
        %swap3A_556 = arith.index_cast %mul3A_553 : i32 to index
        %swap3A_557 = tpu.vector_load %arg9[%swap3A_555, %swap3A_556] {strides = array<i32>} : memref<2x4096xf32, #tpu.memory_space<vmem>>, vector<16xf32>,
        tpu.vector_store %arg9[%swap3A_555, %swap3A_556], %select_n3A_551 {strides = array<i32>} : memref<2x4096xf32, #tpu.memory_space<vmem>>, vector<16xf32>,
      }
      %scan3A_284 = arith.constant 256 : i32
      %scan3A_285 = arith.constant 0 : i32
      %scan3A_286 = arith.constant 256 : i32
      %scan3A_287 = arith.addi %scan3A_285, %scan3A_286 : i32
      %scan3A_288 = arith.constant 4 : i32
      scf.for %scan3A_453 = %scan3A_285 to %scan3A_287 step %scan3A_288  : i32 {
        %mul3A_454 = arith.constant 1 : i32
        %mul3A_455 = arith.muli %scan3A_453, %mul3A_454 : i32
        %add3A_456 = arith.constant 0 : i32
        %add3A_457 = arith.addi %add3A_456, %mul3A_455 : i32
        %mul3A_458 = arith.constant 16 : i32
        %mul3A_459 = arith.muli %add3A_457, %mul3A_458 : i32
        %get3A = arith.constant 0 : i32
        %get3A_460 = arith.index_cast %get3A : i32 to index
        %get3A_461 = arith.index_cast %mul3A_459 : i32 to index
        %get3A_462 = tpu.vector_load %arg8[%get3A_460, %get3A_461] {strides = array<i32>} : memref<2x4096xi32, #tpu.memory_space<vmem>>, vector<16xi32>,
        %ge3A = arith.constant 33408 : i32
        %ge3A_463 = vector.broadcast %ge3A : i32 to vector<16xi32>
        %ge3A_464 = arith.cmpi sge, %get3A_462, %ge3A_463 : vector<16xi32>
        %lt3A_465 = arith.constant 66816 : i32
        %lt3A_466 = vector.broadcast %lt3A_465 : i32 to vector<16xi32>
        %lt3A_467 = arith.cmpi slt, %get3A_462, %lt3A_466 : vector<16xi32>
        %and3A = arith.andi %ge3A_464, %lt3A_467 : vector<16xi1>
        %sub3A = arith.constant 33408 : i32
        %sub3A_468 = vector.broadcast %sub3A : i32 to vector<16xi32>
        %sub3A_469 = arith.subi %get3A_462, %sub3A_468 : vector<16xi32>
        %gather3A = tpu.vector_load_idx %arg6[%sub3A_469] masked %and3A : memref<33408xf32, #tpu.memory_space<vmem>>[vector<16xi32>], vector<16xf32>, vector<16xi1>
        %mul3A_470 = arith.constant 16 : i32
        %mul3A_471 = arith.muli %add3A_457, %mul3A_470 : i32
        %get3A_472 = arith.constant 0 : i32
        %get3A_473 = arith.index_cast %get3A_472 : i32 to index
        %get3A_474 = arith.index_cast %mul3A_471 : i32 to index
        %get3A_475 = tpu.vector_load %arg9[%get3A_473, %get3A_474] {strides = array<i32>} : memref<2x4096xf32, #tpu.memory_space<vmem>>, vector<16xf32>,
        %select_n3A = arith.select %and3A, %gather3A, %get3A_475 : vector<16xi1>, vector<16xf32>
        %mul3A_476 = arith.constant 16 : i32
        %mul3A_477 = arith.muli %add3A_457, %mul3A_476 : i32
        %swap3A = arith.constant 0 : i32
        %swap3A_478 = arith.index_cast %swap3A : i32 to index
        %swap3A_479 = arith.index_cast %mul3A_477 : i32 to index
        %swap3A_480 = tpu.vector_load %arg9[%swap3A_478, %swap3A_479] {strides = array<i32>} : memref<2x4096xf32, #tpu.memory_space<vmem>>, vector<16xf32>,
        tpu.vector_store %arg9[%swap3A_478, %swap3A_479], %select_n3A {strides = array<i32>} : memref<2x4096xf32, #tpu.memory_space<vmem>>, vector<16xf32>,
        %scan3A_481 = arith.constant 1 : i32
        %scan3A_482 = arith.addi %scan3A_453, %scan3A_481 : i32
        %mul3A_483 = arith.constant 1 : i32
        %mul3A_484 = arith.muli %scan3A_482, %mul3A_483 : i32
        %add3A_485 = arith.constant 0 : i32
        %add3A_486 = arith.addi %add3A_485, %mul3A_484 : i32
        %mul3A_487 = arith.constant 16 : i32
        %mul3A_488 = arith.muli %add3A_486, %mul3A_487 : i32
        %get3A_489 = arith.constant 0 : i32
        %get3A_490 = arith.index_cast %get3A_489 : i32 to index
        %get3A_491 = arith.index_cast %mul3A_488 : i32 to index
        %get3A_492 = tpu.vector_load %arg8[%get3A_490, %get3A_491] {strides = array<i32>} : memref<2x4096xi32, #tpu.memory_space<vmem>>, vector<16xi32>,
        %ge3A_493 = arith.constant 33408 : i32
        %ge3A_494 = vector.broadcast %ge3A_493 : i32 to vector<16xi32>
        %ge3A_495 = arith.cmpi sge, %get3A_492, %ge3A_494 : vector<16xi32>
        %lt3A_496 = arith.constant 66816 : i32
        %lt3A_497 = vector.broadcast %lt3A_496 : i32 to vector<16xi32>
        %lt3A_498 = arith.cmpi slt, %get3A_492, %lt3A_497 : vector<16xi32>
        %and3A_499 = arith.andi %ge3A_495, %lt3A_498 : vector<16xi1>
        %sub3A_500 = arith.constant 33408 : i32
        %sub3A_501 = vector.broadcast %sub3A_500 : i32 to vector<16xi32>
        %sub3A_502 = arith.subi %get3A_492, %sub3A_501 : vector<16xi32>
        %gather3A_503 = tpu.vector_load_idx %arg6[%sub3A_502] masked %and3A_499 : memref<33408xf32, #tpu.memory_space<vmem>>[vector<16xi32>], vector<16xf32>, vector<16xi1>
        %mul3A_504 = arith.constant 16 : i32
        %mul3A_505 = arith.muli %add3A_486, %mul3A_504 : i32
        %get3A_506 = arith.constant 0 : i32
        %get3A_507 = arith.index_cast %get3A_506 : i32 to index
        %get3A_508 = arith.index_cast %mul3A_505 : i32 to index
        %get3A_509 = tpu.vector_load %arg9[%get3A_507, %get3A_508] {strides = array<i32>} : memref<2x4096xf32, #tpu.memory_space<vmem>>, vector<16xf32>,
        %select_n3A_510 = arith.select %and3A_499, %gather3A_503, %get3A_509 : vector<16xi1>, vector<16xf32>
        %mul3A_511 = arith.constant 16 : i32
        %mul3A_512 = arith.muli %add3A_486, %mul3A_511 : i32
        %swap3A_513 = arith.constant 0 : i32
        %swap3A_514 = arith.index_cast %swap3A_513 : i32 to index
        %swap3A_515 = arith.index_cast %mul3A_512 : i32 to index
        %swap3A_516 = tpu.vector_load %arg9[%swap3A_514, %swap3A_515] {strides = array<i32>} : memref<2x4096xf32, #tpu.memory_space<vmem>>, vector<16xf32>,
        tpu.vector_store %arg9[%swap3A_514, %swap3A_515], %select_n3A_510 {strides = array<i32>} : memref<2x4096xf32, #tpu.memory_space<vmem>>, vector<16xf32>,
        %scan3A_517 = arith.constant 2 : i32
        %scan3A_518 = arith.addi %scan3A_453, %scan3A_517 : i32
        %mul3A_519 = arith.constant 1 : i32
        %mul3A_520 = arith.muli %scan3A_518, %mul3A_519 : i32
        %add3A_521 = arith.constant 0 : i32
        %add3A_522 = arith.addi %add3A_521, %mul3A_520 : i32
        %mul3A_523 = arith.constant 16 : i32
        %mul3A_524 = arith.muli %add3A_522, %mul3A_523 : i32
        %get3A_525 = arith.constant 0 : i32
        %get3A_526 = arith.index_cast %get3A_525 : i32 to index
        %get3A_527 = arith.index_cast %mul3A_524 : i32 to index
        %get3A_528 = tpu.vector_load %arg8[%get3A_526, %get3A_527] {strides = array<i32>} : memref<2x4096xi32, #tpu.memory_space<vmem>>, vector<16xi32>,
        %ge3A_529 = arith.constant 33408 : i32
        %ge3A_530 = vector.broadcast %ge3A_529 : i32 to vector<16xi32>
        %ge3A_531 = arith.cmpi sge, %get3A_528, %ge3A_530 : vector<16xi32>
        %lt3A_532 = arith.constant 66816 : i32
        %lt3A_533 = vector.broadcast %lt3A_532 : i32 to vector<16xi32>
        %lt3A_534 = arith.cmpi slt, %get3A_528, %lt3A_533 : vector<16xi32>
        %and3A_535 = arith.andi %ge3A_531, %lt3A_534 : vector<16xi1>
        %sub3A_536 = arith.constant 33408 : i32
        %sub3A_537 = vector.broadcast %sub3A_536 : i32 to vector<16xi32>
        %sub3A_538 = arith.subi %get3A_528, %sub3A_537 : vector<16xi32>
        %gather3A_539 = tpu.vector_load_idx %arg6[%sub3A_538] masked %and3A_535 : memref<33408xf32, #tpu.memory_space<vmem>>[vector<16xi32>], vector<16xf32>, vector<16xi1>
        %mul3A_540 = arith.constant 16 : i32
        %mul3A_541 = arith.muli %add3A_522, %mul3A_540 : i32
        %get3A_542 = arith.constant 0 : i32
        %get3A_543 = arith.index_cast %get3A_542 : i32 to index
        %get3A_544 = arith.index_cast %mul3A_541 : i32 to index
        %get3A_545 = tpu.vector_load %arg9[%get3A_543, %get3A_544] {strides = array<i32>} : memref<2x4096xf32, #tpu.memory_space<vmem>>, vector<16xf32>,
        %select_n3A_546 = arith.select %and3A_535, %gather3A_539, %get3A_545 : vector<16xi1>, vector<16xf32>
        %mul3A_547 = arith.constant 16 : i32
        %mul3A_548 = arith.muli %add3A_522, %mul3A_547 : i32
        %swap3A_549 = arith.constant 0 : i32
        %swap3A_550 = arith.index_cast %swap3A_549 : i32 to index
        %swap3A_551 = arith.index_cast %mul3A_548 : i32 to index
        %swap3A_552 = tpu.vector_load %arg9[%swap3A_550, %swap3A_551] {strides = array<i32>} : memref<2x4096xf32, #tpu.memory_space<vmem>>, vector<16xf32>,
        tpu.vector_store %arg9[%swap3A_550, %swap3A_551], %select_n3A_546 {strides = array<i32>} : memref<2x4096xf32, #tpu.memory_space<vmem>>, vector<16xf32>,
        %scan3A_553 = arith.constant 3 : i32
        %scan3A_554 = arith.addi %scan3A_453, %scan3A_553 : i32
        %mul3A_555 = arith.constant 1 : i32
        %mul3A_556 = arith.muli %scan3A_554, %mul3A_555 : i32
        %add3A_557 = arith.constant 0 : i32
        %add3A_558 = arith.addi %add3A_557, %mul3A_556 : i32
        %mul3A_559 = arith.constant 16 : i32
        %mul3A_560 = arith.muli %add3A_558, %mul3A_559 : i32
        %get3A_561 = arith.constant 0 : i32
        %get3A_562 = arith.index_cast %get3A_561 : i32 to index
        %get3A_563 = arith.index_cast %mul3A_560 : i32 to index
        %get3A_564 = tpu.vector_load %arg8[%get3A_562, %get3A_563] {strides = array<i32>} : memref<2x4096xi32, #tpu.memory_space<vmem>>, vector<16xi32>,
        %ge3A_565 = arith.constant 33408 : i32
        %ge3A_566 = vector.broadcast %ge3A_565 : i32 to vector<16xi32>
        %ge3A_567 = arith.cmpi sge, %get3A_564, %ge3A_566 : vector<16xi32>
        %lt3A_568 = arith.constant 66816 : i32
        %lt3A_569 = vector.broadcast %lt3A_568 : i32 to vector<16xi32>
        %lt3A_570 = arith.cmpi slt, %get3A_564, %lt3A_569 : vector<16xi32>
        %and3A_571 = arith.andi %ge3A_567, %lt3A_570 : vector<16xi1>
        %sub3A_572 = arith.constant 33408 : i32
        %sub3A_573 = vector.broadcast %sub3A_572 : i32 to vector<16xi32>
        %sub3A_574 = arith.subi %get3A_564, %sub3A_573 : vector<16xi32>
        %gather3A_575 = tpu.vector_load_idx %arg6[%sub3A_574] masked %and3A_571 : memref<33408xf32, #tpu.memory_space<vmem>>[vector<16xi32>], vector<16xf32>, vector<16xi1>
        %mul3A_576 = arith.constant 16 : i32
        %mul3A_577 = arith.muli %add3A_558, %mul3A_576 : i32
        %get3A_578 = arith.constant 0 : i32
        %get3A_579 = arith.index_cast %get3A_578 : i32 to index
        %get3A_580 = arith.index_cast %mul3A_577 : i32 to index
        %get3A_581 = tpu.vector_load %arg9[%get3A_579, %get3A_580] {strides = array<i32>} : memref<2x4096xf32, #tpu.memory_space<vmem>>, vector<16xf32>,
        %select_n3A_582 = arith.select %and3A_571, %gather3A_575, %get3A_581 : vector<16xi1>, vector<16xf32>
        %mul3A_583 = arith.constant 16 : i32
        %mul3A_584 = arith.muli %add3A_558, %mul3A_583 : i32
        %swap3A_585 = arith.constant 0 : i32
        %swap3A_586 = arith.index_cast %swap3A_585 : i32 to index
        %swap3A_587 = arith.index_cast %mul3A_584 : i32 to index
        %swap3A_588 = tpu.vector_load %arg9[%swap3A_586, %swap3A_587] {strides = array<i32>} : memref<2x4096xf32, #tpu.memory_space<vmem>>, vector<16xf32>,
        tpu.vector_store %arg9[%swap3A_586, %swap3A_587], %select_n3A_582 {strides = array<i32>} : memref<2x4096xf32, #tpu.memory_space<vmem>>, vector<16xf32>,
      }
      %scan3A_289 = arith.constant 256 : i32
      %scan3A_290 = arith.constant 0 : i32
      %scan3A_291 = arith.constant 256 : i32
      %scan3A_292 = arith.addi %scan3A_290, %scan3A_291 : i32
      %scan3A_293 = arith.constant 4 : i32
      scf.for %scan3A_453 = %scan3A_290 to %scan3A_292 step %scan3A_293  : i32 {
        %mul3A_454 = arith.constant 1 : i32
        %mul3A_455 = arith.muli %scan3A_453, %mul3A_454 : i32
        %add3A_456 = arith.constant 0 : i32
        %add3A_457 = arith.addi %add3A_456, %mul3A_455 : i32
        %mul3A_458 = arith.constant 16 : i32
        %mul3A_459 = arith.muli %add3A_457, %mul3A_458 : i32
        %get3A = arith.constant 0 : i32
        %get3A_460 = arith.index_cast %get3A : i32 to index
        %get3A_461 = arith.index_cast %mul3A_459 : i32 to index
        %get3A_462 = tpu.vector_load %arg8[%get3A_460, %get3A_461] {strides = array<i32>} : memref<2x4096xi32, #tpu.memory_space<vmem>>, vector<16xi32>,
        %ge3A = arith.constant 66816 : i32
        %ge3A_463 = vector.broadcast %ge3A : i32 to vector<16xi32>
        %ge3A_464 = arith.cmpi sge, %get3A_462, %ge3A_463 : vector<16xi32>
        %sub3A = arith.constant 66816 : i32
        %sub3A_465 = vector.broadcast %sub3A : i32 to vector<16xi32>
        %sub3A_466 = arith.subi %get3A_462, %sub3A_465 : vector<16xi32>
        %gather3A = tpu.vector_load_idx %arg7[%sub3A_466] masked %ge3A_464 : memref<33185xf32, #tpu.memory_space<vmem>>[vector<16xi32>], vector<16xf32>, vector<16xi1>
        %mul3A_467 = arith.constant 16 : i32
        %mul3A_468 = arith.muli %add3A_457, %mul3A_467 : i32
        %get3A_469 = arith.constant 0 : i32
        %get3A_470 = arith.index_cast %get3A_469 : i32 to index
        %get3A_471 = arith.index_cast %mul3A_468 : i32 to index
        %get3A_472 = tpu.vector_load %arg9[%get3A_470, %get3A_471] {strides = array<i32>} : memref<2x4096xf32, #tpu.memory_space<vmem>>, vector<16xf32>,
        %select_n3A = arith.select %ge3A_464, %gather3A, %get3A_472 : vector<16xi1>, vector<16xf32>
        %mul3A_473 = arith.constant 16 : i32
        %mul3A_474 = arith.muli %add3A_457, %mul3A_473 : i32
        %swap3A = arith.constant 0 : i32
        %swap3A_475 = arith.index_cast %swap3A : i32 to index
        %swap3A_476 = arith.index_cast %mul3A_474 : i32 to index
        %swap3A_477 = tpu.vector_load %arg9[%swap3A_475, %swap3A_476] {strides = array<i32>} : memref<2x4096xf32, #tpu.memory_space<vmem>>, vector<16xf32>,
        tpu.vector_store %arg9[%swap3A_475, %swap3A_476], %select_n3A {strides = array<i32>} : memref<2x4096xf32, #tpu.memory_space<vmem>>, vector<16xf32>,
        %scan3A_478 = arith.constant 1 : i32
        %scan3A_479 = arith.addi %scan3A_453, %scan3A_478 : i32
        %mul3A_480 = arith.constant 1 : i32
        %mul3A_481 = arith.muli %scan3A_479, %mul3A_480 : i32
        %add3A_482 = arith.constant 0 : i32
        %add3A_483 = arith.addi %add3A_482, %mul3A_481 : i32
        %mul3A_484 = arith.constant 16 : i32
        %mul3A_485 = arith.muli %add3A_483, %mul3A_484 : i32
        %get3A_486 = arith.constant 0 : i32
        %get3A_487 = arith.index_cast %get3A_486 : i32 to index
        %get3A_488 = arith.index_cast %mul3A_485 : i32 to index
        %get3A_489 = tpu.vector_load %arg8[%get3A_487, %get3A_488] {strides = array<i32>} : memref<2x4096xi32, #tpu.memory_space<vmem>>, vector<16xi32>,
        %ge3A_490 = arith.constant 66816 : i32
        %ge3A_491 = vector.broadcast %ge3A_490 : i32 to vector<16xi32>
        %ge3A_492 = arith.cmpi sge, %get3A_489, %ge3A_491 : vector<16xi32>
        %sub3A_493 = arith.constant 66816 : i32
        %sub3A_494 = vector.broadcast %sub3A_493 : i32 to vector<16xi32>
        %sub3A_495 = arith.subi %get3A_489, %sub3A_494 : vector<16xi32>
        %gather3A_496 = tpu.vector_load_idx %arg7[%sub3A_495] masked %ge3A_492 : memref<33185xf32, #tpu.memory_space<vmem>>[vector<16xi32>], vector<16xf32>, vector<16xi1>
        %mul3A_497 = arith.constant 16 : i32
        %mul3A_498 = arith.muli %add3A_483, %mul3A_497 : i32
        %get3A_499 = arith.constant 0 : i32
        %get3A_500 = arith.index_cast %get3A_499 : i32 to index
        %get3A_501 = arith.index_cast %mul3A_498 : i32 to index
        %get3A_502 = tpu.vector_load %arg9[%get3A_500, %get3A_501] {strides = array<i32>} : memref<2x4096xf32, #tpu.memory_space<vmem>>, vector<16xf32>,
        %select_n3A_503 = arith.select %ge3A_492, %gather3A_496, %get3A_502 : vector<16xi1>, vector<16xf32>
        %mul3A_504 = arith.constant 16 : i32
        %mul3A_505 = arith.muli %add3A_483, %mul3A_504 : i32
        %swap3A_506 = arith.constant 0 : i32
        %swap3A_507 = arith.index_cast %swap3A_506 : i32 to index
        %swap3A_508 = arith.index_cast %mul3A_505 : i32 to index
        %swap3A_509 = tpu.vector_load %arg9[%swap3A_507, %swap3A_508] {strides = array<i32>} : memref<2x4096xf32, #tpu.memory_space<vmem>>, vector<16xf32>,
        tpu.vector_store %arg9[%swap3A_507, %swap3A_508], %select_n3A_503 {strides = array<i32>} : memref<2x4096xf32, #tpu.memory_space<vmem>>, vector<16xf32>,
        %scan3A_510 = arith.constant 2 : i32
        %scan3A_511 = arith.addi %scan3A_453, %scan3A_510 : i32
        %mul3A_512 = arith.constant 1 : i32
        %mul3A_513 = arith.muli %scan3A_511, %mul3A_512 : i32
        %add3A_514 = arith.constant 0 : i32
        %add3A_515 = arith.addi %add3A_514, %mul3A_513 : i32
        %mul3A_516 = arith.constant 16 : i32
        %mul3A_517 = arith.muli %add3A_515, %mul3A_516 : i32
        %get3A_518 = arith.constant 0 : i32
        %get3A_519 = arith.index_cast %get3A_518 : i32 to index
        %get3A_520 = arith.index_cast %mul3A_517 : i32 to index
        %get3A_521 = tpu.vector_load %arg8[%get3A_519, %get3A_520] {strides = array<i32>} : memref<2x4096xi32, #tpu.memory_space<vmem>>, vector<16xi32>,
        %ge3A_522 = arith.constant 66816 : i32
        %ge3A_523 = vector.broadcast %ge3A_522 : i32 to vector<16xi32>
        %ge3A_524 = arith.cmpi sge, %get3A_521, %ge3A_523 : vector<16xi32>
        %sub3A_525 = arith.constant 66816 : i32
        %sub3A_526 = vector.broadcast %sub3A_525 : i32 to vector<16xi32>
        %sub3A_527 = arith.subi %get3A_521, %sub3A_526 : vector<16xi32>
        %gather3A_528 = tpu.vector_load_idx %arg7[%sub3A_527] masked %ge3A_524 : memref<33185xf32, #tpu.memory_space<vmem>>[vector<16xi32>], vector<16xf32>, vector<16xi1>
        %mul3A_529 = arith.constant 16 : i32
        %mul3A_530 = arith.muli %add3A_515, %mul3A_529 : i32
        %get3A_531 = arith.constant 0 : i32
        %get3A_532 = arith.index_cast %get3A_531 : i32 to index
        %get3A_533 = arith.index_cast %mul3A_530 : i32 to index
        %get3A_534 = tpu.vector_load %arg9[%get3A_532, %get3A_533] {strides = array<i32>} : memref<2x4096xf32, #tpu.memory_space<vmem>>, vector<16xf32>,
        %select_n3A_535 = arith.select %ge3A_524, %gather3A_528, %get3A_534 : vector<16xi1>, vector<16xf32>
        %mul3A_536 = arith.constant 16 : i32
        %mul3A_537 = arith.muli %add3A_515, %mul3A_536 : i32
        %swap3A_538 = arith.constant 0 : i32
        %swap3A_539 = arith.index_cast %swap3A_538 : i32 to index
        %swap3A_540 = arith.index_cast %mul3A_537 : i32 to index
        %swap3A_541 = tpu.vector_load %arg9[%swap3A_539, %swap3A_540] {strides = array<i32>} : memref<2x4096xf32, #tpu.memory_space<vmem>>, vector<16xf32>,
        tpu.vector_store %arg9[%swap3A_539, %swap3A_540], %select_n3A_535 {strides = array<i32>} : memref<2x4096xf32, #tpu.memory_space<vmem>>, vector<16xf32>,
        %scan3A_542 = arith.constant 3 : i32
        %scan3A_543 = arith.addi %scan3A_453, %scan3A_542 : i32
        %mul3A_544 = arith.constant 1 : i32
        %mul3A_545 = arith.muli %scan3A_543, %mul3A_544 : i32
        %add3A_546 = arith.constant 0 : i32
        %add3A_547 = arith.addi %add3A_546, %mul3A_545 : i32
        %mul3A_548 = arith.constant 16 : i32
        %mul3A_549 = arith.muli %add3A_547, %mul3A_548 : i32
        %get3A_550 = arith.constant 0 : i32
        %get3A_551 = arith.index_cast %get3A_550 : i32 to index
        %get3A_552 = arith.index_cast %mul3A_549 : i32 to index
        %get3A_553 = tpu.vector_load %arg8[%get3A_551, %get3A_552] {strides = array<i32>} : memref<2x4096xi32, #tpu.memory_space<vmem>>, vector<16xi32>,
        %ge3A_554 = arith.constant 66816 : i32
        %ge3A_555 = vector.broadcast %ge3A_554 : i32 to vector<16xi32>
        %ge3A_556 = arith.cmpi sge, %get3A_553, %ge3A_555 : vector<16xi32>
        %sub3A_557 = arith.constant 66816 : i32
        %sub3A_558 = vector.broadcast %sub3A_557 : i32 to vector<16xi32>
        %sub3A_559 = arith.subi %get3A_553, %sub3A_558 : vector<16xi32>
        %gather3A_560 = tpu.vector_load_idx %arg7[%sub3A_559] masked %ge3A_556 : memref<33185xf32, #tpu.memory_space<vmem>>[vector<16xi32>], vector<16xf32>, vector<16xi1>
        %mul3A_561 = arith.constant 16 : i32
        %mul3A_562 = arith.muli %add3A_547, %mul3A_561 : i32
        %get3A_563 = arith.constant 0 : i32
        %get3A_564 = arith.index_cast %get3A_563 : i32 to index
        %get3A_565 = arith.index_cast %mul3A_562 : i32 to index
        %get3A_566 = tpu.vector_load %arg9[%get3A_564, %get3A_565] {strides = array<i32>} : memref<2x4096xf32, #tpu.memory_space<vmem>>, vector<16xf32>,
        %select_n3A_567 = arith.select %ge3A_556, %gather3A_560, %get3A_566 : vector<16xi1>, vector<16xf32>
        %mul3A_568 = arith.constant 16 : i32
        %mul3A_569 = arith.muli %add3A_547, %mul3A_568 : i32
        %swap3A_570 = arith.constant 0 : i32
        %swap3A_571 = arith.index_cast %swap3A_570 : i32 to index
        %swap3A_572 = arith.index_cast %mul3A_569 : i32 to index
        %swap3A_573 = tpu.vector_load %arg9[%swap3A_571, %swap3A_572] {strides = array<i32>} : memref<2x4096xf32, #tpu.memory_space<vmem>>, vector<16xf32>,
        tpu.vector_store %arg9[%swap3A_571, %swap3A_572], %select_n3A_567 {strides = array<i32>} : memref<2x4096xf32, #tpu.memory_space<vmem>>, vector<16xf32>,
      }
      %scan3A_294 = arith.constant 256 : i32
      %dma_start3A_295 = arith.constant 0 : i32
      %dma_start3A_296 = arith.constant 0 : i32
      %dma_start3A_297 = tpu.memref_slice %arg9[%dma_start3A_295, %dma_start3A_296] : memref<2x4096xf32, #tpu.memory_space<vmem>> -> memref<1x4096xf32, #tpu.memory_space<vmem>>
      %dma_start3A_298 = tpu.memref_squeeze %dma_start3A_297 : memref<1x4096xf32, #tpu.memory_space<vmem>> -> memref<4096xf32, #tpu.memory_space<vmem>>
      %dma_start3A_299 = arith.constant 0 : i32
      %dma_start3A_300 = arith.constant 0 : i32
      %dma_start3A_301 = tpu.memref_slice %arg4[%add3A_67, %dma_start3A_299, %dma_start3A_300] : memref<26x32x16384xf32, #tpu.memory_space<hbm>> -> memref<1x32x16384xf32, #tpu.memory_space<hbm>>
      %dma_start3A_302 = tpu.memref_squeeze %dma_start3A_301 : memref<1x32x16384xf32, #tpu.memory_space<hbm>> -> memref<32x16384xf32, #tpu.memory_space<hbm>>
      %dma_start3A_303 = arith.constant 8192 : i32
      %dma_start3A_304 = tpu.memref_slice %dma_start3A_302[%add3A, %dma_start3A_303] : memref<32x16384xf32, #tpu.memory_space<hbm>> -> memref<1x4096xf32, #tpu.memory_space<hbm>>
      %dma_start3A_305 = tpu.memref_squeeze %dma_start3A_304 : memref<1x4096xf32, #tpu.memory_space<hbm>> -> memref<4096xf32, #tpu.memory_space<hbm>>
      %dma_start3A_306 = arith.constant 0 : i32
      %dma_start3A_307 = arith.constant 0 : i32
      %dma_start3A_308 = tpu.memref_slice %arg4[%add3A_67, %dma_start3A_306, %dma_start3A_307] : memref<26x32x16384xf32, #tpu.memory_space<hbm>> -> memref<1x32x16384xf32, #tpu.memory_space<hbm>>
      %dma_start3A_309 = tpu.memref_squeeze %dma_start3A_308 : memref<1x32x16384xf32, #tpu.memory_space<hbm>> -> memref<32x16384xf32, #tpu.memory_space<hbm>>
      %dma_start3A_310 = arith.constant 8192 : i32
      %dma_start3A_311 = tpu.memref_slice %dma_start3A_309[%add3A, %dma_start3A_310] : memref<32x16384xf32, #tpu.memory_space<hbm>> -> memref<1x4096xf32, #tpu.memory_space<hbm>>
      %dma_start3A_312 = tpu.memref_squeeze %dma_start3A_311 : memref<1x4096xf32, #tpu.memory_space<hbm>> -> memref<4096xf32, #tpu.memory_space<hbm>>
      %dma_start3A_313 = arith.constant 0 : i32
      %dma_start3A_314 = tpu.memref_slice %arg9[%dma_start3A_295, %dma_start3A_313] : memref<2x4096xf32, #tpu.memory_space<vmem>> -> memref<1x4096xf32, #tpu.memory_space<vmem>>
      %dma_start3A_315 = tpu.memref_squeeze %dma_start3A_314 : memref<1x4096xf32, #tpu.memory_space<vmem>> -> memref<4096xf32, #tpu.memory_space<vmem>>
      tpu.enqueue_dma source(%dma_start3A_315 : memref<4096xf32, #tpu.memory_space<vmem>>) target(%dma_start3A_312 : memref<4096xf32, #tpu.memory_space<hbm>>) target_semaphore(%arg14 : memref<!tpu.dma_semaphore, #tpu.memory_space<semaphore_mem>>)
      %dma_wait3A_316 = arith.constant 1 : i32
      %dma_wait3A_317 = arith.constant 0 : i32
      %dma_wait3A_318 = tpu.memref_slice %arg8[%dma_wait3A_316, %dma_wait3A_317] : memref<2x4096xi32, #tpu.memory_space<vmem>> -> memref<1x4096xi32, #tpu.memory_space<vmem>>
      %dma_wait3A_319 = tpu.memref_squeeze %dma_wait3A_318 : memref<1x4096xi32, #tpu.memory_space<vmem>> -> memref<4096xi32, #tpu.memory_space<vmem>>
      %dma_wait3A_320 = arith.constant 12288 : i32
      %dma_wait3A_321 = tpu.memref_slice %arg3[%add3A_67, %dma_wait3A_320] : memref<26x16384xi32, #tpu.memory_space<hbm>> -> memref<1x4096xi32, #tpu.memory_space<hbm>>
      %dma_wait3A_322 = tpu.memref_squeeze %dma_wait3A_321 : memref<1x4096xi32, #tpu.memory_space<hbm>> -> memref<4096xi32, #tpu.memory_space<hbm>>
      %dma_wait3A_323 = arith.constant 0 : i32
      %dma_wait3A_324 = tpu.memref_slice %arg8[%dma_wait3A_316, %dma_wait3A_323] : memref<2x4096xi32, #tpu.memory_space<vmem>> -> memref<1x4096xi32, #tpu.memory_space<vmem>>
      %dma_wait3A_325 = tpu.memref_squeeze %dma_wait3A_324 : memref<1x4096xi32, #tpu.memory_space<vmem>> -> memref<4096xi32, #tpu.memory_space<vmem>>
      %dma_wait3A_326 = arith.constant 12288 : i32
      %dma_wait3A_327 = tpu.memref_slice %arg3[%add3A_67, %dma_wait3A_326] : memref<26x16384xi32, #tpu.memory_space<hbm>> -> memref<1x4096xi32, #tpu.memory_space<hbm>>
      %dma_wait3A_328 = tpu.memref_squeeze %dma_wait3A_327 : memref<1x4096xi32, #tpu.memory_space<hbm>> -> memref<4096xi32, #tpu.memory_space<hbm>>
      tpu.wait_dma2 semaphore(%arg13 : memref<!tpu.dma_semaphore, #tpu.memory_space<semaphore_mem>>) src(%dma_wait3A_328 : memref<4096xi32, #tpu.memory_space<hbm>>) dst(%dma_wait3A_325 : memref<4096xi32, #tpu.memory_space<vmem>>)
      %add3A_329 = arith.constant 1 : i32
      %add3A_330 = arith.addi %add3A_67, %add3A_329 : i32
      %lt3A = arith.constant 26 : i32
      %lt3A_331 = arith.cmpi slt, %add3A_330, %lt3A : i32
      %convert_element_type3A = arith.extui %lt3A_331 : i1 to i32
      %cond3A = arith.constant 0 : i32
      %cond3A_332 = arith.cmpi ne, %convert_element_type3A, %cond3A : i32
      scf.if %cond3A_332 {
        %add3A_453 = arith.constant 1 : i32
        %add3A_454 = arith.addi %add3A_67, %add3A_453 : i32
        %dma_start3A_455 = arith.constant 0 : i32
        %dma_start3A_456 = arith.constant 0 : i32
        %dma_start3A_457 = tpu.memref_slice %arg8[%dma_start3A_455, %dma_start3A_456] : memref<2x4096xi32, #tpu.memory_space<vmem>> -> memref<1x4096xi32, #tpu.memory_space<vmem>>
        %dma_start3A_458 = tpu.memref_squeeze %dma_start3A_457 : memref<1x4096xi32, #tpu.memory_space<vmem>> -> memref<4096xi32, #tpu.memory_space<vmem>>
        %dma_start3A_459 = arith.constant 0 : i32
        %dma_start3A_460 = tpu.memref_slice %arg3[%add3A_454, %dma_start3A_459] : memref<26x16384xi32, #tpu.memory_space<hbm>> -> memref<1x4096xi32, #tpu.memory_space<hbm>>
        %dma_start3A_461 = tpu.memref_squeeze %dma_start3A_460 : memref<1x4096xi32, #tpu.memory_space<hbm>> -> memref<4096xi32, #tpu.memory_space<hbm>>
        %dma_start3A_462 = arith.constant 0 : i32
        %dma_start3A_463 = tpu.memref_slice %arg8[%dma_start3A_455, %dma_start3A_462] : memref<2x4096xi32, #tpu.memory_space<vmem>> -> memref<1x4096xi32, #tpu.memory_space<vmem>>
        %dma_start3A_464 = tpu.memref_squeeze %dma_start3A_463 : memref<1x4096xi32, #tpu.memory_space<vmem>> -> memref<4096xi32, #tpu.memory_space<vmem>>
        %dma_start3A_465 = arith.constant 0 : i32
        %dma_start3A_466 = tpu.memref_slice %arg3[%add3A_454, %dma_start3A_465] : memref<26x16384xi32, #tpu.memory_space<hbm>> -> memref<1x4096xi32, #tpu.memory_space<hbm>>
        %dma_start3A_467 = tpu.memref_squeeze %dma_start3A_466 : memref<1x4096xi32, #tpu.memory_space<hbm>> -> memref<4096xi32, #tpu.memory_space<hbm>>
        tpu.enqueue_dma source(%dma_start3A_467 : memref<4096xi32, #tpu.memory_space<hbm>>) target(%dma_start3A_464 : memref<4096xi32, #tpu.memory_space<vmem>>) target_semaphore(%arg13 : memref<!tpu.dma_semaphore, #tpu.memory_space<semaphore_mem>>)
      } else {
      }
      %dma_wait3A_333 = arith.constant 1 : i32
      %dma_wait3A_334 = arith.constant 0 : i32
      %dma_wait3A_335 = tpu.memref_slice %arg9[%dma_wait3A_333, %dma_wait3A_334] : memref<2x4096xf32, #tpu.memory_space<vmem>> -> memref<1x4096xf32, #tpu.memory_space<vmem>>
      %dma_wait3A_336 = tpu.memref_squeeze %dma_wait3A_335 : memref<1x4096xf32, #tpu.memory_space<vmem>> -> memref<4096xf32, #tpu.memory_space<vmem>>
      %dma_wait3A_337 = arith.constant 0 : i32
      %dma_wait3A_338 = arith.constant 0 : i32
      %dma_wait3A_339 = tpu.memref_slice %arg4[%add3A_67, %dma_wait3A_337, %dma_wait3A_338] : memref<26x32x16384xf32, #tpu.memory_space<hbm>> -> memref<1x32x16384xf32, #tpu.memory_space<hbm>>
      %dma_wait3A_340 = tpu.memref_squeeze %dma_wait3A_339 : memref<1x32x16384xf32, #tpu.memory_space<hbm>> -> memref<32x16384xf32, #tpu.memory_space<hbm>>
      %dma_wait3A_341 = arith.constant 4096 : i32
      %dma_wait3A_342 = tpu.memref_slice %dma_wait3A_340[%add3A, %dma_wait3A_341] : memref<32x16384xf32, #tpu.memory_space<hbm>> -> memref<1x4096xf32, #tpu.memory_space<hbm>>
      %dma_wait3A_343 = tpu.memref_squeeze %dma_wait3A_342 : memref<1x4096xf32, #tpu.memory_space<hbm>> -> memref<4096xf32, #tpu.memory_space<hbm>>
      %dma_wait3A_344 = arith.constant 0 : i32
      %dma_wait3A_345 = arith.constant 0 : i32
      %dma_wait3A_346 = tpu.memref_slice %arg4[%add3A_67, %dma_wait3A_344, %dma_wait3A_345] : memref<26x32x16384xf32, #tpu.memory_space<hbm>> -> memref<1x32x16384xf32, #tpu.memory_space<hbm>>
      %dma_wait3A_347 = tpu.memref_squeeze %dma_wait3A_346 : memref<1x32x16384xf32, #tpu.memory_space<hbm>> -> memref<32x16384xf32, #tpu.memory_space<hbm>>
      %dma_wait3A_348 = arith.constant 4096 : i32
      %dma_wait3A_349 = tpu.memref_slice %dma_wait3A_347[%add3A, %dma_wait3A_348] : memref<32x16384xf32, #tpu.memory_space<hbm>> -> memref<1x4096xf32, #tpu.memory_space<hbm>>
      %dma_wait3A_350 = tpu.memref_squeeze %dma_wait3A_349 : memref<1x4096xf32, #tpu.memory_space<hbm>> -> memref<4096xf32, #tpu.memory_space<hbm>>
      %dma_wait3A_351 = arith.constant 0 : i32
      %dma_wait3A_352 = tpu.memref_slice %arg9[%dma_wait3A_333, %dma_wait3A_351] : memref<2x4096xf32, #tpu.memory_space<vmem>> -> memref<1x4096xf32, #tpu.memory_space<vmem>>
      %dma_wait3A_353 = tpu.memref_squeeze %dma_wait3A_352 : memref<1x4096xf32, #tpu.memory_space<vmem>> -> memref<4096xf32, #tpu.memory_space<vmem>>
      tpu.wait_dma2 semaphore(%arg14 : memref<!tpu.dma_semaphore, #tpu.memory_space<semaphore_mem>>) src(%dma_wait3A_353 : memref<4096xf32, #tpu.memory_space<vmem>>) dst(%dma_wait3A_350 : memref<4096xf32, #tpu.memory_space<hbm>>)
      %scan3A_354 = arith.constant 0 : i32
      %scan3A_355 = arith.constant 256 : i32
      %scan3A_356 = arith.addi %scan3A_354, %scan3A_355 : i32
      %scan3A_357 = arith.constant 4 : i32
      scf.for %scan3A_453 = %scan3A_354 to %scan3A_356 step %scan3A_357  : i32 {
        %mul3A_454 = arith.constant 1 : i32
        %mul3A_455 = arith.muli %scan3A_453, %mul3A_454 : i32
        %add3A_456 = arith.constant 0 : i32
        %add3A_457 = arith.addi %add3A_456, %mul3A_455 : i32
        %mul3A_458 = arith.constant 16 : i32
        %mul3A_459 = arith.muli %add3A_457, %mul3A_458 : i32
        %get3A = arith.constant 1 : i32
        %get3A_460 = arith.index_cast %get3A : i32 to index
        %get3A_461 = arith.index_cast %mul3A_459 : i32 to index
        %get3A_462 = tpu.vector_load %arg8[%get3A_460, %get3A_461] {strides = array<i32>} : memref<2x4096xi32, #tpu.memory_space<vmem>>, vector<16xi32>,
        %lt3A_463 = arith.constant 33408 : i32
        %lt3A_464 = vector.broadcast %lt3A_463 : i32 to vector<16xi32>
        %lt3A_465 = arith.cmpi slt, %get3A_462, %lt3A_464 : vector<16xi32>
        %sub3A = arith.constant 0 : i32
        %sub3A_466 = vector.broadcast %sub3A : i32 to vector<16xi32>
        %sub3A_467 = arith.subi %get3A_462, %sub3A_466 : vector<16xi32>
        %gather3A = tpu.vector_load_idx %arg5[%sub3A_467] masked %lt3A_465 : memref<33408xf32, #tpu.memory_space<vmem>>[vector<16xi32>], vector<16xf32>, vector<16xi1>
        %broadcast_in_dim3A = arith.constant 0.000000e+00 : f32
        %broadcast_in_dim3A_468 = vector.broadcast %broadcast_in_dim3A : f32 to vector<16xf32>
        %select_n3A = arith.select %lt3A_465, %gather3A, %broadcast_in_dim3A_468 : vector<16xi1>, vector<16xf32>
        %mul3A_469 = arith.constant 16 : i32
        %mul3A_470 = arith.muli %add3A_457, %mul3A_469 : i32
        %swap3A = arith.constant 1 : i32
        %swap3A_471 = arith.index_cast %swap3A : i32 to index
        %swap3A_472 = arith.index_cast %mul3A_470 : i32 to index
        %swap3A_473 = tpu.vector_load %arg9[%swap3A_471, %swap3A_472] {strides = array<i32>} : memref<2x4096xf32, #tpu.memory_space<vmem>>, vector<16xf32>,
        tpu.vector_store %arg9[%swap3A_471, %swap3A_472], %select_n3A {strides = array<i32>} : memref<2x4096xf32, #tpu.memory_space<vmem>>, vector<16xf32>,
        %scan3A_474 = arith.constant 1 : i32
        %scan3A_475 = arith.addi %scan3A_453, %scan3A_474 : i32
        %mul3A_476 = arith.constant 1 : i32
        %mul3A_477 = arith.muli %scan3A_475, %mul3A_476 : i32
        %add3A_478 = arith.constant 0 : i32
        %add3A_479 = arith.addi %add3A_478, %mul3A_477 : i32
        %mul3A_480 = arith.constant 16 : i32
        %mul3A_481 = arith.muli %add3A_479, %mul3A_480 : i32
        %get3A_482 = arith.constant 1 : i32
        %get3A_483 = arith.index_cast %get3A_482 : i32 to index
        %get3A_484 = arith.index_cast %mul3A_481 : i32 to index
        %get3A_485 = tpu.vector_load %arg8[%get3A_483, %get3A_484] {strides = array<i32>} : memref<2x4096xi32, #tpu.memory_space<vmem>>, vector<16xi32>,
        %lt3A_486 = arith.constant 33408 : i32
        %lt3A_487 = vector.broadcast %lt3A_486 : i32 to vector<16xi32>
        %lt3A_488 = arith.cmpi slt, %get3A_485, %lt3A_487 : vector<16xi32>
        %sub3A_489 = arith.constant 0 : i32
        %sub3A_490 = vector.broadcast %sub3A_489 : i32 to vector<16xi32>
        %sub3A_491 = arith.subi %get3A_485, %sub3A_490 : vector<16xi32>
        %gather3A_492 = tpu.vector_load_idx %arg5[%sub3A_491] masked %lt3A_488 : memref<33408xf32, #tpu.memory_space<vmem>>[vector<16xi32>], vector<16xf32>, vector<16xi1>
        %broadcast_in_dim3A_493 = arith.constant 0.000000e+00 : f32
        %broadcast_in_dim3A_494 = vector.broadcast %broadcast_in_dim3A_493 : f32 to vector<16xf32>
        %select_n3A_495 = arith.select %lt3A_488, %gather3A_492, %broadcast_in_dim3A_494 : vector<16xi1>, vector<16xf32>
        %mul3A_496 = arith.constant 16 : i32
        %mul3A_497 = arith.muli %add3A_479, %mul3A_496 : i32
        %swap3A_498 = arith.constant 1 : i32
        %swap3A_499 = arith.index_cast %swap3A_498 : i32 to index
        %swap3A_500 = arith.index_cast %mul3A_497 : i32 to index
        %swap3A_501 = tpu.vector_load %arg9[%swap3A_499, %swap3A_500] {strides = array<i32>} : memref<2x4096xf32, #tpu.memory_space<vmem>>, vector<16xf32>,
        tpu.vector_store %arg9[%swap3A_499, %swap3A_500], %select_n3A_495 {strides = array<i32>} : memref<2x4096xf32, #tpu.memory_space<vmem>>, vector<16xf32>,
        %scan3A_502 = arith.constant 2 : i32
        %scan3A_503 = arith.addi %scan3A_453, %scan3A_502 : i32
        %mul3A_504 = arith.constant 1 : i32
        %mul3A_505 = arith.muli %scan3A_503, %mul3A_504 : i32
        %add3A_506 = arith.constant 0 : i32
        %add3A_507 = arith.addi %add3A_506, %mul3A_505 : i32
        %mul3A_508 = arith.constant 16 : i32
        %mul3A_509 = arith.muli %add3A_507, %mul3A_508 : i32
        %get3A_510 = arith.constant 1 : i32
        %get3A_511 = arith.index_cast %get3A_510 : i32 to index
        %get3A_512 = arith.index_cast %mul3A_509 : i32 to index
        %get3A_513 = tpu.vector_load %arg8[%get3A_511, %get3A_512] {strides = array<i32>} : memref<2x4096xi32, #tpu.memory_space<vmem>>, vector<16xi32>,
        %lt3A_514 = arith.constant 33408 : i32
        %lt3A_515 = vector.broadcast %lt3A_514 : i32 to vector<16xi32>
        %lt3A_516 = arith.cmpi slt, %get3A_513, %lt3A_515 : vector<16xi32>
        %sub3A_517 = arith.constant 0 : i32
        %sub3A_518 = vector.broadcast %sub3A_517 : i32 to vector<16xi32>
        %sub3A_519 = arith.subi %get3A_513, %sub3A_518 : vector<16xi32>
        %gather3A_520 = tpu.vector_load_idx %arg5[%sub3A_519] masked %lt3A_516 : memref<33408xf32, #tpu.memory_space<vmem>>[vector<16xi32>], vector<16xf32>, vector<16xi1>
        %broadcast_in_dim3A_521 = arith.constant 0.000000e+00 : f32
        %broadcast_in_dim3A_522 = vector.broadcast %broadcast_in_dim3A_521 : f32 to vector<16xf32>
        %select_n3A_523 = arith.select %lt3A_516, %gather3A_520, %broadcast_in_dim3A_522 : vector<16xi1>, vector<16xf32>
        %mul3A_524 = arith.constant 16 : i32
        %mul3A_525 = arith.muli %add3A_507, %mul3A_524 : i32
        %swap3A_526 = arith.constant 1 : i32
        %swap3A_527 = arith.index_cast %swap3A_526 : i32 to index
        %swap3A_528 = arith.index_cast %mul3A_525 : i32 to index
        %swap3A_529 = tpu.vector_load %arg9[%swap3A_527, %swap3A_528] {strides = array<i32>} : memref<2x4096xf32, #tpu.memory_space<vmem>>, vector<16xf32>,
        tpu.vector_store %arg9[%swap3A_527, %swap3A_528], %select_n3A_523 {strides = array<i32>} : memref<2x4096xf32, #tpu.memory_space<vmem>>, vector<16xf32>,
        %scan3A_530 = arith.constant 3 : i32
        %scan3A_531 = arith.addi %scan3A_453, %scan3A_530 : i32
        %mul3A_532 = arith.constant 1 : i32
        %mul3A_533 = arith.muli %scan3A_531, %mul3A_532 : i32
        %add3A_534 = arith.constant 0 : i32
        %add3A_535 = arith.addi %add3A_534, %mul3A_533 : i32
        %mul3A_536 = arith.constant 16 : i32
        %mul3A_537 = arith.muli %add3A_535, %mul3A_536 : i32
        %get3A_538 = arith.constant 1 : i32
        %get3A_539 = arith.index_cast %get3A_538 : i32 to index
        %get3A_540 = arith.index_cast %mul3A_537 : i32 to index
        %get3A_541 = tpu.vector_load %arg8[%get3A_539, %get3A_540] {strides = array<i32>} : memref<2x4096xi32, #tpu.memory_space<vmem>>, vector<16xi32>,
        %lt3A_542 = arith.constant 33408 : i32
        %lt3A_543 = vector.broadcast %lt3A_542 : i32 to vector<16xi32>
        %lt3A_544 = arith.cmpi slt, %get3A_541, %lt3A_543 : vector<16xi32>
        %sub3A_545 = arith.constant 0 : i32
        %sub3A_546 = vector.broadcast %sub3A_545 : i32 to vector<16xi32>
        %sub3A_547 = arith.subi %get3A_541, %sub3A_546 : vector<16xi32>
        %gather3A_548 = tpu.vector_load_idx %arg5[%sub3A_547] masked %lt3A_544 : memref<33408xf32, #tpu.memory_space<vmem>>[vector<16xi32>], vector<16xf32>, vector<16xi1>
        %broadcast_in_dim3A_549 = arith.constant 0.000000e+00 : f32
        %broadcast_in_dim3A_550 = vector.broadcast %broadcast_in_dim3A_549 : f32 to vector<16xf32>
        %select_n3A_551 = arith.select %lt3A_544, %gather3A_548, %broadcast_in_dim3A_550 : vector<16xi1>, vector<16xf32>
        %mul3A_552 = arith.constant 16 : i32
        %mul3A_553 = arith.muli %add3A_535, %mul3A_552 : i32
        %swap3A_554 = arith.constant 1 : i32
        %swap3A_555 = arith.index_cast %swap3A_554 : i32 to index
        %swap3A_556 = arith.index_cast %mul3A_553 : i32 to index
        %swap3A_557 = tpu.vector_load %arg9[%swap3A_555, %swap3A_556] {strides = array<i32>} : memref<2x4096xf32, #tpu.memory_space<vmem>>, vector<16xf32>,
        tpu.vector_store %arg9[%swap3A_555, %swap3A_556], %select_n3A_551 {strides = array<i32>} : memref<2x4096xf32, #tpu.memory_space<vmem>>, vector<16xf32>,
      }
      %scan3A_358 = arith.constant 256 : i32
      %add3A_359 = arith.constant 1 : i32
      %add3A_360 = arith.addi %add3A_67, %add3A_359 : i32
      %lt3A_361 = arith.constant 26 : i32
      %lt3A_362 = arith.cmpi slt, %add3A_360, %lt3A_361 : i32
      %convert_element_type3A_363 = arith.extui %lt3A_362 : i1 to i32
      %cond3A_364 = arith.constant 0 : i32
      %cond3A_365 = arith.cmpi ne, %convert_element_type3A_363, %cond3A_364 : i32
      scf.if %cond3A_365 {
        %add3A_453 = arith.constant 1 : i32
        %add3A_454 = arith.addi %add3A_67, %add3A_453 : i32
        %dma_start3A_455 = arith.constant 0 : i32
        %dma_start3A_456 = arith.constant 0 : i32
        %dma_start3A_457 = tpu.memref_slice %arg2[%add3A_454, %dma_start3A_455, %dma_start3A_456] : memref<26x32x100001xf32, #tpu.memory_space<hbm>> -> memref<1x32x100001xf32, #tpu.memory_space<hbm>>
        %dma_start3A_458 = tpu.memref_squeeze %dma_start3A_457 : memref<1x32x100001xf32, #tpu.memory_space<hbm>> -> memref<32x100001xf32, #tpu.memory_space<hbm>>
        %dma_start3A_459 = arith.constant 0 : i32
        %dma_start3A_460 = tpu.memref_slice %dma_start3A_458[%add3A, %dma_start3A_459] : memref<32x100001xf32, #tpu.memory_space<hbm>> -> memref<1x33408xf32, #tpu.memory_space<hbm>>
        %dma_start3A_461 = tpu.memref_squeeze %dma_start3A_460 : memref<1x33408xf32, #tpu.memory_space<hbm>> -> memref<33408xf32, #tpu.memory_space<hbm>>
        %dma_start3A_462 = arith.constant 0 : i32
        %dma_start3A_463 = arith.constant 0 : i32
        %dma_start3A_464 = tpu.memref_slice %arg2[%add3A_454, %dma_start3A_462, %dma_start3A_463] : memref<26x32x100001xf32, #tpu.memory_space<hbm>> -> memref<1x32x100001xf32, #tpu.memory_space<hbm>>
        %dma_start3A_465 = tpu.memref_squeeze %dma_start3A_464 : memref<1x32x100001xf32, #tpu.memory_space<hbm>> -> memref<32x100001xf32, #tpu.memory_space<hbm>>
        %dma_start3A_466 = arith.constant 0 : i32
        %dma_start3A_467 = tpu.memref_slice %dma_start3A_465[%add3A, %dma_start3A_466] : memref<32x100001xf32, #tpu.memory_space<hbm>> -> memref<1x33408xf32, #tpu.memory_space<hbm>>
        %dma_start3A_468 = tpu.memref_squeeze %dma_start3A_467 : memref<1x33408xf32, #tpu.memory_space<hbm>> -> memref<33408xf32, #tpu.memory_space<hbm>>
        tpu.enqueue_dma source(%dma_start3A_468 : memref<33408xf32, #tpu.memory_space<hbm>>) target(%arg5 : memref<33408xf32, #tpu.memory_space<vmem>>) target_semaphore(%arg10 : memref<!tpu.dma_semaphore, #tpu.memory_space<semaphore_mem>>)
      } else {
      }
      %scan3A_366 = arith.constant 0 : i32
      %scan3A_367 = arith.constant 256 : i32
      %scan3A_368 = arith.addi %scan3A_366, %scan3A_367 : i32
      %scan3A_369 = arith.constant 4 : i32
      scf.for %scan3A_453 = %scan3A_366 to %scan3A_368 step %scan3A_369  : i32 {
        %mul3A_454 = arith.constant 1 : i32
        %mul3A_455 = arith.muli %scan3A_453, %mul3A_454 : i32
        %add3A_456 = arith.constant 0 : i32
        %add3A_457 = arith.addi %add3A_456, %mul3A_455 : i32
        %mul3A_458 = arith.constant 16 : i32
        %mul3A_459 = arith.muli %add3A_457, %mul3A_458 : i32
        %get3A = arith.constant 1 : i32
        %get3A_460 = arith.index_cast %get3A : i32 to index
        %get3A_461 = arith.index_cast %mul3A_459 : i32 to index
        %get3A_462 = tpu.vector_load %arg8[%get3A_460, %get3A_461] {strides = array<i32>} : memref<2x4096xi32, #tpu.memory_space<vmem>>, vector<16xi32>,
        %ge3A = arith.constant 33408 : i32
        %ge3A_463 = vector.broadcast %ge3A : i32 to vector<16xi32>
        %ge3A_464 = arith.cmpi sge, %get3A_462, %ge3A_463 : vector<16xi32>
        %lt3A_465 = arith.constant 66816 : i32
        %lt3A_466 = vector.broadcast %lt3A_465 : i32 to vector<16xi32>
        %lt3A_467 = arith.cmpi slt, %get3A_462, %lt3A_466 : vector<16xi32>
        %and3A = arith.andi %ge3A_464, %lt3A_467 : vector<16xi1>
        %sub3A = arith.constant 33408 : i32
        %sub3A_468 = vector.broadcast %sub3A : i32 to vector<16xi32>
        %sub3A_469 = arith.subi %get3A_462, %sub3A_468 : vector<16xi32>
        %gather3A = tpu.vector_load_idx %arg6[%sub3A_469] masked %and3A : memref<33408xf32, #tpu.memory_space<vmem>>[vector<16xi32>], vector<16xf32>, vector<16xi1>
        %mul3A_470 = arith.constant 16 : i32
        %mul3A_471 = arith.muli %add3A_457, %mul3A_470 : i32
        %get3A_472 = arith.constant 1 : i32
        %get3A_473 = arith.index_cast %get3A_472 : i32 to index
        %get3A_474 = arith.index_cast %mul3A_471 : i32 to index
        %get3A_475 = tpu.vector_load %arg9[%get3A_473, %get3A_474] {strides = array<i32>} : memref<2x4096xf32, #tpu.memory_space<vmem>>, vector<16xf32>,
        %select_n3A = arith.select %and3A, %gather3A, %get3A_475 : vector<16xi1>, vector<16xf32>
        %mul3A_476 = arith.constant 16 : i32
        %mul3A_477 = arith.muli %add3A_457, %mul3A_476 : i32
        %swap3A = arith.constant 1 : i32
        %swap3A_478 = arith.index_cast %swap3A : i32 to index
        %swap3A_479 = arith.index_cast %mul3A_477 : i32 to index
        %swap3A_480 = tpu.vector_load %arg9[%swap3A_478, %swap3A_479] {strides = array<i32>} : memref<2x4096xf32, #tpu.memory_space<vmem>>, vector<16xf32>,
        tpu.vector_store %arg9[%swap3A_478, %swap3A_479], %select_n3A {strides = array<i32>} : memref<2x4096xf32, #tpu.memory_space<vmem>>, vector<16xf32>,
        %scan3A_481 = arith.constant 1 : i32
        %scan3A_482 = arith.addi %scan3A_453, %scan3A_481 : i32
        %mul3A_483 = arith.constant 1 : i32
        %mul3A_484 = arith.muli %scan3A_482, %mul3A_483 : i32
        %add3A_485 = arith.constant 0 : i32
        %add3A_486 = arith.addi %add3A_485, %mul3A_484 : i32
        %mul3A_487 = arith.constant 16 : i32
        %mul3A_488 = arith.muli %add3A_486, %mul3A_487 : i32
        %get3A_489 = arith.constant 1 : i32
        %get3A_490 = arith.index_cast %get3A_489 : i32 to index
        %get3A_491 = arith.index_cast %mul3A_488 : i32 to index
        %get3A_492 = tpu.vector_load %arg8[%get3A_490, %get3A_491] {strides = array<i32>} : memref<2x4096xi32, #tpu.memory_space<vmem>>, vector<16xi32>,
        %ge3A_493 = arith.constant 33408 : i32
        %ge3A_494 = vector.broadcast %ge3A_493 : i32 to vector<16xi32>
        %ge3A_495 = arith.cmpi sge, %get3A_492, %ge3A_494 : vector<16xi32>
        %lt3A_496 = arith.constant 66816 : i32
        %lt3A_497 = vector.broadcast %lt3A_496 : i32 to vector<16xi32>
        %lt3A_498 = arith.cmpi slt, %get3A_492, %lt3A_497 : vector<16xi32>
        %and3A_499 = arith.andi %ge3A_495, %lt3A_498 : vector<16xi1>
        %sub3A_500 = arith.constant 33408 : i32
        %sub3A_501 = vector.broadcast %sub3A_500 : i32 to vector<16xi32>
        %sub3A_502 = arith.subi %get3A_492, %sub3A_501 : vector<16xi32>
        %gather3A_503 = tpu.vector_load_idx %arg6[%sub3A_502] masked %and3A_499 : memref<33408xf32, #tpu.memory_space<vmem>>[vector<16xi32>], vector<16xf32>, vector<16xi1>
        %mul3A_504 = arith.constant 16 : i32
        %mul3A_505 = arith.muli %add3A_486, %mul3A_504 : i32
        %get3A_506 = arith.constant 1 : i32
        %get3A_507 = arith.index_cast %get3A_506 : i32 to index
        %get3A_508 = arith.index_cast %mul3A_505 : i32 to index
        %get3A_509 = tpu.vector_load %arg9[%get3A_507, %get3A_508] {strides = array<i32>} : memref<2x4096xf32, #tpu.memory_space<vmem>>, vector<16xf32>,
        %select_n3A_510 = arith.select %and3A_499, %gather3A_503, %get3A_509 : vector<16xi1>, vector<16xf32>
        %mul3A_511 = arith.constant 16 : i32
        %mul3A_512 = arith.muli %add3A_486, %mul3A_511 : i32
        %swap3A_513 = arith.constant 1 : i32
        %swap3A_514 = arith.index_cast %swap3A_513 : i32 to index
        %swap3A_515 = arith.index_cast %mul3A_512 : i32 to index
        %swap3A_516 = tpu.vector_load %arg9[%swap3A_514, %swap3A_515] {strides = array<i32>} : memref<2x4096xf32, #tpu.memory_space<vmem>>, vector<16xf32>,
        tpu.vector_store %arg9[%swap3A_514, %swap3A_515], %select_n3A_510 {strides = array<i32>} : memref<2x4096xf32, #tpu.memory_space<vmem>>, vector<16xf32>,
        %scan3A_517 = arith.constant 2 : i32
        %scan3A_518 = arith.addi %scan3A_453, %scan3A_517 : i32
        %mul3A_519 = arith.constant 1 : i32
        %mul3A_520 = arith.muli %scan3A_518, %mul3A_519 : i32
        %add3A_521 = arith.constant 0 : i32
        %add3A_522 = arith.addi %add3A_521, %mul3A_520 : i32
        %mul3A_523 = arith.constant 16 : i32
        %mul3A_524 = arith.muli %add3A_522, %mul3A_523 : i32
        %get3A_525 = arith.constant 1 : i32
        %get3A_526 = arith.index_cast %get3A_525 : i32 to index
        %get3A_527 = arith.index_cast %mul3A_524 : i32 to index
        %get3A_528 = tpu.vector_load %arg8[%get3A_526, %get3A_527] {strides = array<i32>} : memref<2x4096xi32, #tpu.memory_space<vmem>>, vector<16xi32>,
        %ge3A_529 = arith.constant 33408 : i32
        %ge3A_530 = vector.broadcast %ge3A_529 : i32 to vector<16xi32>
        %ge3A_531 = arith.cmpi sge, %get3A_528, %ge3A_530 : vector<16xi32>
        %lt3A_532 = arith.constant 66816 : i32
        %lt3A_533 = vector.broadcast %lt3A_532 : i32 to vector<16xi32>
        %lt3A_534 = arith.cmpi slt, %get3A_528, %lt3A_533 : vector<16xi32>
        %and3A_535 = arith.andi %ge3A_531, %lt3A_534 : vector<16xi1>
        %sub3A_536 = arith.constant 33408 : i32
        %sub3A_537 = vector.broadcast %sub3A_536 : i32 to vector<16xi32>
        %sub3A_538 = arith.subi %get3A_528, %sub3A_537 : vector<16xi32>
        %gather3A_539 = tpu.vector_load_idx %arg6[%sub3A_538] masked %and3A_535 : memref<33408xf32, #tpu.memory_space<vmem>>[vector<16xi32>], vector<16xf32>, vector<16xi1>
        %mul3A_540 = arith.constant 16 : i32
        %mul3A_541 = arith.muli %add3A_522, %mul3A_540 : i32
        %get3A_542 = arith.constant 1 : i32
        %get3A_543 = arith.index_cast %get3A_542 : i32 to index
        %get3A_544 = arith.index_cast %mul3A_541 : i32 to index
        %get3A_545 = tpu.vector_load %arg9[%get3A_543, %get3A_544] {strides = array<i32>} : memref<2x4096xf32, #tpu.memory_space<vmem>>, vector<16xf32>,
        %select_n3A_546 = arith.select %and3A_535, %gather3A_539, %get3A_545 : vector<16xi1>, vector<16xf32>
        %mul3A_547 = arith.constant 16 : i32
        %mul3A_548 = arith.muli %add3A_522, %mul3A_547 : i32
        %swap3A_549 = arith.constant 1 : i32
        %swap3A_550 = arith.index_cast %swap3A_549 : i32 to index
        %swap3A_551 = arith.index_cast %mul3A_548 : i32 to index
        %swap3A_552 = tpu.vector_load %arg9[%swap3A_550, %swap3A_551] {strides = array<i32>} : memref<2x4096xf32, #tpu.memory_space<vmem>>, vector<16xf32>,
        tpu.vector_store %arg9[%swap3A_550, %swap3A_551], %select_n3A_546 {strides = array<i32>} : memref<2x4096xf32, #tpu.memory_space<vmem>>, vector<16xf32>,
        %scan3A_553 = arith.constant 3 : i32
        %scan3A_554 = arith.addi %scan3A_453, %scan3A_553 : i32
        %mul3A_555 = arith.constant 1 : i32
        %mul3A_556 = arith.muli %scan3A_554, %mul3A_555 : i32
        %add3A_557 = arith.constant 0 : i32
        %add3A_558 = arith.addi %add3A_557, %mul3A_556 : i32
        %mul3A_559 = arith.constant 16 : i32
        %mul3A_560 = arith.muli %add3A_558, %mul3A_559 : i32
        %get3A_561 = arith.constant 1 : i32
        %get3A_562 = arith.index_cast %get3A_561 : i32 to index
        %get3A_563 = arith.index_cast %mul3A_560 : i32 to index
        %get3A_564 = tpu.vector_load %arg8[%get3A_562, %get3A_563] {strides = array<i32>} : memref<2x4096xi32, #tpu.memory_space<vmem>>, vector<16xi32>,
        %ge3A_565 = arith.constant 33408 : i32
        %ge3A_566 = vector.broadcast %ge3A_565 : i32 to vector<16xi32>
        %ge3A_567 = arith.cmpi sge, %get3A_564, %ge3A_566 : vector<16xi32>
        %lt3A_568 = arith.constant 66816 : i32
        %lt3A_569 = vector.broadcast %lt3A_568 : i32 to vector<16xi32>
        %lt3A_570 = arith.cmpi slt, %get3A_564, %lt3A_569 : vector<16xi32>
        %and3A_571 = arith.andi %ge3A_567, %lt3A_570 : vector<16xi1>
        %sub3A_572 = arith.constant 33408 : i32
        %sub3A_573 = vector.broadcast %sub3A_572 : i32 to vector<16xi32>
        %sub3A_574 = arith.subi %get3A_564, %sub3A_573 : vector<16xi32>
        %gather3A_575 = tpu.vector_load_idx %arg6[%sub3A_574] masked %and3A_571 : memref<33408xf32, #tpu.memory_space<vmem>>[vector<16xi32>], vector<16xf32>, vector<16xi1>
        %mul3A_576 = arith.constant 16 : i32
        %mul3A_577 = arith.muli %add3A_558, %mul3A_576 : i32
        %get3A_578 = arith.constant 1 : i32
        %get3A_579 = arith.index_cast %get3A_578 : i32 to index
        %get3A_580 = arith.index_cast %mul3A_577 : i32 to index
        %get3A_581 = tpu.vector_load %arg9[%get3A_579, %get3A_580] {strides = array<i32>} : memref<2x4096xf32, #tpu.memory_space<vmem>>, vector<16xf32>,
        %select_n3A_582 = arith.select %and3A_571, %gather3A_575, %get3A_581 : vector<16xi1>, vector<16xf32>
        %mul3A_583 = arith.constant 16 : i32
        %mul3A_584 = arith.muli %add3A_558, %mul3A_583 : i32
        %swap3A_585 = arith.constant 1 : i32
        %swap3A_586 = arith.index_cast %swap3A_585 : i32 to index
        %swap3A_587 = arith.index_cast %mul3A_584 : i32 to index
        %swap3A_588 = tpu.vector_load %arg9[%swap3A_586, %swap3A_587] {strides = array<i32>} : memref<2x4096xf32, #tpu.memory_space<vmem>>, vector<16xf32>,
        tpu.vector_store %arg9[%swap3A_586, %swap3A_587], %select_n3A_582 {strides = array<i32>} : memref<2x4096xf32, #tpu.memory_space<vmem>>, vector<16xf32>,
      }
      %scan3A_370 = arith.constant 256 : i32
      %add3A_371 = arith.constant 1 : i32
      %add3A_372 = arith.addi %add3A_67, %add3A_371 : i32
      %lt3A_373 = arith.constant 26 : i32
      %lt3A_374 = arith.cmpi slt, %add3A_372, %lt3A_373 : i32
      %convert_element_type3A_375 = arith.extui %lt3A_374 : i1 to i32
      %cond3A_376 = arith.constant 0 : i32
      %cond3A_377 = arith.cmpi ne, %convert_element_type3A_375, %cond3A_376 : i32
      scf.if %cond3A_377 {
        %add3A_453 = arith.constant 1 : i32
        %add3A_454 = arith.addi %add3A_67, %add3A_453 : i32
        %dma_start3A_455 = arith.constant 0 : i32
        %dma_start3A_456 = arith.constant 0 : i32
        %dma_start3A_457 = tpu.memref_slice %arg2[%add3A_454, %dma_start3A_455, %dma_start3A_456] : memref<26x32x100001xf32, #tpu.memory_space<hbm>> -> memref<1x32x100001xf32, #tpu.memory_space<hbm>>
        %dma_start3A_458 = tpu.memref_squeeze %dma_start3A_457 : memref<1x32x100001xf32, #tpu.memory_space<hbm>> -> memref<32x100001xf32, #tpu.memory_space<hbm>>
        %dma_start3A_459 = arith.constant 33408 : i32
        %dma_start3A_460 = tpu.memref_slice %dma_start3A_458[%add3A, %dma_start3A_459] : memref<32x100001xf32, #tpu.memory_space<hbm>> -> memref<1x33408xf32, #tpu.memory_space<hbm>>
        %dma_start3A_461 = tpu.memref_squeeze %dma_start3A_460 : memref<1x33408xf32, #tpu.memory_space<hbm>> -> memref<33408xf32, #tpu.memory_space<hbm>>
        %dma_start3A_462 = arith.constant 0 : i32
        %dma_start3A_463 = arith.constant 0 : i32
        %dma_start3A_464 = tpu.memref_slice %arg2[%add3A_454, %dma_start3A_462, %dma_start3A_463] : memref<26x32x100001xf32, #tpu.memory_space<hbm>> -> memref<1x32x100001xf32, #tpu.memory_space<hbm>>
        %dma_start3A_465 = tpu.memref_squeeze %dma_start3A_464 : memref<1x32x100001xf32, #tpu.memory_space<hbm>> -> memref<32x100001xf32, #tpu.memory_space<hbm>>
        %dma_start3A_466 = arith.constant 33408 : i32
        %dma_start3A_467 = tpu.memref_slice %dma_start3A_465[%add3A, %dma_start3A_466] : memref<32x100001xf32, #tpu.memory_space<hbm>> -> memref<1x33408xf32, #tpu.memory_space<hbm>>
        %dma_start3A_468 = tpu.memref_squeeze %dma_start3A_467 : memref<1x33408xf32, #tpu.memory_space<hbm>> -> memref<33408xf32, #tpu.memory_space<hbm>>
        tpu.enqueue_dma source(%dma_start3A_468 : memref<33408xf32, #tpu.memory_space<hbm>>) target(%arg6 : memref<33408xf32, #tpu.memory_space<vmem>>) target_semaphore(%arg11 : memref<!tpu.dma_semaphore, #tpu.memory_space<semaphore_mem>>)
      } else {
      }
      %scan3A_378 = arith.constant 0 : i32
      %scan3A_379 = arith.constant 256 : i32
      %scan3A_380 = arith.addi %scan3A_378, %scan3A_379 : i32
      %scan3A_381 = arith.constant 4 : i32
      scf.for %scan3A_453 = %scan3A_378 to %scan3A_380 step %scan3A_381  : i32 {
        %mul3A_454 = arith.constant 1 : i32
        %mul3A_455 = arith.muli %scan3A_453, %mul3A_454 : i32
        %add3A_456 = arith.constant 0 : i32
        %add3A_457 = arith.addi %add3A_456, %mul3A_455 : i32
        %mul3A_458 = arith.constant 16 : i32
        %mul3A_459 = arith.muli %add3A_457, %mul3A_458 : i32
        %get3A = arith.constant 1 : i32
        %get3A_460 = arith.index_cast %get3A : i32 to index
        %get3A_461 = arith.index_cast %mul3A_459 : i32 to index
        %get3A_462 = tpu.vector_load %arg8[%get3A_460, %get3A_461] {strides = array<i32>} : memref<2x4096xi32, #tpu.memory_space<vmem>>, vector<16xi32>,
        %ge3A = arith.constant 66816 : i32
        %ge3A_463 = vector.broadcast %ge3A : i32 to vector<16xi32>
        %ge3A_464 = arith.cmpi sge, %get3A_462, %ge3A_463 : vector<16xi32>
        %sub3A = arith.constant 66816 : i32
        %sub3A_465 = vector.broadcast %sub3A : i32 to vector<16xi32>
        %sub3A_466 = arith.subi %get3A_462, %sub3A_465 : vector<16xi32>
        %gather3A = tpu.vector_load_idx %arg7[%sub3A_466] masked %ge3A_464 : memref<33185xf32, #tpu.memory_space<vmem>>[vector<16xi32>], vector<16xf32>, vector<16xi1>
        %mul3A_467 = arith.constant 16 : i32
        %mul3A_468 = arith.muli %add3A_457, %mul3A_467 : i32
        %get3A_469 = arith.constant 1 : i32
        %get3A_470 = arith.index_cast %get3A_469 : i32 to index
        %get3A_471 = arith.index_cast %mul3A_468 : i32 to index
        %get3A_472 = tpu.vector_load %arg9[%get3A_470, %get3A_471] {strides = array<i32>} : memref<2x4096xf32, #tpu.memory_space<vmem>>, vector<16xf32>,
        %select_n3A = arith.select %ge3A_464, %gather3A, %get3A_472 : vector<16xi1>, vector<16xf32>
        %mul3A_473 = arith.constant 16 : i32
        %mul3A_474 = arith.muli %add3A_457, %mul3A_473 : i32
        %swap3A = arith.constant 1 : i32
        %swap3A_475 = arith.index_cast %swap3A : i32 to index
        %swap3A_476 = arith.index_cast %mul3A_474 : i32 to index
        %swap3A_477 = tpu.vector_load %arg9[%swap3A_475, %swap3A_476] {strides = array<i32>} : memref<2x4096xf32, #tpu.memory_space<vmem>>, vector<16xf32>,
        tpu.vector_store %arg9[%swap3A_475, %swap3A_476], %select_n3A {strides = array<i32>} : memref<2x4096xf32, #tpu.memory_space<vmem>>, vector<16xf32>,
        %scan3A_478 = arith.constant 1 : i32
        %scan3A_479 = arith.addi %scan3A_453, %scan3A_478 : i32
        %mul3A_480 = arith.constant 1 : i32
        %mul3A_481 = arith.muli %scan3A_479, %mul3A_480 : i32
        %add3A_482 = arith.constant 0 : i32
        %add3A_483 = arith.addi %add3A_482, %mul3A_481 : i32
        %mul3A_484 = arith.constant 16 : i32
        %mul3A_485 = arith.muli %add3A_483, %mul3A_484 : i32
        %get3A_486 = arith.constant 1 : i32
        %get3A_487 = arith.index_cast %get3A_486 : i32 to index
        %get3A_488 = arith.index_cast %mul3A_485 : i32 to index
        %get3A_489 = tpu.vector_load %arg8[%get3A_487, %get3A_488] {strides = array<i32>} : memref<2x4096xi32, #tpu.memory_space<vmem>>, vector<16xi32>,
        %ge3A_490 = arith.constant 66816 : i32
        %ge3A_491 = vector.broadcast %ge3A_490 : i32 to vector<16xi32>
        %ge3A_492 = arith.cmpi sge, %get3A_489, %ge3A_491 : vector<16xi32>
        %sub3A_493 = arith.constant 66816 : i32
        %sub3A_494 = vector.broadcast %sub3A_493 : i32 to vector<16xi32>
        %sub3A_495 = arith.subi %get3A_489, %sub3A_494 : vector<16xi32>
        %gather3A_496 = tpu.vector_load_idx %arg7[%sub3A_495] masked %ge3A_492 : memref<33185xf32, #tpu.memory_space<vmem>>[vector<16xi32>], vector<16xf32>, vector<16xi1>
        %mul3A_497 = arith.constant 16 : i32
        %mul3A_498 = arith.muli %add3A_483, %mul3A_497 : i32
        %get3A_499 = arith.constant 1 : i32
        %get3A_500 = arith.index_cast %get3A_499 : i32 to index
        %get3A_501 = arith.index_cast %mul3A_498 : i32 to index
        %get3A_502 = tpu.vector_load %arg9[%get3A_500, %get3A_501] {strides = array<i32>} : memref<2x4096xf32, #tpu.memory_space<vmem>>, vector<16xf32>,
        %select_n3A_503 = arith.select %ge3A_492, %gather3A_496, %get3A_502 : vector<16xi1>, vector<16xf32>
        %mul3A_504 = arith.constant 16 : i32
        %mul3A_505 = arith.muli %add3A_483, %mul3A_504 : i32
        %swap3A_506 = arith.constant 1 : i32
        %swap3A_507 = arith.index_cast %swap3A_506 : i32 to index
        %swap3A_508 = arith.index_cast %mul3A_505 : i32 to index
        %swap3A_509 = tpu.vector_load %arg9[%swap3A_507, %swap3A_508] {strides = array<i32>} : memref<2x4096xf32, #tpu.memory_space<vmem>>, vector<16xf32>,
        tpu.vector_store %arg9[%swap3A_507, %swap3A_508], %select_n3A_503 {strides = array<i32>} : memref<2x4096xf32, #tpu.memory_space<vmem>>, vector<16xf32>,
        %scan3A_510 = arith.constant 2 : i32
        %scan3A_511 = arith.addi %scan3A_453, %scan3A_510 : i32
        %mul3A_512 = arith.constant 1 : i32
        %mul3A_513 = arith.muli %scan3A_511, %mul3A_512 : i32
        %add3A_514 = arith.constant 0 : i32
        %add3A_515 = arith.addi %add3A_514, %mul3A_513 : i32
        %mul3A_516 = arith.constant 16 : i32
        %mul3A_517 = arith.muli %add3A_515, %mul3A_516 : i32
        %get3A_518 = arith.constant 1 : i32
        %get3A_519 = arith.index_cast %get3A_518 : i32 to index
        %get3A_520 = arith.index_cast %mul3A_517 : i32 to index
        %get3A_521 = tpu.vector_load %arg8[%get3A_519, %get3A_520] {strides = array<i32>} : memref<2x4096xi32, #tpu.memory_space<vmem>>, vector<16xi32>,
        %ge3A_522 = arith.constant 66816 : i32
        %ge3A_523 = vector.broadcast %ge3A_522 : i32 to vector<16xi32>
        %ge3A_524 = arith.cmpi sge, %get3A_521, %ge3A_523 : vector<16xi32>
        %sub3A_525 = arith.constant 66816 : i32
        %sub3A_526 = vector.broadcast %sub3A_525 : i32 to vector<16xi32>
        %sub3A_527 = arith.subi %get3A_521, %sub3A_526 : vector<16xi32>
        %gather3A_528 = tpu.vector_load_idx %arg7[%sub3A_527] masked %ge3A_524 : memref<33185xf32, #tpu.memory_space<vmem>>[vector<16xi32>], vector<16xf32>, vector<16xi1>
        %mul3A_529 = arith.constant 16 : i32
        %mul3A_530 = arith.muli %add3A_515, %mul3A_529 : i32
        %get3A_531 = arith.constant 1 : i32
        %get3A_532 = arith.index_cast %get3A_531 : i32 to index
        %get3A_533 = arith.index_cast %mul3A_530 : i32 to index
        %get3A_534 = tpu.vector_load %arg9[%get3A_532, %get3A_533] {strides = array<i32>} : memref<2x4096xf32, #tpu.memory_space<vmem>>, vector<16xf32>,
        %select_n3A_535 = arith.select %ge3A_524, %gather3A_528, %get3A_534 : vector<16xi1>, vector<16xf32>
        %mul3A_536 = arith.constant 16 : i32
        %mul3A_537 = arith.muli %add3A_515, %mul3A_536 : i32
        %swap3A_538 = arith.constant 1 : i32
        %swap3A_539 = arith.index_cast %swap3A_538 : i32 to index
        %swap3A_540 = arith.index_cast %mul3A_537 : i32 to index
        %swap3A_541 = tpu.vector_load %arg9[%swap3A_539, %swap3A_540] {strides = array<i32>} : memref<2x4096xf32, #tpu.memory_space<vmem>>, vector<16xf32>,
        tpu.vector_store %arg9[%swap3A_539, %swap3A_540], %select_n3A_535 {strides = array<i32>} : memref<2x4096xf32, #tpu.memory_space<vmem>>, vector<16xf32>,
        %scan3A_542 = arith.constant 3 : i32
        %scan3A_543 = arith.addi %scan3A_453, %scan3A_542 : i32
        %mul3A_544 = arith.constant 1 : i32
        %mul3A_545 = arith.muli %scan3A_543, %mul3A_544 : i32
        %add3A_546 = arith.constant 0 : i32
        %add3A_547 = arith.addi %add3A_546, %mul3A_545 : i32
        %mul3A_548 = arith.constant 16 : i32
        %mul3A_549 = arith.muli %add3A_547, %mul3A_548 : i32
        %get3A_550 = arith.constant 1 : i32
        %get3A_551 = arith.index_cast %get3A_550 : i32 to index
        %get3A_552 = arith.index_cast %mul3A_549 : i32 to index
        %get3A_553 = tpu.vector_load %arg8[%get3A_551, %get3A_552] {strides = array<i32>} : memref<2x4096xi32, #tpu.memory_space<vmem>>, vector<16xi32>,
        %ge3A_554 = arith.constant 66816 : i32
        %ge3A_555 = vector.broadcast %ge3A_554 : i32 to vector<16xi32>
        %ge3A_556 = arith.cmpi sge, %get3A_553, %ge3A_555 : vector<16xi32>
        %sub3A_557 = arith.constant 66816 : i32
        %sub3A_558 = vector.broadcast %sub3A_557 : i32 to vector<16xi32>
        %sub3A_559 = arith.subi %get3A_553, %sub3A_558 : vector<16xi32>
        %gather3A_560 = tpu.vector_load_idx %arg7[%sub3A_559] masked %ge3A_556 : memref<33185xf32, #tpu.memory_space<vmem>>[vector<16xi32>], vector<16xf32>, vector<16xi1>
        %mul3A_561 = arith.constant 16 : i32
        %mul3A_562 = arith.muli %add3A_547, %mul3A_561 : i32
        %get3A_563 = arith.constant 1 : i32
        %get3A_564 = arith.index_cast %get3A_563 : i32 to index
        %get3A_565 = arith.index_cast %mul3A_562 : i32 to index
        %get3A_566 = tpu.vector_load %arg9[%get3A_564, %get3A_565] {strides = array<i32>} : memref<2x4096xf32, #tpu.memory_space<vmem>>, vector<16xf32>,
        %select_n3A_567 = arith.select %ge3A_556, %gather3A_560, %get3A_566 : vector<16xi1>, vector<16xf32>
        %mul3A_568 = arith.constant 16 : i32
        %mul3A_569 = arith.muli %add3A_547, %mul3A_568 : i32
        %swap3A_570 = arith.constant 1 : i32
        %swap3A_571 = arith.index_cast %swap3A_570 : i32 to index
        %swap3A_572 = arith.index_cast %mul3A_569 : i32 to index
        %swap3A_573 = tpu.vector_load %arg9[%swap3A_571, %swap3A_572] {strides = array<i32>} : memref<2x4096xf32, #tpu.memory_space<vmem>>, vector<16xf32>,
        tpu.vector_store %arg9[%swap3A_571, %swap3A_572], %select_n3A_567 {strides = array<i32>} : memref<2x4096xf32, #tpu.memory_space<vmem>>, vector<16xf32>,
      }
      %scan3A_382 = arith.constant 256 : i32
      %add3A_383 = arith.constant 1 : i32
      %add3A_384 = arith.addi %add3A_67, %add3A_383 : i32
      %lt3A_385 = arith.constant 26 : i32
      %lt3A_386 = arith.cmpi slt, %add3A_384, %lt3A_385 : i32
      %convert_element_type3A_387 = arith.extui %lt3A_386 : i1 to i32
      %cond3A_388 = arith.constant 0 : i32
      %cond3A_389 = arith.cmpi ne, %convert_element_type3A_387, %cond3A_388 : i32
      scf.if %cond3A_389 {
        %add3A_453 = arith.constant 1 : i32
        %add3A_454 = arith.addi %add3A_67, %add3A_453 : i32
        %dma_start3A_455 = arith.constant 0 : i32
        %dma_start3A_456 = arith.constant 0 : i32
        %dma_start3A_457 = tpu.memref_slice %arg2[%add3A_454, %dma_start3A_455, %dma_start3A_456] : memref<26x32x100001xf32, #tpu.memory_space<hbm>> -> memref<1x32x100001xf32, #tpu.memory_space<hbm>>
        %dma_start3A_458 = tpu.memref_squeeze %dma_start3A_457 : memref<1x32x100001xf32, #tpu.memory_space<hbm>> -> memref<32x100001xf32, #tpu.memory_space<hbm>>
        %dma_start3A_459 = arith.constant 66816 : i32
        %dma_start3A_460 = tpu.memref_slice %dma_start3A_458[%add3A, %dma_start3A_459] : memref<32x100001xf32, #tpu.memory_space<hbm>> -> memref<1x33185xf32, #tpu.memory_space<hbm>>
        %dma_start3A_461 = tpu.memref_squeeze %dma_start3A_460 : memref<1x33185xf32, #tpu.memory_space<hbm>> -> memref<33185xf32, #tpu.memory_space<hbm>>
        %dma_start3A_462 = arith.constant 0 : i32
        %dma_start3A_463 = arith.constant 0 : i32
        %dma_start3A_464 = tpu.memref_slice %arg2[%add3A_454, %dma_start3A_462, %dma_start3A_463] : memref<26x32x100001xf32, #tpu.memory_space<hbm>> -> memref<1x32x100001xf32, #tpu.memory_space<hbm>>
        %dma_start3A_465 = tpu.memref_squeeze %dma_start3A_464 : memref<1x32x100001xf32, #tpu.memory_space<hbm>> -> memref<32x100001xf32, #tpu.memory_space<hbm>>
        %dma_start3A_466 = arith.constant 66816 : i32
        %dma_start3A_467 = tpu.memref_slice %dma_start3A_465[%add3A, %dma_start3A_466] : memref<32x100001xf32, #tpu.memory_space<hbm>> -> memref<1x33185xf32, #tpu.memory_space<hbm>>
        %dma_start3A_468 = tpu.memref_squeeze %dma_start3A_467 : memref<1x33185xf32, #tpu.memory_space<hbm>> -> memref<33185xf32, #tpu.memory_space<hbm>>
        tpu.enqueue_dma source(%dma_start3A_468 : memref<33185xf32, #tpu.memory_space<hbm>>) target(%arg7 : memref<33185xf32, #tpu.memory_space<vmem>>) target_semaphore(%arg12 : memref<!tpu.dma_semaphore, #tpu.memory_space<semaphore_mem>>)
      } else {
      }
      %dma_start3A_390 = arith.constant 1 : i32
      %dma_start3A_391 = arith.constant 0 : i32
      %dma_start3A_392 = tpu.memref_slice %arg9[%dma_start3A_390, %dma_start3A_391] : memref<2x4096xf32, #tpu.memory_space<vmem>> -> memref<1x4096xf32, #tpu.memory_space<vmem>>
      %dma_start3A_393 = tpu.memref_squeeze %dma_start3A_392 : memref<1x4096xf32, #tpu.memory_space<vmem>> -> memref<4096xf32, #tpu.memory_space<vmem>>
      %dma_start3A_394 = arith.constant 0 : i32
      %dma_start3A_395 = arith.constant 0 : i32
      %dma_start3A_396 = tpu.memref_slice %arg4[%add3A_67, %dma_start3A_394, %dma_start3A_395] : memref<26x32x16384xf32, #tpu.memory_space<hbm>> -> memref<1x32x16384xf32, #tpu.memory_space<hbm>>
      %dma_start3A_397 = tpu.memref_squeeze %dma_start3A_396 : memref<1x32x16384xf32, #tpu.memory_space<hbm>> -> memref<32x16384xf32, #tpu.memory_space<hbm>>
      %dma_start3A_398 = arith.constant 12288 : i32
      %dma_start3A_399 = tpu.memref_slice %dma_start3A_397[%add3A, %dma_start3A_398] : memref<32x16384xf32, #tpu.memory_space<hbm>> -> memref<1x4096xf32, #tpu.memory_space<hbm>>
      %dma_start3A_400 = tpu.memref_squeeze %dma_start3A_399 : memref<1x4096xf32, #tpu.memory_space<hbm>> -> memref<4096xf32, #tpu.memory_space<hbm>>
      %dma_start3A_401 = arith.constant 0 : i32
      %dma_start3A_402 = arith.constant 0 : i32
      %dma_start3A_403 = tpu.memref_slice %arg4[%add3A_67, %dma_start3A_401, %dma_start3A_402] : memref<26x32x16384xf32, #tpu.memory_space<hbm>> -> memref<1x32x16384xf32, #tpu.memory_space<hbm>>
      %dma_start3A_404 = tpu.memref_squeeze %dma_start3A_403 : memref<1x32x16384xf32, #tpu.memory_space<hbm>> -> memref<32x16384xf32, #tpu.memory_space<hbm>>
      %dma_start3A_405 = arith.constant 12288 : i32
      %dma_start3A_406 = tpu.memref_slice %dma_start3A_404[%add3A, %dma_start3A_405] : memref<32x16384xf32, #tpu.memory_space<hbm>> -> memref<1x4096xf32, #tpu.memory_space<hbm>>
      %dma_start3A_407 = tpu.memref_squeeze %dma_start3A_406 : memref<1x4096xf32, #tpu.memory_space<hbm>> -> memref<4096xf32, #tpu.memory_space<hbm>>
      %dma_start3A_408 = arith.constant 0 : i32
      %dma_start3A_409 = tpu.memref_slice %arg9[%dma_start3A_390, %dma_start3A_408] : memref<2x4096xf32, #tpu.memory_space<vmem>> -> memref<1x4096xf32, #tpu.memory_space<vmem>>
      %dma_start3A_410 = tpu.memref_squeeze %dma_start3A_409 : memref<1x4096xf32, #tpu.memory_space<vmem>> -> memref<4096xf32, #tpu.memory_space<vmem>>
      tpu.enqueue_dma source(%dma_start3A_410 : memref<4096xf32, #tpu.memory_space<vmem>>) target(%dma_start3A_407 : memref<4096xf32, #tpu.memory_space<hbm>>) target_semaphore(%arg14 : memref<!tpu.dma_semaphore, #tpu.memory_space<semaphore_mem>>)
      %dma_wait3A_411 = arith.constant 0 : i32
      %dma_wait3A_412 = arith.constant 0 : i32
      %dma_wait3A_413 = tpu.memref_slice %arg9[%dma_wait3A_411, %dma_wait3A_412] : memref<2x4096xf32, #tpu.memory_space<vmem>> -> memref<1x4096xf32, #tpu.memory_space<vmem>>
      %dma_wait3A_414 = tpu.memref_squeeze %dma_wait3A_413 : memref<1x4096xf32, #tpu.memory_space<vmem>> -> memref<4096xf32, #tpu.memory_space<vmem>>
      %dma_wait3A_415 = arith.constant 0 : i32
      %dma_wait3A_416 = arith.constant 0 : i32
      %dma_wait3A_417 = tpu.memref_slice %arg4[%add3A_67, %dma_wait3A_415, %dma_wait3A_416] : memref<26x32x16384xf32, #tpu.memory_space<hbm>> -> memref<1x32x16384xf32, #tpu.memory_space<hbm>>
      %dma_wait3A_418 = tpu.memref_squeeze %dma_wait3A_417 : memref<1x32x16384xf32, #tpu.memory_space<hbm>> -> memref<32x16384xf32, #tpu.memory_space<hbm>>
      %dma_wait3A_419 = arith.constant 8192 : i32
      %dma_wait3A_420 = tpu.memref_slice %dma_wait3A_418[%add3A, %dma_wait3A_419] : memref<32x16384xf32, #tpu.memory_space<hbm>> -> memref<1x4096xf32, #tpu.memory_space<hbm>>
      %dma_wait3A_421 = tpu.memref_squeeze %dma_wait3A_420 : memref<1x4096xf32, #tpu.memory_space<hbm>> -> memref<4096xf32, #tpu.memory_space<hbm>>
      %dma_wait3A_422 = arith.constant 0 : i32
      %dma_wait3A_423 = arith.constant 0 : i32
      %dma_wait3A_424 = tpu.memref_slice %arg4[%add3A_67, %dma_wait3A_422, %dma_wait3A_423] : memref<26x32x16384xf32, #tpu.memory_space<hbm>> -> memref<1x32x16384xf32, #tpu.memory_space<hbm>>
      %dma_wait3A_425 = tpu.memref_squeeze %dma_wait3A_424 : memref<1x32x16384xf32, #tpu.memory_space<hbm>> -> memref<32x16384xf32, #tpu.memory_space<hbm>>
      %dma_wait3A_426 = arith.constant 8192 : i32
      %dma_wait3A_427 = tpu.memref_slice %dma_wait3A_425[%add3A, %dma_wait3A_426] : memref<32x16384xf32, #tpu.memory_space<hbm>> -> memref<1x4096xf32, #tpu.memory_space<hbm>>
      %dma_wait3A_428 = tpu.memref_squeeze %dma_wait3A_427 : memref<1x4096xf32, #tpu.memory_space<hbm>> -> memref<4096xf32, #tpu.memory_space<hbm>>
      %dma_wait3A_429 = arith.constant 0 : i32
      %dma_wait3A_430 = tpu.memref_slice %arg9[%dma_wait3A_411, %dma_wait3A_429] : memref<2x4096xf32, #tpu.memory_space<vmem>> -> memref<1x4096xf32, #tpu.memory_space<vmem>>
      %dma_wait3A_431 = tpu.memref_squeeze %dma_wait3A_430 : memref<1x4096xf32, #tpu.memory_space<vmem>> -> memref<4096xf32, #tpu.memory_space<vmem>>
      tpu.wait_dma2 semaphore(%arg14 : memref<!tpu.dma_semaphore, #tpu.memory_space<semaphore_mem>>) src(%dma_wait3A_431 : memref<4096xf32, #tpu.memory_space<vmem>>) dst(%dma_wait3A_428 : memref<4096xf32, #tpu.memory_space<hbm>>)
      %dma_wait3A_432 = arith.constant 1 : i32
      %dma_wait3A_433 = arith.constant 0 : i32
      %dma_wait3A_434 = tpu.memref_slice %arg9[%dma_wait3A_432, %dma_wait3A_433] : memref<2x4096xf32, #tpu.memory_space<vmem>> -> memref<1x4096xf32, #tpu.memory_space<vmem>>
      %dma_wait3A_435 = tpu.memref_squeeze %dma_wait3A_434 : memref<1x4096xf32, #tpu.memory_space<vmem>> -> memref<4096xf32, #tpu.memory_space<vmem>>
      %dma_wait3A_436 = arith.constant 0 : i32
      %dma_wait3A_437 = arith.constant 0 : i32
      %dma_wait3A_438 = tpu.memref_slice %arg4[%add3A_67, %dma_wait3A_436, %dma_wait3A_437] : memref<26x32x16384xf32, #tpu.memory_space<hbm>> -> memref<1x32x16384xf32, #tpu.memory_space<hbm>>
      %dma_wait3A_439 = tpu.memref_squeeze %dma_wait3A_438 : memref<1x32x16384xf32, #tpu.memory_space<hbm>> -> memref<32x16384xf32, #tpu.memory_space<hbm>>
      %dma_wait3A_440 = arith.constant 12288 : i32
      %dma_wait3A_441 = tpu.memref_slice %dma_wait3A_439[%add3A, %dma_wait3A_440] : memref<32x16384xf32, #tpu.memory_space<hbm>> -> memref<1x4096xf32, #tpu.memory_space<hbm>>
      %dma_wait3A_442 = tpu.memref_squeeze %dma_wait3A_441 : memref<1x4096xf32, #tpu.memory_space<hbm>> -> memref<4096xf32, #tpu.memory_space<hbm>>
      %dma_wait3A_443 = arith.constant 0 : i32
      %dma_wait3A_444 = arith.constant 0 : i32
      %dma_wait3A_445 = tpu.memref_slice %arg4[%add3A_67, %dma_wait3A_443, %dma_wait3A_444] : memref<26x32x16384xf32, #tpu.memory_space<hbm>> -> memref<1x32x16384xf32, #tpu.memory_space<hbm>>
      %dma_wait3A_446 = tpu.memref_squeeze %dma_wait3A_445 : memref<1x32x16384xf32, #tpu.memory_space<hbm>> -> memref<32x16384xf32, #tpu.memory_space<hbm>>
      %dma_wait3A_447 = arith.constant 12288 : i32
      %dma_wait3A_448 = tpu.memref_slice %dma_wait3A_446[%add3A, %dma_wait3A_447] : memref<32x16384xf32, #tpu.memory_space<hbm>> -> memref<1x4096xf32, #tpu.memory_space<hbm>>
      %dma_wait3A_449 = tpu.memref_squeeze %dma_wait3A_448 : memref<1x4096xf32, #tpu.memory_space<hbm>> -> memref<4096xf32, #tpu.memory_space<hbm>>
      %dma_wait3A_450 = arith.constant 0 : i32
      %dma_wait3A_451 = tpu.memref_slice %arg9[%dma_wait3A_432, %dma_wait3A_450] : memref<2x4096xf32, #tpu.memory_space<vmem>> -> memref<1x4096xf32, #tpu.memory_space<vmem>>
      %dma_wait3A_452 = tpu.memref_squeeze %dma_wait3A_451 : memref<1x4096xf32, #tpu.memory_space<vmem>> -> memref<4096xf32, #tpu.memory_space<vmem>>
      tpu.wait_dma2 semaphore(%arg14 : memref<!tpu.dma_semaphore, #tpu.memory_space<semaphore_mem>>) src(%dma_wait3A_452 : memref<4096xf32, #tpu.memory_space<vmem>>) dst(%dma_wait3A_449 : memref<4096xf32, #tpu.memory_space<hbm>>)
    }
    %scan3A_62 = arith.constant 26 : i32
    return
  }
}

</mosaic_0001>

<sc_bundles>
// kernel: kernel.3.cloned.1.call-start
scs
__scs_entry_jumppad:
0x0: {  	(pc) =	sbr.rel $0x88, $3  }
0x1: {  	(tag) =	ssettag $0x0;
	lr =	simm.s32 $0x1  }
0x2: {  	[smem:$0x3F9F] =	sst lr;
	_ =	strace $0xD0000000  }
0x3: {  	_ = 	snop  }
0x4: {  	_ = 	snop  }
0x5: {  	_ = 	snop  }
0x6: {  	_ = 	snop  }
0x7: {  	_ = 	snop  }
__scs_overlays_trampoline_lowered:
0x8: {  	[smem:$0x3FAE] =	sst s0  }
0x9: {  	[smem:$0x3FAF] =	sst s1  }
0xa: {  	[smem:$0x3FB0] =	sst s2  }
0xb: {  	[smem:$0x3FB1] =	sst s3  }
0xc: {  	[smem:$0x3FB2] =	sst s4  }
0xd: {  	[smem:$0x3FB3] =	sst s5  }
0xe: {  	[smem:$0x3FB4] =	sst s6  }
0xf: {  	[smem:$0x3FB5] =	sst s7  }
0x10: {  	[smem:$0x3FB6] =	sst s8  }
0x11: {  	[smem:$0x3FB7] =	sst s9;
	s0 =	simm.s32 @!p0 $0x0  }
0x12: {  	s1 =	sld [smem:$0x3F9D];
	s0 =	simm.s32 @p0 $0x1  }
0x13: {  	[smem:$0x3FB8] =	sst s0;
	s0 =	simm.s32 @!p1 $0x0  }
0x14: {  	s2 =	sld [smem:$0x3F9C];
	s0 =	simm.s32 @p1 $0x1  }
0x15: {  	[smem:$0x3FB9] =	sst s0;
	s0 =	simm.s32 @!p2 $0x0  }
0x16: {  	s3 =	sld [smem:$0x3FDB];
	s0 =	simm.s32 @p2 $0x1  }
0x17: {  	s4 =	simm.s32 $0x1BF5;
	[smem:$0x3FBB] =	sst s0  }
0x18: {  	s0 =	sld [smem:$0x3F9E];
	_ =	swait.ge [sflag:s4], $0x0  }
0x19: {  	s7 =	sld [smem:$0x3F9F]  }
0x1a: {  	s8 =	sadd.s32 $0xFFFFE003, lr  }
0x1b: {  	s9 =	sadd.s32 $0xFFFFFEF7, lr;
	s5 =	simm.s32 $0xFFFFFFFF;
	p2 =	slt.u32 s8, $0xFFFFF086  }
0x1c: {  	p1 =	slt.u32 s9, $0xF7A;
	s5 =	simm.s32 @!p2 $0x0  }
0x1d: {  	s5 =	simm.s32 @p1 $0x1;
	p0 =	seq.s32 s7, s2  }
0x1e: {  	s7 =	smul.u32 @!p0 $0xF7A, s2;
	p2 =	seq.s32 @!p0 s5, $0x0  }
0x1f: {  	s9 =	smul.u32 $0xF7A, s1;
	s8 =	simm.s32 @!p0 $0x1BF5;
	p2 =	por !p2, p0  }
0x20: {  	[sflag:s8] =	ssyncset.s32 @!p0 $0xFFFFF086;
	s6 =	sadd.s32 @!p0 s3, s7;
	s7 =	simm.s32 @!p0 $0x108  }
0x21: {  	s3 =	sadd.s32 s3, s9;
	s6 =	sadd.s32 @!p0 $0x88, s6;
	s7 =	simm.s32 @p2 $0x1082  }
0x22: {  	[simem:s7], [sflag:s8] =	dma.local @!p0 [hbm:s6], $0xF7A  }
0x23: {  	s9 =	sor.u32 $0xD0000000, s2;
	s6 =	simm.s32 $0x108;
	_ =	swait.ge @!p0 [sflag:s8], $0x0  }
0x24: {  	s3 =	sadd.s32 $0x88, s3;
	s6 =	simm.s32 @!p1 $0x1082;
	[sflag:s4] =	ssyncset.s32 $0xFFFFF086  }
0x25: {  	[simem:s6], [sflag:s4] =	dma.local [hbm:s3], $0xF7A  }
0x26: {  	[smem:$0x3F9F] =	sst s1;
	(tag) =	ssettag s2;
	_ =	strace s9  }
0x27: {  	s1 =	sld [smem:$0x3FAF]  }
0x28: {  	s2 =	sld [smem:$0x3FB0]  }
0x29: {  	s4 =	sld [smem:$0x3FB2]  }
0x2a: {  	p0 =	seq.s32 s5, $0x0;
	s5 =	sld [smem:$0x3FB3]  }
0x2b: {  	s6 =	sld [smem:$0x3FB4]  }
0x2c: {  	s7 =	sld [smem:$0x3FB5]  }
0x2d: {  	s3 =	simm.s32 $0x108;
	s8 =	sld [smem:$0x3FB6]  }
0x2e: {  	s3 =	simm.s32 @!p0 $0x1082;
	s9 =	sld [smem:$0x3FB7]  }
0x2f: {  	lr =	sadd.s32 s0, s3;
	s0 =	sld [smem:$0x3FAE]  }
0x30: {  	s3 =	sld [smem:$0x3FB1]  }
0x31: {  	[smem:$0x3FBA] =	sst s10  }
0x32: {  	s10 =	sld [smem:$0x3FB8];
	_ =	sdelay $0x3  }
0x33: {  	p0 =	seq.s32 s10, $0x1;
	s10 =	sld [smem:$0x3FBA];
	_ =	sdelay $0x3  }
0x34: {  	[smem:$0x3FBA] =	sst s10  }
0x35: {  	s10 =	sld [smem:$0x3FB9];
	_ =	sdelay $0x3  }
0x36: {  	p1 =	seq.s32 s10, $0x1;
	s10 =	sld [smem:$0x3FBA];
	_ =	sdelay $0x3  }
0x37: {  	[smem:$0x3FBA] =	sst s10  }
0x38: {  	s10 =	sld [smem:$0x3FBB]  }
0x39: {  	_ = 	snop;
	(pc) =	sbr.ind lr, $3  }
0x3a: {  	_ = 	snop  }
0x3b: {  	_ = 	snop  }
0x3c: {  	p2 =	seq.s32 s10, $0x1;
	s10 =	sld [smem:$0x3FBA]  }
0x3d: {  	_ =	shalt  }
0x3e: {  	_ =	shalt  }
0x3f: {  	_ =	shalt  }
0x40: {  	_ =	shalt  }
0x41: {  	_ =	shalt  }
0x42: {  	_ =	shalt  }
0x43: {  	_ =	shalt  }
0x44: {  	_ =	shalt  }
0x45: {  	_ =	shalt  }
0x46: {  	_ =	shalt  }
0x47: {  	_ =	shalt  }
0x48: {  	_ =	shalt  }
0x49: {  	_ =	shalt  }
0x4a: {  	_ =	shalt  }
0x4b: {  	_ =	shalt  }
0x4c: {  	_ =	shalt  }
0x4d: {  	_ =	shalt  }
0x4e: {  	_ =	shalt  }
0x4f: {  	_ =	shalt  }
0x50: {  	_ =	shalt  }
0x51: {  	_ =	shalt  }
0x52: {  	_ =	shalt  }
0x53: {  	_ =	shalt  }
0x54: {  	_ =	shalt  }
0x55: {  	_ =	shalt  }
0x56: {  	_ =	shalt  }
0x57: {  	_ =	shalt  }
0x58: {  	_ =	shalt  }
0x59: {  	_ =	shalt  }
0x5a: {  	_ =	shalt  }
0x5b: {  	_ =	shalt  }
0x5c: {  	_ =	shalt  }
0x5d: {  	_ =	shalt  }
0x5e: {  	_ =	shalt  }
0x5f: {  	_ =	shalt  }
0x60: {  	_ =	shalt  }
0x61: {  	_ =	shalt  }
0x62: {  	_ =	shalt  }
0x63: {  	_ =	shalt  }
0x64: {  	_ =	shalt  }
0x65: {  	_ =	shalt  }
0x66: {  	_ =	shalt  }
0x67: {  	_ =	shalt  }
0x68: {  	_ =	shalt  }
0x69: {  	_ =	shalt  }
0x6a: {  	_ =	shalt  }
0x6b: {  	_ =	shalt  }
0x6c: {  	_ =	shalt  }
0x6d: {  	_ =	shalt  }
0x6e: {  	_ =	shalt  }
0x6f: {  	_ =	shalt  }
0x70: {  	_ =	shalt  }
0x71: {  	_ =	shalt  }
0x72: {  	_ =	shalt  }
0x73: {  	_ =	shalt  }
0x74: {  	_ =	shalt  }
0x75: {  	_ =	shalt  }
0x76: {  	_ =	shalt  }
0x77: {  	_ =	shalt  }
0x78: {  	_ =	shalt  }
0x79: {  	_ =	shalt  }
0x7a: {  	_ =	shalt  }
0x7b: {  	_ =	shalt  }
0x7c: {  	_ =	shalt  }
0x7d: {  	_ =	shalt  }
0x7e: {  	_ =	shalt  }
0x7f: {  	_ =	shalt  }
0x80: {  	_ =	shalt  }
0x81: {  	_ =	shalt  }
0x82: {  	_ =	shalt  }
0x83: {  	_ =	shalt  }
0x84: {  	_ =	shalt  }
0x85: {  	_ =	shalt  }
0x86: {  	_ =	shalt  }
0x87: {  	_ =	shalt  }
.Lfunc_end0:
.L_simem_size_0:
called_computation_lowered:
.L_overlay_start_0:
0x88: {  	s2 =	sld [smem:$0x3FD9]  }
0x89: {  	s3 =	sld [smem:$0x3FFE];
	_ =	sdelay $0x1  }
0x8a: {  	s1 =	srdreg.scid  }
0x8b: {  	s0 =	sand.u32 $0x1, s1  }
0x8c: {  	s18 =	sshll.u32 s0, $0xA;
	s2 =	sadd.s32 s3, s2  }
0x8d: {  	s2 =	sadd.s32 s2, s18  }
0x8e: {  	[smem:$0x3FC6] =	sst s2  }
0x8f: {  	_ = 	snop  }
0x90: {  	s2 =	sld [smem:$0x3FC9]  }
0x91: {  	s19 =	sld [smem:$0x3FC8]  }
0x92: {  	s4 =	sld [smem:$0x3FD0];
	(tm) =	ssettm $0x1  }
0x93: {  	s5 =	sld [smem:$0x3FFB];
	_ =	sdelay $0x3  }
0x94: {  	_ =	strace s5  }
0x95: {  	s5 =	sld [smem:$0x3FFC];
	_ =	sdelay $0x3  }
0x96: {  	_ =	strace s5  }
0x97: {  	s5 =	sld [smem:$0x3FFD];
	_ =	sdelay $0x3  }
0x98: {  	_ =	strace s5  }
0x99: {  	_ =	strace $0x8FFFFFFF  }
0x9a: {  	s20 =	sld [smem:$0x3FDB];
	_ =	sdelay $0x1  }
0x9b: {  	s6 =	simm.s32 $_scs_section_size  }
0x9c: {  	s7 =	simm.s32 $_size__tile_overlayer_lowered;
	s8 =	simm.s32 $_tile_overlayer_lowered  }
0x9d: {  	s23 =	simm.s32 $0x1BFF;
	s22 =	sshll.u32 s8, $0x1;
	s5 =	sadd.s32 s6, s20  }
0x9e: {  	s9 =	simm.s32 $0x0;
	s21 =	sshll.u32 s7, $0x1;
	s7 =	sadd.s32 s22, s5  }
0x9f: {  	[timem:s9], [sflag:s23] =	dma.local [hbm:s7], s21  }
0xa0: {  	_ =	swait.ge [sflag:s23], s21  }
0xa1: {  	s6 =	ssub.s32 $0x0, s21;
	[sflag:s23] =	ssyncset.done $0x0  }
0xa2: {  	[sflag:s23] =	ssyncadd.s32 s6;
	_ =	sdelay $0x1  }
0xa3: {  	s24 =	simm.s32 $0x1B8B  }
0xa4: {  	_ =	swait.ge [sflag:s24], $0x1  }
0xa5: {  	[sflag:s24] =	ssyncset.done $0x0  }
0xa6: {  	s25 =	simm.s32 $0x1B8E;
	[sflag:s24] =	ssyncadd.s32 $0xFFFFFFFF  }
0xa7: {  	s26 =	simm.s32 $execute0_lowered;
	[smem:$0x3FD2] =	sst s25  }
0xa8: {  	s6 =	sshll.u32 s26, $0x1;
	_ =	strace $0x80000046;
	[dreg:$0x1] =	wrdreg $0xFFFFFFFF  }
0xa9: {  	s28 =	simm.s32 $_size_execute0_lowered;
	s5 =	sadd.s32 s5, s6;
	[dreg:$0x0] =	wrdreg $0x0  }
0xaa: {  	s6 =	sshll.u32 s28, $0x1;
	[dreg:$0x2] =	wrdreg s5  }
0xab: {  	[dreg:$0x3] =	wrdreg s6  }
0xac: {  	[dreg:$0x4] =	wrdreg $0xC0  }
0xad: {  	_ =	task [dreg:s9], $0x5FFFF  }
0xae: {  	[dreg:$0x1] =	wrdreg $0xFFFFFFFF  }
0xaf: {  	[dreg:$0x0] =	wrdreg $0x60  }
0xb0: {  	[dreg:$0x2] =	wrdreg s19  }
0xb1: {  	[dreg:$0x3] =	wrdreg s2  }
0xb2: {  	[dreg:$0x4] =	wrdreg s4  }
0xb3: {  	[dreg:$0x5] =	wrdreg $0x9  }
0xb4: {  	_ =	task.clear_ibuf [dreg:s9], $0x6FFFF;
	_ =	strace $0x90000046  }
0xb5: {  	s29 =	simm.s32 $0x9;
	_ =	strace $0x80000048  }
0xb6: {  	_ =	swait.ge [sflag:s29], $0x1  }
0xb7: {  	[sflag:s29] =	ssyncadd.s32 $0xFFFFFFFF  }
0xb8: {  	_ =	strace $0x90000048  }
0xb9: {  	_ =	sfence  }
0xba: {  	s30 =	sld [smem:$0x0];
	_ =	sdelay $0x2  }
0xbb: {  	s31 =	sshll.u32 s1, $0xD;
	s1 =	sshrl.u32 s1, $0x2  }
0xbc: {  	s3 =	sand.u32 $0x4000, s31;
	s1 =	sadd.s32 s1, s30  }
0xbd: {  	s0 =	sor.u32 s3, s0;
	s1 =	sshll.u32 s1, $0x11  }
0xbe: {  	s0 =	sor.u32 s1, s0  }
0xbf: {  	s0 =	sadd.s32 $0x8F2B, s0  }
0xc0: {  	[sflag:s0] =	ssyncadd.remote.s32 $0x1  }
0xc1: {  	_ =	sfence.sel $0xFFFF  }
0xc2: {  	[dreg:$0x0] =	wrdreg $0xFFFFFFFF;
	(pc) =	sbr.abs _section_cstart, $3  }
0xc3: {  	[dreg:$0x1] =	wrdreg $0xFFFFFFFF  }
0xc4: {  	_ =	task.clear_ibuf [dreg:s9], $0x2FFFF;
	_ =	strace $0x9FFFFFFF  }
0xc5: {  	(tm) =	ssettm $0x7FFFFFFF  }
tec
execute0_lowered:
.L_overlay_start_1:
0x0: {  	(tag) =	ssettag $0x1  }
0x1: {  	s1 =	rddreg [dreg:$0x0]  }
0x2: {  	s3 =	rddreg [dreg:$0x1]  }
0x3: {  	s4 =	rddreg [dreg:$0x2];
	s0 =	srdreg.scid  }
0x4: {  	s5 =	stileid.u32;
	s22 =	simm.s32 $0x8280;
	s23 =	simm.s32 $0x10500  }
0x5: {  	s24 =	simm.s32 $0x1;
	s28 =	simm.s32 $0x4;
	s29 =	simm.s32 $0x5  }
0x6: {  	s0 =	sand.u32 $0x1, s0;
	s2 =	sshrl.u32 s5, $0x2;
	s5 =	sshll.u32 s5, $0x8  }
0x7: {  	s12 =	sadd.s32 $0x1000, s3;
	s14 =	sadd.s32 $0x2000, s3;
	s16 =	sadd.s32 $0x3000, s3  }
0x8: {  	s6 =	smul.u32 $0xC3800, s2;
	s7 =	sshll.u32 s0, $0x7;
	s8 =	sand.u32 $0x300, s5  }
0x9: {  	s5 =	simm.s32 $0x0;
	s0 =	ssub.s32 $0x2, s0;
	s2 =	sshll.u32 s2, $0x11  }
0xa: {  	s7 =	sor.u32 s7, s8;
	[smem:$0x7FF] =	sst s5;
	s25 =	sshrl.u32 s0, $0x1  }
0xb: {  	s9 =	sor.u32 s6, s7;
	_ =	strace $0x80000047;
	s0 =	ssub.s32 s0, s25  }
0xc: {  	s2 =	sor.u32 s2, s7;
	s25 =	simm.s32 $0x2;
	s6 =	sshrl.u32 s9, $0x3  }
0xd: {  	s30 =	sadd.s32 $0x41400, s9;
	s9 =	sadd.s32 $0x82800, s9;
	s13 =	sshrl.u32 s2, $0x3  }
0xe: {  	s0 =	smax.u32 s0, $0x1;
	s2 =	simm.s32 $0x0;
	s26 =	sadd.s32 s1, s6  }
0xf: {  	s8 =	sshrl.u32 s30, $0x3;
	s9 =	sshrl.u32 s9, $0x3;
	[dreg:$0x7] =	wrdreg s0  }
0x10: {  	s15 =	sor.u32 $0x1000, s13;
	[dreg:$0x4] =	wrdreg s26;
	s10 =	sadd.s32 s1, s8  }
0x11: {  	s17 =	sor.u32 $0x2000, s13;
	s31 =	sadd.s32 s1, s9;
	[dreg:$0x5] =	wrdreg s10  }
0x12: {  	s18 =	sor.u32 $0x3000, s13;
	s26 =	simm.s32 $0x3;
	[dreg:$0x6] =	wrdreg s31  }
.LBB2_1:
0x13: {  	[dreg:$0x8] =	wrdreg s2  }
0x14: {  	s0 =	rddreg [dreg:$0x4];
	s20 =	simm.s32 $0x80;
	s7 =	simm.s32 $0x400  }
0x15: {  	[tilespmem:s5], [sflag:$0x1] =	stream.strided.gather [hbm4b:s0+s20], $0x8280, s7, s20, $0x38;
	[tilespmem:$0x1C700] =	vst v63  }
0x16: {  	s21 =	rddreg [dreg:$0x5]  }
0x17: {  	[tilespmem:s22], [sflag:$0x2] =	stream.strided.gather [hbm4b:s21+s20], $0x8280, s7, s20, $0x38;
	[tilespmem:$0x1C700] =	vst v63  }
0x18: {  	s30 =	rddreg [dreg:$0x6]  }
0x19: {  	[tilespmem:s23], [sflag:$0x3] =	stream.strided.gather [hbm4b:s30+s20], $0x8200, s7, s20, $0x38;
	[tilespmem:$0x1C700] =	vst v63  }
0x1a: {  	s31 =	sadd.s32 $0x0, s3;
	s2 =	simm.s32 $0x80;
	s0 =	simm.s32 $0x18700  }
0x1b: {  	[tilespmem:s0], [sflag:$0x4] =	stream.linear.gather [hbm4b:s31+s5], $0x80, $0x38;
	[tilespmem:$0x1C700] =	vst v63  }
.LBB2_2:
0x1c: {  	p0 =	sne.s32 s2, $0xF80  }
.Ltmp0:
0x1d: {  	_ = 	snop;
	(pc) =	sbr.rel @p0 .LBB2_2-.Ltmp0, $4  }
0x1e: {  	_ = 	snop  }
0x1f: {  	s7 =	sadd.s32 s2, s3;
	s0 =	sadd.s32 $0x100, s0  }
0x20: {  	s31 =	simm.s32 $0x0;
	s2 =	sadd.s32 $0x80, s2  }
0x21: {  	[tilespmem:s0], [sflag:$0x4] =	stream.linear.gather [hbm4b:s7+s31], $0x80, $0x38;
	[tilespmem:$0x1C700] =	vst v63  }
.LBB2_3:
0x22: {  	_ =	swait.ge [sflag:s24], $0x8280  }
0x23: {  	[sflag:s24] =	ssyncset.done $0x0  }
0x24: {  	[sflag:s24] =	ssyncadd.s32 $0xFFFF7D80  }
0x25: {  	_ =	swait.ge [sflag:s25], $0x8280  }
0x26: {  	[sflag:s25] =	ssyncset.done $0x0  }
0x27: {  	[sflag:s25] =	ssyncadd.s32 $0xFFFF7D80  }
0x28: {  	_ =	swait.ge [sflag:s26], $0x8200  }
0x29: {  	s0 =	sshll.u32 s31, $0xB;
	s2 =	sshll.u32 s31, $0x4;
	[sflag:s26] =	ssyncset.done $0x0  }
0x2a: {  	s0 =	sand.u32 $0xC000, s0;
	s2 =	sand.u32 $0x70, s2;
	[sflag:s26] =	ssyncadd.s32 $0xFFFF7E00  }
0x2b: {  	s2 =	sor.u32 s2, s0;
	_ =	swait.ge [sflag:s28], $0x1000  }
0x2c: {  	s10 =	simm.s32 $0x18780;
	s0 =	sadd.s32 s2, s12;
	[sflag:s28] =	ssyncset.done $0x0  }
0x2d: {  	s7 =	simm.s32 $0x0;
	s11 =	sadd.s32 $0x0, s0;
	[sflag:s28] =	ssyncadd.s32 $0xFFFFF000  }
0x2e: {  	[tilespmem:s10], [sflag:$0x4] =	stream.linear.gather [hbm4b:s11+s7], $0x80, $0x38;
	[tilespmem:$0x1C700] =	vst v63  }
0x2f: {  	s11 =	simm.s32 $0x80  }
.LBB2_4:
0x30: {  	p0 =	sne.s32 s11, $0xF80  }
.Ltmp1:
0x31: {  	_ = 	snop;
	(pc) =	sbr.rel @p0 .LBB2_4-.Ltmp1, $4  }
0x32: {  	_ = 	snop  }
0x33: {  	s19 =	sadd.s32 s11, s0;
	s10 =	sadd.s32 $0x100, s10  }
0x34: {  	s11 =	sadd.s32 $0x80, s11  }
0x35: {  	[tilespmem:s10], [sflag:$0x4] =	stream.linear.gather [hbm4b:s19+s7], $0x80, $0x38;
	[tilespmem:$0x1C700] =	vst v63  }
0x36: {  	s0 =	sand.u32 $0x40, s7;
	s10 =	sand.u32 $0x1F00, s7  }
0x37: {  	s0 =	sor.u32 s0, s10  }
0x38: {  	v0 =	vld [tilespmem:s0+$0x18700];
	_ =	sdelay $0x4  }
0x39: {  	vm0 =	vlt.s32 v0, $0x8280;
	_ =	sdelay $0x1  }
0x3a: {  	v1 =	vld [tilespmem:s0+$0x18710];
	_ =	sdelay $0x3  }
0x3b: {  	v0 =	vld.idx.msk [tilespmem:v0+s7+$0x0], vm0  }
0x3c: {  	vm1 =	vlt.s32 v1, $0x8280;
	_ =	sdelay $0x1  }
0x3d: {  	v2 =	vld [tilespmem:s0+$0x18720];
	_ =	sdelay $0x1  }
0x3e: {  	v0 =	vnsel vm0, $0x0, v0  }
0x3f: {  	[tilespmem:s0+$0x1A700] =	vst v0  }
0x40: {  	v1 =	vld.idx.msk [tilespmem:v1+s7+$0x0], vm1  }
0x41: {  	vm0 =	vlt.s32 v2, $0x8280;
	_ =	sdelay $0x1  }
0x42: {  	v0 =	vld [tilespmem:s0+$0x18730];
	_ =	sdelay $0x1  }
0x43: {  	v1 =	vnsel vm1, $0x0, v1  }
0x44: {  	[tilespmem:s0+$0x1A710] =	vst v1  }
0x45: {  	s19 =	simm.s32 $0x80;
	v1 =	vld.idx.msk [tilespmem:v2+s7+$0x0], vm0  }
0x46: {  	s20 =	simm.s32 $0x40;
	s10 =	simm.s32 $0x0;
	s11 =	smov.u32 s0;
	vm1 =	vlt.s32 v0, $0x8280  }
.LBB2_6:
0x47: {  	s21 =	sand.u32 $0x40, s20;
	s30 =	sand.u32 $0x1F00, s19;
	s10 =	sadd.s32 $0x4, s10  }
0x48: {  	s21 =	sor.u32 s21, s30;
	p0 =	slt.u32 s10, $0xFC  }
0x49: {  	v2 =	vld [tilespmem:s21+$0x18700]  }
0x4a: {  	v1 =	vnsel vm0, $0x0, v1  }
0x4b: {  	[tilespmem:s11+$0x1A720] =	vst v1  }
0x4c: {  	v0 =	vld.idx.msk [tilespmem:v0+s7+$0x0], vm1;
	_ =	sdelay $0x1  }
0x4d: {  	vm0 =	vlt.s32 v2, $0x8280;
	_ =	sdelay $0x2  }
0x4e: {  	v1 =	vld [tilespmem:s21+$0x18710]  }
0x4f: {  	v0 =	vnsel vm1, $0x0, v0  }
0x50: {  	[tilespmem:s11+$0x1A730] =	vst v0;
	s11 =	smov.u32 s21  }
0x51: {  	v0 =	vld.idx.msk [tilespmem:v2+s7+$0x0], vm0;
	_ =	sdelay $0x1  }
0x52: {  	vm1 =	vlt.s32 v1, $0x8280;
	_ =	sdelay $0x2  }
0x53: {  	v2 =	vld [tilespmem:s11+$0x18720]  }
0x54: {  	v0 =	vnsel vm0, $0x0, v0  }
0x55: {  	[tilespmem:s11+$0x1A700] =	vst v0  }
0x56: {  	v1 =	vld.idx.msk [tilespmem:v1+s7+$0x0], vm1;
	_ =	sdelay $0x1  }
0x57: {  	vm0 =	vlt.s32 v2, $0x8280;
	_ =	sdelay $0x2  }
0x58: {  	v0 =	vld [tilespmem:s11+$0x18730]  }
.Ltmp2:
0x59: {  	v1 =	vnsel vm1, $0x0, v1;
	(pc) =	sbr.rel @p0 .LBB2_6-.Ltmp2, $3  }
0x5a: {  	[tilespmem:s11+$0x1A710] =	vst v1  }
0x5b: {  	v1 =	vld.idx.msk [tilespmem:v2+s7+$0x0], vm0;
	_ =	sdelay $0x1  }
0x5c: {  	s19 =	sadd.s32 $0x80, s19;
	s20 =	sadd.s32 $0x40, s20;
	vm1 =	vlt.s32 v0, $0x8280  }
0x5d: {  	_ =	sdelay $0x2  }
0x5e: {  	v1 =	vnsel vm0, $0x0, v1  }
0x5f: {  	[tilespmem:s11+$0x1A720] =	vst v1  }
0x60: {  	v0 =	vld.idx.msk [tilespmem:v0+s7+$0x0], vm1;
	_ =	sdelay $0x4  }
0x61: {  	v0 =	vnsel vm1, $0x0, v0  }
0x62: {  	[tilespmem:s11+$0x1A730] =	vst v0  }
0x63: {  	v0 =	vld [tilespmem:s0+$0x18700];
	_ =	sdelay $0x4  }
0x64: {  	v0 =	vadd.s32 $0xFFFF7D80, v0  }
0x65: {  	vm0 =	vlt.u32 v0, $0x8280  }
0x66: {  	v1 =	vld [tilespmem:s0+$0x18710];
	_ =	sdelay $0x3  }
0x67: {  	v2 =	vld [tilespmem:s0+$0x1A700]  }
0x68: {  	v1 =	vadd.s32 $0xFFFF7D80, v1;
	v0 =	vld.idx.msk [tilespmem:v0+s22+$0x0], vm0  }
0x69: {  	vm1 =	vlt.u32 v1, $0x8280;
	_ =	sdelay $0x1  }
0x6a: {  	v3 =	vld [tilespmem:s0+$0x18720];
	_ =	sdelay $0x1  }
0x6b: {  	v0 =	vsel vm0, v0, v2  }
0x6c: {  	[tilespmem:s0+$0x1A700] =	vst v0  }
0x6d: {  	v0 =	vld.idx.msk [tilespmem:v1+s22+$0x0], vm1  }
0x6e: {  	v2 =	vadd.s32 $0xFFFF7D80, v3;
	v1 =	vld [tilespmem:s0+$0x1A710]  }
0x6f: {  	vm0 =	vlt.u32 v2, $0x8280;
	_ =	sdelay $0x1  }
0x70: {  	v3 =	vld [tilespmem:s0+$0x18730];
	_ =	sdelay $0x1  }
0x71: {  	v0 =	vsel vm1, v0, v1  }
0x72: {  	[tilespmem:s0+$0x1A710] =	vst v0  }
0x73: {  	v1 =	vld.idx.msk [tilespmem:v2+s22+$0x0], vm0  }
0x74: {  	s10 =	simm.s32 $0x80;
	s7 =	simm.s32 $0x0;
	s11 =	simm.s32 $0x40;
	v0 =	vadd.s32 $0xFFFF7D80, v3;
	v2 =	vld [tilespmem:s0+$0x1A720]  }
.LBB2_8:
0x75: {  	s19 =	sand.u32 $0x40, s11;
	s20 =	sand.u32 $0x1F00, s10;
	s7 =	sadd.s32 $0x4, s7;
	vm1 =	vlt.u32 v0, $0x8280  }
0x76: {  	s19 =	sor.u32 s19, s20;
	p0 =	slt.u32 s7, $0xFC  }
0x77: {  	v3 =	vld [tilespmem:s19+$0x18700];
	_ =	sdelay $0x1  }
0x78: {  	v1 =	vsel vm0, v1, v2  }
0x79: {  	[tilespmem:s0+$0x1A720] =	vst v1  }
0x7a: {  	v0 =	vld.idx.msk [tilespmem:v0+s22+$0x0], vm1  }
0x7b: {  	v1 =	vadd.s32 $0xFFFF7D80, v3;
	v2 =	vld [tilespmem:s0+$0x1A730]  }
0x7c: {  	vm0 =	vlt.u32 v1, $0x8280;
	_ =	sdelay $0x1  }
0x7d: {  	v3 =	vld [tilespmem:s19+$0x18710];
	_ =	sdelay $0x1  }
0x7e: {  	v0 =	vsel vm1, v0, v2  }
0x7f: {  	[tilespmem:s0+$0x1A730] =	vst v0;
	s0 =	smov.u32 s19  }
0x80: {  	v0 =	vld.idx.msk [tilespmem:v1+s22+$0x0], vm0  }
0x81: {  	v1 =	vld [tilespmem:s0+$0x1A700];
	v2 =	vadd.s32 $0xFFFF7D80, v3  }
0x82: {  	vm1 =	vlt.u32 v2, $0x8280;
	_ =	sdelay $0x1  }
0x83: {  	v3 =	vld [tilespmem:s0+$0x18720];
	_ =	sdelay $0x1  }
0x84: {  	v0 =	vsel vm0, v0, v1  }
0x85: {  	[tilespmem:s0+$0x1A700] =	vst v0  }
0x86: {  	v0 =	vld.idx.msk [tilespmem:v2+s22+$0x0], vm1  }
0x87: {  	v1 =	vld [tilespmem:s0+$0x1A710];
	v2 =	vadd.s32 $0xFFFF7D80, v3  }
0x88: {  	vm0 =	vlt.u32 v2, $0x8280;
	_ =	sdelay $0x1  }
0x89: {  	v3 =	vld [tilespmem:s0+$0x18730]  }
.Ltmp3:
0x8a: {  	(pc) =	sbr.rel @p0 .LBB2_8-.Ltmp3, $4  }
0x8b: {  	v0 =	vsel vm1, v0, v1  }
0x8c: {  	[tilespmem:s0+$0x1A710] =	vst v0  }
0x8d: {  	v1 =	vld.idx.msk [tilespmem:v2+s22+$0x0], vm0  }
0x8e: {  	s10 =	sadd.s32 $0x80, s10;
	s11 =	sadd.s32 $0x40, s11;
	v2 =	vld [tilespmem:s0+$0x1A720];
	v0 =	vadd.s32 $0xFFFF7D80, v3  }
0x8f: {  	vm1 =	vlt.u32 v0, $0x8280;
	_ =	sdelay $0x3  }
0x90: {  	v1 =	vsel vm0, v1, v2  }
0x91: {  	[tilespmem:s0+$0x1A720] =	vst v1;
	v1 =	vld [tilespmem:s0+$0x1A730]  }
0x92: {  	v0 =	vld.idx.msk [tilespmem:v0+s22+$0x0], vm1;
	_ =	sdelay $0x3  }
0x93: {  	s7 =	simm.s32 $0x0  }
0x94: {  	s10 =	sand.u32 $0x40, s7;
	s7 =	sand.u32 $0x1F00, s7;
	v0 =	vsel vm1, v0, v1  }
0x95: {  	s7 =	sor.u32 s10, s7;
	[tilespmem:s0+$0x1A730] =	vst v0  }
0x96: {  	v0 =	vld [tilespmem:s7+$0x18700];
	_ =	sdelay $0x4  }
0x97: {  	vm0 =	vgt.s32 v0, $0x104FF  }
0x98: {  	v0 =	vadd.s32 $0xFFFEFB00, v0  }
0x99: {  	v1 =	vld [tilespmem:s7+$0x18710];
	_ =	sdelay $0x2  }
0x9a: {  	v2 =	vld [tilespmem:s7+$0x1A700]  }
0x9b: {  	v0 =	vld.idx.msk [tilespmem:v0+s23+$0x0], vm0  }
0x9c: {  	vm1 =	vgt.s32 v1, $0x104FF  }
0x9d: {  	v1 =	vadd.s32 $0xFFFEFB00, v1  }
0x9e: {  	v3 =	vld [tilespmem:s7+$0x18720];
	_ =	sdelay $0x1  }
0x9f: {  	v0 =	vsel vm0, v0, v2  }
0xa0: {  	v2 =	vld [tilespmem:s7+$0x1A710];
	[tilespmem:s7+$0x1A700] =	vst v0  }
0xa1: {  	v1 =	vld.idx.msk [tilespmem:v1+s23+$0x0], vm1  }
0xa2: {  	vm0 =	vgt.s32 v3, $0x104FF  }
0xa3: {  	v3 =	vadd.s32 $0xFFFEFB00, v3  }
0xa4: {  	v0 =	vld [tilespmem:s7+$0x18730];
	_ =	sdelay $0x1  }
0xa5: {  	v1 =	vsel vm1, v1, v2  }
0xa6: {  	v2 =	vld [tilespmem:s7+$0x1A720];
	[tilespmem:s7+$0x1A710] =	vst v1  }
0xa7: {  	v1 =	vld.idx.msk [tilespmem:v3+s23+$0x0], vm0  }
0xa8: {  	s11 =	simm.s32 $0x40;
	s10 =	simm.s32 $0x80;
	s0 =	simm.s32 $0x0;
	vm1 =	vgt.s32 v0, $0x104FF  }
.LBB2_10:
0xa9: {  	s19 =	sand.u32 $0x40, s11;
	s20 =	sand.u32 $0x1F00, s10;
	s0 =	sadd.s32 $0x4, s0;
	v0 =	vadd.s32 $0xFFFEFB00, v0  }
0xaa: {  	s19 =	sor.u32 s19, s20;
	p0 =	slt.u32 s0, $0xFC  }
0xab: {  	v3 =	vld [tilespmem:s19+$0x18700]  }
0xac: {  	v1 =	vsel vm0, v1, v2  }
0xad: {  	[tilespmem:s7+$0x1A720] =	vst v1  }
0xae: {  	v0 =	vld.idx.msk [tilespmem:v0+s23+$0x0], vm1  }
0xaf: {  	v1 =	vld [tilespmem:s7+$0x1A730]  }
0xb0: {  	vm0 =	vgt.s32 v3, $0x104FF  }
0xb1: {  	v2 =	vadd.s32 $0xFFFEFB00, v3;
	_ =	sdelay $0x1  }
0xb2: {  	v3 =	vld [tilespmem:s19+$0x18710]  }
0xb3: {  	v0 =	vsel vm1, v0, v1  }
0xb4: {  	[tilespmem:s7+$0x1A730] =	vst v0;
	s7 =	smov.u32 s19  }
0xb5: {  	v0 =	vld.idx.msk [tilespmem:v2+s23+$0x0], vm0  }
0xb6: {  	v1 =	vld [tilespmem:s7+$0x1A700]  }
0xb7: {  	vm1 =	vgt.s32 v3, $0x104FF  }
0xb8: {  	v2 =	vadd.s32 $0xFFFEFB00, v3;
	_ =	sdelay $0x1  }
0xb9: {  	v3 =	vld [tilespmem:s7+$0x18720]  }
0xba: {  	v0 =	vsel vm0, v0, v1  }
0xbb: {  	[tilespmem:s7+$0x1A700] =	vst v0  }
0xbc: {  	v1 =	vld.idx.msk [tilespmem:v2+s23+$0x0], vm1  }
0xbd: {  	v2 =	vld [tilespmem:s7+$0x1A710]  }
0xbe: {  	vm0 =	vgt.s32 v3, $0x104FF  }
0xbf: {  	v3 =	vadd.s32 $0xFFFEFB00, v3;
	_ =	sdelay $0x1  }
0xc0: {  	v0 =	vld [tilespmem:s7+$0x18730]  }
.Ltmp4:
0xc1: {  	v1 =	vsel vm1, v1, v2;
	(pc) =	sbr.rel @p0 .LBB2_10-.Ltmp4, $4  }
0xc2: {  	[tilespmem:s7+$0x1A710] =	vst v1  }
0xc3: {  	v1 =	vld.idx.msk [tilespmem:v3+s23+$0x0], vm0  }
0xc4: {  	v2 =	vld [tilespmem:s7+$0x1A720]  }
0xc5: {  	s10 =	sadd.s32 $0x80, s10;
	s11 =	sadd.s32 $0x40, s11;
	vm1 =	vgt.s32 v0, $0x104FF  }
0xc6: {  	v0 =	vadd.s32 $0xFFFEFB00, v0;
	_ =	sdelay $0x2  }
0xc7: {  	v1 =	vsel vm0, v1, v2  }
0xc8: {  	v63 =	vld [tilespmem:s7+$0x1A730];
	[tilespmem:s7+$0x1A720] =	vst v1  }
0xc9: {  	v0 =	vld.idx.msk [tilespmem:v0+s23+$0x0], vm1;
	_ =	sdelay $0x2  }
0xca: {  	s0 =	sshll.u32 s31, $0x10  }
0xcb: {  	s0 =	sadd.s32 s4, s0  }
0xcc: {  	s11 =	simm.s32 $0x1A700;
	s10 =	sadd.s32 s13, s0;
	v0 =	vsel vm1, v0, v63  }
0xcd: {  	s19 =	simm.s32 $0x1A800;
	s20 =	sadd.s32 $0x0, s10;
	[tilespmem:s7+$0x1A730] =	vst v0;
	s7 =	simm.s32 $0x80  }
.LBB2_12:
0xce: {  	[hbm4b:s20+s5] =	stream.linear.scatter [tilespmem:s11], [sflag:$0x5], $0x80, $0x38;
	[tilespmem:$0x1C700] =	vst v63  }
0xcf: {  	s20 =	smov.u32 s7;
	s11 =	smov.u32 s19;
	p0 =	sne.s32 s7, $0xF80  }
.Ltmp5:
0xd0: {  	s7 =	sadd.s32 $0x80, s7;
	(pc) =	sbr.rel @p0 .LBB2_12-.Ltmp5, $2  }
0xd1: {  	_ =	sdelay $0x2  }
0xd2: {  	s19 =	sadd.s32 $0x100, s19;
	s20 =	sadd.s32 s20, s10  }
0xd3: {  	[hbm4b:s20+s5] =	stream.linear.scatter [tilespmem:s11], [sflag:$0x5], $0x80, $0x38;
	[tilespmem:$0x1C700] =	vst v63  }
0xd4: {  	s7 =	sadd.s32 s2, s14;
	s11 =	simm.s32 $0x0;
	_ =	swait.ge [sflag:s28], $0x1000  }
0xd5: {  	s19 =	simm.s32 $0x18700;
	p0 =	por $0x0, $0x0;
	[sflag:s28] =	ssyncset.done $0x0  }
0xd6: {  	s20 =	simm.s32 $0x80;
	s10 =	sadd.s32 $0x0, s7;
	[sflag:s28] =	ssyncadd.s32 $0xFFFFF000  }
0xd7: {  	[tilespmem:s19], [sflag:$0x4] =	stream.linear.gather [hbm4b:s10+s11], $0x80, $0x38;
	[tilespmem:$0x1C700] =	vst v63  }
.LBB2_14:
0xd8: {  	p1 =	sne.s32 s20, $0xF80  }
.Ltmp6:
0xd9: {  	_ = 	snop;
	(pc) =	sbr.rel @p1 .LBB2_14-.Ltmp6, $4  }
0xda: {  	_ = 	snop  }
0xdb: {  	s10 =	simm.s32 $0xFFFFFFFC;
	s19 =	sadd.s32 $0x100, s19  }
0xdc: {  	s21 =	sadd.s32 s20, s7;
	s20 =	sadd.s32 $0x80, s20  }
0xdd: {  	[tilespmem:s19], [sflag:$0x4] =	stream.linear.gather [hbm4b:s21+s11], $0x80, $0x38;
	[tilespmem:$0x1C700] =	vst v63  }
0xde: {  	p1 =	por $0x0, $0x0;
	s19 =	simm.s32 $0xFFFFFFFC  }
.LBB2_16:
0xdf: {  	s7 =	simm.s32 $0x1  }
0xe0: {  	s7 =	simm.s32 @!p1 $0x0  }
0xe1: {  	s7 =	sshll.u32 s7, $0x6  }
0xe2: {  	s20 =	sadd.s32 s7, s11  }
0xe3: {  	s21 =	sor.u32 $0x80, s20  }
0xe4: {  	v0 =	vld [tilespmem:s21+$0x18700];
	_ =	sdelay $0x4  }
0xe5: {  	vm0 =	vlt.s32 v0, $0x8280;
	_ =	sdelay $0x4  }
0xe6: {  	s7 =	simm.s32 $0x0  }
0xe7: {  	v0 =	vld.idx.msk [tilespmem:v0+s7+$0x0], vm0;
	_ =	sdelay $0x4  }
0xe8: {  	v0 =	vnsel vm0, $0x0, v0  }
0xe9: {  	s30 =	sor.u32 $0x90, s20;
	[tilespmem:s21+$0x1A700] =	vst v0  }
0xea: {  	v0 =	vld [tilespmem:s30+$0x18700];
	_ =	sdelay $0x4  }
0xeb: {  	vm13 =	vlt.s32 v0, $0x8280;
	_ =	sdelay $0x5  }
0xec: {  	v0 =	vld.idx.msk [tilespmem:v0+s7+$0x0], vm13;
	_ =	sdelay $0x4  }
0xed: {  	v0 =	vnsel vm13, $0x0, v0  }
0xee: {  	[tilespmem:s30+$0x1A700] =	vst v0;
	s30 =	sor.u32 $0xA0, s20  }
0xef: {  	v0 =	vld [tilespmem:s30+$0x18700];
	_ =	sdelay $0x4  }
0xf0: {  	vm14 =	vlt.s32 v0, $0x8280;
	_ =	sdelay $0x5  }
0xf1: {  	v0 =	vld.idx.msk [tilespmem:v0+s7+$0x0], vm14;
	_ =	sdelay $0x4  }
0xf2: {  	v0 =	vnsel vm14, $0x0, v0  }
0xf3: {  	s20 =	sor.u32 $0xB0, s20;
	[tilespmem:s30+$0x1A700] =	vst v0  }
0xf4: {  	v0 =	vld [tilespmem:s20+$0x18700];
	_ =	sdelay $0x4  }
0xf5: {  	vm15 =	vlt.s32 v0, $0x8280;
	_ =	sdelay $0x5  }
0xf6: {  	s19 =	sadd.s32 $0x4, s19;
	v0 =	vld.idx.msk [tilespmem:v0+s7+$0x0], vm15  }
0xf7: {  	p2 =	slt.u32 s19, $0xFC  }
.Ltmp7:
0xf8: {  	_ = 	snop;
	(pc) =	sbr.rel @p2 .LBB2_16-.Ltmp7, $3  }
0xf9: {  	_ =	sdelay $0x1  }
0xfa: {  	v0 =	vnsel vm15, $0x0, v0  }
0xfb: {  	p1 =	por !p1, !p1;
	s11 =	sadd.s32 $0x80, s11;
	[tilespmem:s20+$0x1A700] =	vst v0  }
0xfc: {  	s19 =	simm.s32 $0x0  }
.LBB2_18:
0xfd: {  	s11 =	simm.s32 $0x1  }
0xfe: {  	s11 =	simm.s32 @!p0 $0x0  }
0xff: {  	s11 =	sshll.u32 s11, $0x6  }
0x100: {  	s11 =	sadd.s32 s11, s19  }
0x101: {  	s20 =	sor.u32 $0x80, s11  }
0x102: {  	v0 =	vld [tilespmem:s20+$0x18700];
	_ =	sdelay $0x4  }
0x103: {  	v0 =	vadd.s32 $0xFFFF7D80, v0  }
0x104: {  	vm0 =	vlt.u32 v0, $0x8280;
	_ =	sdelay $0x4  }
0x105: {  	v1 =	vld [tilespmem:s20+$0x1A700]  }
0x106: {  	v0 =	vld.idx.msk [tilespmem:v0+s22+$0x0], vm0;
	_ =	sdelay $0x4  }
0x107: {  	v0 =	vsel vm0, v0, v1  }
0x108: {  	s21 =	sor.u32 $0x90, s11;
	[tilespmem:s20+$0x1A700] =	vst v0  }
0x109: {  	v0 =	vld [tilespmem:s21+$0x18700];
	_ =	sdelay $0x4  }
0x10a: {  	v0 =	vadd.s32 $0xFFFF7D80, v0  }
0x10b: {  	vm13 =	vlt.u32 v0, $0x8280;
	_ =	sdelay $0x4  }
0x10c: {  	v61 =	vld [tilespmem:s21+$0x1A700]  }
0x10d: {  	v0 =	vld.idx.msk [tilespmem:v0+s22+$0x0], vm13;
	_ =	sdelay $0x4  }
0x10e: {  	v0 =	vsel vm13, v0, v61  }
0x10f: {  	s30 =	sor.u32 $0xA0, s11;
	[tilespmem:s21+$0x1A700] =	vst v0  }
0x110: {  	v0 =	vld [tilespmem:s30+$0x18700];
	_ =	sdelay $0x4  }
0x111: {  	v0 =	vadd.s32 $0xFFFF7D80, v0  }
0x112: {  	vm14 =	vlt.u32 v0, $0x8280;
	_ =	sdelay $0x4  }
0x113: {  	v62 =	vld [tilespmem:s30+$0x1A700]  }
0x114: {  	v0 =	vld.idx.msk [tilespmem:v0+s22+$0x0], vm14;
	_ =	sdelay $0x4  }
0x115: {  	v0 =	vsel vm14, v0, v62  }
0x116: {  	s11 =	sor.u32 $0xB0, s11;
	[tilespmem:s30+$0x1A700] =	vst v0  }
0x117: {  	v0 =	vld [tilespmem:s11+$0x18700];
	_ =	sdelay $0x4  }
0x118: {  	v0 =	vadd.s32 $0xFFFF7D80, v0  }
0x119: {  	vm15 =	vlt.u32 v0, $0x8280;
	_ =	sdelay $0x4  }
0x11a: {  	v63 =	vld [tilespmem:s11+$0x1A700]  }
0x11b: {  	s10 =	sadd.s32 $0x4, s10;
	v0 =	vld.idx.msk [tilespmem:v0+s22+$0x0], vm15  }
0x11c: {  	p2 =	slt.u32 s10, $0xFC  }
.Ltmp8:
0x11d: {  	_ = 	snop;
	(pc) =	sbr.rel @p2 .LBB2_18-.Ltmp8, $3  }
0x11e: {  	_ =	sdelay $0x1  }
0x11f: {  	p1 =	por $0x0, $0x0;
	v0 =	vsel vm15, v0, v63  }
0x120: {  	p0 =	por !p0, !p0;
	s19 =	sadd.s32 $0x80, s19;
	[tilespmem:s11+$0x1A700] =	vst v0;
	s11 =	simm.s32 $0xFFFFFFFC  }
.LBB2_19:
0x121: {  	s10 =	simm.s32 $0x1  }
0x122: {  	s10 =	simm.s32 @!p1 $0x0  }
0x123: {  	s10 =	sshll.u32 s10, $0x6  }
0x124: {  	s10 =	sadd.s32 s10, s7  }
0x125: {  	s19 =	sor.u32 $0x80, s10  }
0x126: {  	v0 =	vld [tilespmem:s19+$0x18700];
	_ =	sdelay $0x4  }
0x127: {  	vm0 =	vgt.s32 v0, $0x104FF  }
0x128: {  	v0 =	vadd.s32 $0xFFFEFB00, v0;
	_ =	sdelay $0x3  }
0x129: {  	v1 =	vld [tilespmem:s19+$0x1A700]  }
0x12a: {  	v0 =	vld.idx.msk [tilespmem:v0+s23+$0x0], vm0;
	_ =	sdelay $0x4  }
0x12b: {  	v0 =	vsel vm0, v0, v1  }
0x12c: {  	s21 =	sor.u32 $0x90, s10;
	[tilespmem:s19+$0x1A700] =	vst v0  }
0x12d: {  	v0 =	vld [tilespmem:s21+$0x18700];
	_ =	sdelay $0x4  }
0x12e: {  	vm13 =	vgt.s32 v0, $0x104FF  }
0x12f: {  	v0 =	vadd.s32 $0xFFFEFB00, v0;
	_ =	sdelay $0x3  }
0x130: {  	v61 =	vld [tilespmem:s21+$0x1A700]  }
0x131: {  	v0 =	vld.idx.msk [tilespmem:v0+s23+$0x0], vm13;
	_ =	sdelay $0x4  }
0x132: {  	v0 =	vsel vm13, v0, v61  }
0x133: {  	s30 =	sor.u32 $0xA0, s10;
	[tilespmem:s21+$0x1A700] =	vst v0  }
0x134: {  	v0 =	vld [tilespmem:s30+$0x18700];
	_ =	sdelay $0x4  }
0x135: {  	vm14 =	vgt.s32 v0, $0x104FF  }
0x136: {  	v0 =	vadd.s32 $0xFFFEFB00, v0;
	_ =	sdelay $0x3  }
0x137: {  	v62 =	vld [tilespmem:s30+$0x1A700]  }
0x138: {  	v0 =	vld.idx.msk [tilespmem:v0+s23+$0x0], vm14;
	_ =	sdelay $0x4  }
0x139: {  	v0 =	vsel vm14, v0, v62  }
0x13a: {  	s10 =	sor.u32 $0xB0, s10;
	[tilespmem:s30+$0x1A700] =	vst v0  }
0x13b: {  	v0 =	vld [tilespmem:s10+$0x18700];
	_ =	sdelay $0x4  }
0x13c: {  	vm15 =	vgt.s32 v0, $0x104FF  }
0x13d: {  	v0 =	vadd.s32 $0xFFFEFB00, v0;
	_ =	sdelay $0x3  }
0x13e: {  	v63 =	vld [tilespmem:s10+$0x1A700]  }
0x13f: {  	s11 =	sadd.s32 $0x4, s11;
	v0 =	vld.idx.msk [tilespmem:v0+s23+$0x0], vm15  }
0x140: {  	p0 =	slt.u32 s11, $0xFC  }
.Ltmp9:
0x141: {  	_ = 	snop;
	(pc) =	sbr.rel @p0 .LBB2_19-.Ltmp9, $3  }
0x142: {  	_ =	sdelay $0x1  }
0x143: {  	v0 =	vsel vm15, v0, v63  }
0x144: {  	p1 =	por !p1, !p1;
	s7 =	sadd.s32 $0x80, s7;
	[tilespmem:s10+$0x1A700] =	vst v0  }
0x145: {  	s7 =	sadd.s32 s0, s15;
	s10 =	simm.s32 $0x1A780  }
0x146: {  	s11 =	simm.s32 $0x80;
	s19 =	simm.s32 $0x1A880;
	s20 =	sadd.s32 $0x0, s7  }
.LBB2_21:
0x147: {  	[hbm4b:s20+s5] =	stream.linear.scatter [tilespmem:s10], [sflag:$0x5], $0x80, $0x38;
	[tilespmem:$0x1C700] =	vst v63  }
0x148: {  	s20 =	smov.u32 s11;
	s10 =	smov.u32 s19;
	p0 =	sne.s32 s11, $0xF80  }
.Ltmp10:
0x149: {  	s11 =	sadd.s32 $0x80, s11;
	(pc) =	sbr.rel @p0 .LBB2_21-.Ltmp10, $2  }
0x14a: {  	_ =	sdelay $0x2  }
0x14b: {  	s19 =	sadd.s32 $0x100, s19;
	s20 =	sadd.s32 s20, s7  }
0x14c: {  	[hbm4b:s20+s5] =	stream.linear.scatter [tilespmem:s10], [sflag:$0x5], $0x80, $0x38;
	[tilespmem:$0x1C700] =	vst v63  }
0x14d: {  	s2 =	sadd.s32 s2, s16;
	_ =	swait.ge [sflag:s28], $0x1000  }
0x14e: {  	s7 =	simm.s32 $0x18780;
	s10 =	simm.s32 $0x80;
	[sflag:s28] =	ssyncset.done $0x0  }
0x14f: {  	s11 =	simm.s32 $0x18880;
	s19 =	sadd.s32 $0x0, s2;
	[sflag:s28] =	ssyncadd.s32 $0xFFFFF000  }
.LBB2_23:
0x150: {  	[tilespmem:s7], [sflag:$0x4] =	stream.linear.gather [hbm4b:s19+s5], $0x80, $0x38;
	[tilespmem:$0x1C700] =	vst v63  }
0x151: {  	s19 =	smov.u32 s10;
	s7 =	smov.u32 s11;
	p0 =	sne.s32 s10, $0xF80  }
.Ltmp11:
0x152: {  	s10 =	sadd.s32 $0x80, s10;
	(pc) =	sbr.rel @p0 .LBB2_23-.Ltmp11, $2  }
0x153: {  	_ =	sdelay $0x2  }
0x154: {  	s11 =	sadd.s32 $0x100, s11;
	s19 =	sadd.s32 s19, s2  }
0x155: {  	[tilespmem:s7], [sflag:$0x4] =	stream.linear.gather [hbm4b:s19+s5], $0x80, $0x38;
	[tilespmem:$0x1C700] =	vst v63  }
0x156: {  	s7 =	simm.s32 $0x0;
	_ =	swait.ge [sflag:s29], $0x1000  }
0x157: {  	s2 =	sand.u32 $0x40, s7;
	s10 =	sand.u32 $0x1F00, s7;
	[sflag:s29] =	ssyncset.done $0x0  }
0x158: {  	s2 =	sor.u32 s2, s10;
	[sflag:s29] =	ssyncadd.s32 $0xFFFFF000  }
0x159: {  	v0 =	vld [tilespmem:s2+$0x18700];
	_ =	sdelay $0x4  }
0x15a: {  	vm0 =	vlt.s32 v0, $0x8280;
	_ =	sdelay $0x1  }
0x15b: {  	v1 =	vld [tilespmem:s2+$0x18710];
	_ =	sdelay $0x3  }
0x15c: {  	v0 =	vld.idx.msk [tilespmem:v0+s7+$0x0], vm0  }
0x15d: {  	vm1 =	vlt.s32 v1, $0x8280;
	_ =	sdelay $0x1  }
0x15e: {  	v2 =	vld [tilespmem:s2+$0x18720];
	_ =	sdelay $0x1  }
0x15f: {  	v0 =	vnsel vm0, $0x0, v0  }
0x160: {  	[tilespmem:s2+$0x1A700] =	vst v0  }
0x161: {  	v1 =	vld.idx.msk [tilespmem:v1+s7+$0x0], vm1  }
0x162: {  	vm0 =	vlt.s32 v2, $0x8280;
	_ =	sdelay $0x1  }
0x163: {  	v0 =	vld [tilespmem:s2+$0x18730];
	_ =	sdelay $0x1  }
0x164: {  	v1 =	vnsel vm1, $0x0, v1  }
0x165: {  	[tilespmem:s2+$0x1A710] =	vst v1  }
0x166: {  	s19 =	simm.s32 $0x80;
	v1 =	vld.idx.msk [tilespmem:v2+s7+$0x0], vm0  }
0x167: {  	s20 =	simm.s32 $0x40;
	s10 =	simm.s32 $0x0;
	s11 =	smov.u32 s2;
	vm1 =	vlt.s32 v0, $0x8280  }
.LBB2_25:
0x168: {  	s21 =	sand.u32 $0x40, s20;
	s30 =	sand.u32 $0x1F00, s19;
	s10 =	sadd.s32 $0x4, s10  }
0x169: {  	s21 =	sor.u32 s21, s30;
	p0 =	slt.u32 s10, $0xFC  }
0x16a: {  	v2 =	vld [tilespmem:s21+$0x18700]  }
0x16b: {  	v1 =	vnsel vm0, $0x0, v1  }
0x16c: {  	[tilespmem:s11+$0x1A720] =	vst v1  }
0x16d: {  	v0 =	vld.idx.msk [tilespmem:v0+s7+$0x0], vm1;
	_ =	sdelay $0x1  }
0x16e: {  	vm0 =	vlt.s32 v2, $0x8280;
	_ =	sdelay $0x2  }
0x16f: {  	v1 =	vld [tilespmem:s21+$0x18710]  }
0x170: {  	v0 =	vnsel vm1, $0x0, v0  }
0x171: {  	[tilespmem:s11+$0x1A730] =	vst v0;
	s11 =	smov.u32 s21  }
0x172: {  	v0 =	vld.idx.msk [tilespmem:v2+s7+$0x0], vm0;
	_ =	sdelay $0x1  }
0x173: {  	vm1 =	vlt.s32 v1, $0x8280;
	_ =	sdelay $0x2  }
0x174: {  	v2 =	vld [tilespmem:s11+$0x18720]  }
0x175: {  	v0 =	vnsel vm0, $0x0, v0  }
0x176: {  	[tilespmem:s11+$0x1A700] =	vst v0  }
0x177: {  	v1 =	vld.idx.msk [tilespmem:v1+s7+$0x0], vm1;
	_ =	sdelay $0x1  }
0x178: {  	vm0 =	vlt.s32 v2, $0x8280;
	_ =	sdelay $0x2  }
0x179: {  	v0 =	vld [tilespmem:s11+$0x18730]  }
.Ltmp12:
0x17a: {  	v1 =	vnsel vm1, $0x0, v1;
	(pc) =	sbr.rel @p0 .LBB2_25-.Ltmp12, $3  }
0x17b: {  	[tilespmem:s11+$0x1A710] =	vst v1  }
0x17c: {  	v1 =	vld.idx.msk [tilespmem:v2+s7+$0x0], vm0;
	_ =	sdelay $0x1  }
0x17d: {  	s19 =	sadd.s32 $0x80, s19;
	s20 =	sadd.s32 $0x40, s20;
	vm1 =	vlt.s32 v0, $0x8280  }
0x17e: {  	_ =	sdelay $0x2  }
0x17f: {  	v1 =	vnsel vm0, $0x0, v1  }
0x180: {  	[tilespmem:s11+$0x1A720] =	vst v1  }
0x181: {  	v0 =	vld.idx.msk [tilespmem:v0+s7+$0x0], vm1;
	_ =	sdelay $0x4  }
0x182: {  	v0 =	vnsel vm1, $0x0, v0  }
0x183: {  	[tilespmem:s11+$0x1A730] =	vst v0  }
0x184: {  	v0 =	vld [tilespmem:s2+$0x18700];
	_ =	sdelay $0x4  }
0x185: {  	v0 =	vadd.s32 $0xFFFF7D80, v0  }
0x186: {  	vm0 =	vlt.u32 v0, $0x8280  }
0x187: {  	v1 =	vld [tilespmem:s2+$0x18710];
	_ =	sdelay $0x3  }
0x188: {  	v2 =	vld [tilespmem:s2+$0x1A700]  }
0x189: {  	v1 =	vadd.s32 $0xFFFF7D80, v1;
	v0 =	vld.idx.msk [tilespmem:v0+s22+$0x0], vm0  }
0x18a: {  	vm1 =	vlt.u32 v1, $0x8280;
	_ =	sdelay $0x1  }
0x18b: {  	v3 =	vld [tilespmem:s2+$0x18720];
	_ =	sdelay $0x1  }
0x18c: {  	v0 =	vsel vm0, v0, v2  }
0x18d: {  	[tilespmem:s2+$0x1A700] =	vst v0  }
0x18e: {  	v0 =	vld.idx.msk [tilespmem:v1+s22+$0x0], vm1  }
0x18f: {  	v2 =	vadd.s32 $0xFFFF7D80, v3;
	v1 =	vld [tilespmem:s2+$0x1A710]  }
0x190: {  	vm0 =	vlt.u32 v2, $0x8280;
	_ =	sdelay $0x1  }
0x191: {  	v3 =	vld [tilespmem:s2+$0x18730];
	_ =	sdelay $0x1  }
0x192: {  	v0 =	vsel vm1, v0, v1  }
0x193: {  	[tilespmem:s2+$0x1A710] =	vst v0  }
0x194: {  	v1 =	vld.idx.msk [tilespmem:v2+s22+$0x0], vm0  }
0x195: {  	s10 =	simm.s32 $0x80;
	s7 =	simm.s32 $0x0;
	s11 =	simm.s32 $0x40;
	v0 =	vadd.s32 $0xFFFF7D80, v3;
	v2 =	vld [tilespmem:s2+$0x1A720]  }
.LBB2_27:
0x196: {  	s19 =	sand.u32 $0x40, s11;
	s20 =	sand.u32 $0x1F00, s10;
	s7 =	sadd.s32 $0x4, s7;
	vm1 =	vlt.u32 v0, $0x8280  }
0x197: {  	s19 =	sor.u32 s19, s20;
	p0 =	slt.u32 s7, $0xFC  }
0x198: {  	v3 =	vld [tilespmem:s19+$0x18700];
	_ =	sdelay $0x1  }
0x199: {  	v1 =	vsel vm0, v1, v2  }
0x19a: {  	[tilespmem:s2+$0x1A720] =	vst v1  }
0x19b: {  	v0 =	vld.idx.msk [tilespmem:v0+s22+$0x0], vm1  }
0x19c: {  	v1 =	vadd.s32 $0xFFFF7D80, v3;
	v2 =	vld [tilespmem:s2+$0x1A730]  }
0x19d: {  	vm0 =	vlt.u32 v1, $0x8280;
	_ =	sdelay $0x1  }
0x19e: {  	v3 =	vld [tilespmem:s19+$0x18710];
	_ =	sdelay $0x1  }
0x19f: {  	v0 =	vsel vm1, v0, v2  }
0x1a0: {  	[tilespmem:s2+$0x1A730] =	vst v0;
	s2 =	smov.u32 s19  }
0x1a1: {  	v0 =	vld.idx.msk [tilespmem:v1+s22+$0x0], vm0  }
0x1a2: {  	v1 =	vld [tilespmem:s2+$0x1A700];
	v2 =	vadd.s32 $0xFFFF7D80, v3  }
0x1a3: {  	vm1 =	vlt.u32 v2, $0x8280;
	_ =	sdelay $0x1  }
0x1a4: {  	v3 =	vld [tilespmem:s2+$0x18720];
	_ =	sdelay $0x1  }
0x1a5: {  	v0 =	vsel vm0, v0, v1  }
0x1a6: {  	[tilespmem:s2+$0x1A700] =	vst v0  }
0x1a7: {  	v0 =	vld.idx.msk [tilespmem:v2+s22+$0x0], vm1  }
0x1a8: {  	v1 =	vld [tilespmem:s2+$0x1A710];
	v2 =	vadd.s32 $0xFFFF7D80, v3  }
0x1a9: {  	vm0 =	vlt.u32 v2, $0x8280;
	_ =	sdelay $0x1  }
0x1aa: {  	v3 =	vld [tilespmem:s2+$0x18730]  }
.Ltmp13:
0x1ab: {  	(pc) =	sbr.rel @p0 .LBB2_27-.Ltmp13, $4  }
0x1ac: {  	v0 =	vsel vm1, v0, v1  }
0x1ad: {  	[tilespmem:s2+$0x1A710] =	vst v0  }
0x1ae: {  	v1 =	vld.idx.msk [tilespmem:v2+s22+$0x0], vm0  }
0x1af: {  	s10 =	sadd.s32 $0x80, s10;
	s11 =	sadd.s32 $0x40, s11;
	v2 =	vld [tilespmem:s2+$0x1A720];
	v0 =	vadd.s32 $0xFFFF7D80, v3  }
0x1b0: {  	vm1 =	vlt.u32 v0, $0x8280;
	_ =	sdelay $0x3  }
0x1b1: {  	v1 =	vsel vm0, v1, v2  }
0x1b2: {  	[tilespmem:s2+$0x1A720] =	vst v1;
	v1 =	vld [tilespmem:s2+$0x1A730]  }
0x1b3: {  	v0 =	vld.idx.msk [tilespmem:v0+s22+$0x0], vm1;
	_ =	sdelay $0x3  }
0x1b4: {  	s7 =	simm.s32 $0x0  }
0x1b5: {  	s10 =	sand.u32 $0x40, s7;
	s7 =	sand.u32 $0x1F00, s7;
	v0 =	vsel vm1, v0, v1  }
0x1b6: {  	[tilespmem:s2+$0x1A730] =	vst v0;
	s2 =	sor.u32 s10, s7  }
0x1b7: {  	v0 =	vld [tilespmem:s2+$0x18700];
	_ =	sdelay $0x4  }
0x1b8: {  	vm0 =	vgt.s32 v0, $0x104FF  }
0x1b9: {  	v0 =	vadd.s32 $0xFFFEFB00, v0  }
0x1ba: {  	v1 =	vld [tilespmem:s2+$0x18710];
	_ =	sdelay $0x2  }
0x1bb: {  	v2 =	vld [tilespmem:s2+$0x1A700]  }
0x1bc: {  	v0 =	vld.idx.msk [tilespmem:v0+s23+$0x0], vm0  }
0x1bd: {  	vm1 =	vgt.s32 v1, $0x104FF  }
0x1be: {  	v1 =	vadd.s32 $0xFFFEFB00, v1  }
0x1bf: {  	v3 =	vld [tilespmem:s2+$0x18720];
	_ =	sdelay $0x1  }
0x1c0: {  	v0 =	vsel vm0, v0, v2  }
0x1c1: {  	v2 =	vld [tilespmem:s2+$0x1A710];
	[tilespmem:s2+$0x1A700] =	vst v0  }
0x1c2: {  	v1 =	vld.idx.msk [tilespmem:v1+s23+$0x0], vm1  }
0x1c3: {  	vm0 =	vgt.s32 v3, $0x104FF  }
0x1c4: {  	v3 =	vadd.s32 $0xFFFEFB00, v3  }
0x1c5: {  	v0 =	vld [tilespmem:s2+$0x18730];
	_ =	sdelay $0x1  }
0x1c6: {  	v1 =	vsel vm1, v1, v2  }
0x1c7: {  	v2 =	vld [tilespmem:s2+$0x1A720];
	[tilespmem:s2+$0x1A710] =	vst v1  }
0x1c8: {  	v1 =	vld.idx.msk [tilespmem:v3+s23+$0x0], vm0  }
0x1c9: {  	s11 =	simm.s32 $0x40;
	s7 =	simm.s32 $0x0;
	s10 =	simm.s32 $0x80;
	vm1 =	vgt.s32 v0, $0x104FF  }
.LBB2_29:
0x1ca: {  	s19 =	sand.u32 $0x40, s11;
	s20 =	sand.u32 $0x1F00, s10;
	s7 =	sadd.s32 $0x4, s7;
	v0 =	vadd.s32 $0xFFFEFB00, v0  }
0x1cb: {  	s19 =	sor.u32 s19, s20;
	p0 =	slt.u32 s7, $0xFC  }
0x1cc: {  	v3 =	vld [tilespmem:s19+$0x18700]  }
0x1cd: {  	v1 =	vsel vm0, v1, v2  }
0x1ce: {  	[tilespmem:s2+$0x1A720] =	vst v1  }
0x1cf: {  	v0 =	vld.idx.msk [tilespmem:v0+s23+$0x0], vm1  }
0x1d0: {  	v1 =	vld [tilespmem:s2+$0x1A730]  }
0x1d1: {  	vm0 =	vgt.s32 v3, $0x104FF  }
0x1d2: {  	v2 =	vadd.s32 $0xFFFEFB00, v3;
	_ =	sdelay $0x1  }
0x1d3: {  	v3 =	vld [tilespmem:s19+$0x18710]  }
0x1d4: {  	v0 =	vsel vm1, v0, v1  }
0x1d5: {  	[tilespmem:s2+$0x1A730] =	vst v0;
	s2 =	smov.u32 s19  }
0x1d6: {  	v0 =	vld.idx.msk [tilespmem:v2+s23+$0x0], vm0  }
0x1d7: {  	v1 =	vld [tilespmem:s2+$0x1A700]  }
0x1d8: {  	vm1 =	vgt.s32 v3, $0x104FF  }
0x1d9: {  	v2 =	vadd.s32 $0xFFFEFB00, v3;
	_ =	sdelay $0x1  }
0x1da: {  	v3 =	vld [tilespmem:s2+$0x18720]  }
0x1db: {  	v0 =	vsel vm0, v0, v1  }
0x1dc: {  	[tilespmem:s2+$0x1A700] =	vst v0  }
0x1dd: {  	v1 =	vld.idx.msk [tilespmem:v2+s23+$0x0], vm1  }
0x1de: {  	v2 =	vld [tilespmem:s2+$0x1A710]  }
0x1df: {  	vm0 =	vgt.s32 v3, $0x104FF  }
0x1e0: {  	v3 =	vadd.s32 $0xFFFEFB00, v3;
	_ =	sdelay $0x1  }
0x1e1: {  	v0 =	vld [tilespmem:s2+$0x18730]  }
.Ltmp14:
0x1e2: {  	v1 =	vsel vm1, v1, v2;
	(pc) =	sbr.rel @p0 .LBB2_29-.Ltmp14, $4  }
0x1e3: {  	[tilespmem:s2+$0x1A710] =	vst v1  }
0x1e4: {  	v1 =	vld.idx.msk [tilespmem:v3+s23+$0x0], vm0  }
0x1e5: {  	v2 =	vld [tilespmem:s2+$0x1A720]  }
0x1e6: {  	s10 =	sadd.s32 $0x80, s10;
	s11 =	sadd.s32 $0x40, s11;
	vm1 =	vgt.s32 v0, $0x104FF  }
0x1e7: {  	v0 =	vadd.s32 $0xFFFEFB00, v0;
	_ =	sdelay $0x2  }
0x1e8: {  	v1 =	vsel vm0, v1, v2  }
0x1e9: {  	v63 =	vld [tilespmem:s2+$0x1A730];
	[tilespmem:s2+$0x1A720] =	vst v1  }
0x1ea: {  	v0 =	vld.idx.msk [tilespmem:v0+s23+$0x0], vm1;
	_ =	sdelay $0x4  }
0x1eb: {  	s7 =	sadd.s32 s0, s17;
	s10 =	simm.s32 $0x1A700;
	v0 =	vsel vm1, v0, v63  }
0x1ec: {  	s11 =	simm.s32 $0x1A800;
	s19 =	sadd.s32 $0x0, s7;
	[tilespmem:s2+$0x1A730] =	vst v0;
	s2 =	simm.s32 $0x80  }
.LBB2_31:
0x1ed: {  	[hbm4b:s19+s5] =	stream.linear.scatter [tilespmem:s10], [sflag:$0x5], $0x80, $0x38;
	[tilespmem:$0x1C700] =	vst v63  }
0x1ee: {  	s19 =	smov.u32 s2;
	s10 =	smov.u32 s11;
	p0 =	sne.s32 s2, $0xF80  }
.Ltmp15:
0x1ef: {  	s2 =	sadd.s32 $0x80, s2;
	(pc) =	sbr.rel @p0 .LBB2_31-.Ltmp15, $2  }
0x1f0: {  	_ =	sdelay $0x2  }
0x1f1: {  	s11 =	sadd.s32 $0x100, s11;
	s19 =	sadd.s32 s19, s7  }
0x1f2: {  	p0 =	seq.s32 s31, $0x19  }
.Ltmp16:
0x1f3: {  	_ = 	snop;
	(pc) =	sbr.rel @p0 .LBB2_36-.Ltmp16, $4  }
0x1f4: {  	[hbm4b:s19+s5] =	stream.linear.scatter [tilespmem:s10], [sflag:$0x5], $0x80, $0x38;
	[tilespmem:$0x1C700] =	vst v63  }
0x1f5: {  	_ =	swait.ge [sflag:s28], $0x1000  }
0x1f6: {  	[sflag:s28] =	ssyncset.done $0x0  }
0x1f7: {  	s31 =	sadd.s32 $0x1, s31;
	[sflag:s28] =	ssyncadd.s32 $0xFFFFF000  }
0x1f8: {  	s2 =	sshll.u32 s31, $0x4  }
0x1f9: {  	s7 =	sshll.u32 s31, $0xB;
	s2 =	sand.u32 $0x70, s2  }
0x1fa: {  	s7 =	sand.u32 $0x1C000, s7;
	s2 =	sadd.s32 s3, s2  }
0x1fb: {  	s10 =	simm.s32 $0x80;
	s2 =	sadd.s32 s7, s2  }
0x1fc: {  	s11 =	simm.s32 $0x18800;
	s7 =	simm.s32 $0x18700;
	s19 =	sadd.s32 $0x0, s2  }
.LBB2_34:
0x1fd: {  	[tilespmem:s7], [sflag:$0x4] =	stream.linear.gather [hbm4b:s19+s5], $0x80, $0x38;
	[tilespmem:$0x1C700] =	vst v63  }
0x1fe: {  	s19 =	smov.u32 s10;
	s7 =	smov.u32 s11;
	p1 =	sne.s32 s10, $0xF80  }
.Ltmp17:
0x1ff: {  	s10 =	sadd.s32 $0x80, s10;
	(pc) =	sbr.rel @p1 .LBB2_34-.Ltmp17, $2  }
0x200: {  	_ =	sdelay $0x2  }
0x201: {  	s11 =	sadd.s32 $0x100, s11;
	s19 =	sadd.s32 s19, s2  }
0x202: {  	[tilespmem:s7], [sflag:$0x4] =	stream.linear.gather [hbm4b:s19+s5], $0x80, $0x38;
	[tilespmem:$0x1C700] =	vst v63  }
.LBB2_36:
0x203: {  	_ =	swait.ge [sflag:s29], $0x1000  }
0x204: {  	s2 =	simm.s32 $0xFFFFFFFC;
	[sflag:s29] =	ssyncset.done $0x0  }
0x205: {  	s7 =	simm.s32 $0x0;
	p1 =	por $0x0, $0x0;
	[sflag:s29] =	ssyncadd.s32 $0xFFFFF000  }
.LBB2_37:
0x206: {  	s10 =	simm.s32 $0x1  }
0x207: {  	s10 =	simm.s32 @!p1 $0x0  }
0x208: {  	s10 =	sshll.u32 s10, $0x6  }
0x209: {  	s10 =	sadd.s32 s10, s7  }
0x20a: {  	s11 =	sor.u32 $0x80, s10  }
0x20b: {  	v0 =	vld [tilespmem:s11+$0x18700];
	_ =	sdelay $0x4  }
0x20c: {  	vm0 =	vlt.s32 v0, $0x8280;
	_ =	sdelay $0x5  }
0x20d: {  	v0 =	vld.idx.msk [tilespmem:v0+s5+$0x0], vm0;
	_ =	sdelay $0x4  }
0x20e: {  	v0 =	vnsel vm0, $0x0, v0  }
0x20f: {  	s21 =	sor.u32 $0x90, s10;
	[tilespmem:s11+$0x1A700] =	vst v0  }
0x210: {  	v0 =	vld [tilespmem:s21+$0x18700];
	_ =	sdelay $0x4  }
0x211: {  	vm13 =	vlt.s32 v0, $0x8280;
	_ =	sdelay $0x5  }
0x212: {  	v0 =	vld.idx.msk [tilespmem:v0+s5+$0x0], vm13;
	_ =	sdelay $0x4  }
0x213: {  	v0 =	vnsel vm13, $0x0, v0  }
0x214: {  	s30 =	sor.u32 $0xA0, s10;
	[tilespmem:s21+$0x1A700] =	vst v0  }
0x215: {  	v0 =	vld [tilespmem:s30+$0x18700];
	_ =	sdelay $0x4  }
0x216: {  	vm14 =	vlt.s32 v0, $0x8280;
	_ =	sdelay $0x5  }
0x217: {  	v0 =	vld.idx.msk [tilespmem:v0+s5+$0x0], vm14;
	_ =	sdelay $0x4  }
0x218: {  	v0 =	vnsel vm14, $0x0, v0  }
0x219: {  	s10 =	sor.u32 $0xB0, s10;
	[tilespmem:s30+$0x1A700] =	vst v0  }
0x21a: {  	v0 =	vld [tilespmem:s10+$0x18700];
	_ =	sdelay $0x4  }
0x21b: {  	vm15 =	vlt.s32 v0, $0x8280;
	_ =	sdelay $0x5  }
0x21c: {  	s2 =	sadd.s32 $0x4, s2;
	v0 =	vld.idx.msk [tilespmem:v0+s5+$0x0], vm15  }
0x21d: {  	p2 =	slt.u32 s2, $0xFC  }
.Ltmp18:
0x21e: {  	_ = 	snop;
	(pc) =	sbr.rel @p2 .LBB2_37-.Ltmp18, $3  }
0x21f: {  	_ =	sdelay $0x1  }
0x220: {  	v0 =	vnsel vm15, $0x0, v0  }
0x221: {  	p1 =	por !p1, !p1;
	s7 =	sadd.s32 $0x80, s7;
	[tilespmem:s10+$0x1A700] =	vst v0  }
0x222: {  	s2 =	smul.u32 @!p0 $0x61C00, s31;
	_ =	sdelay $0x1  }
0x223: {  	s10 =	simm.s32 @!p0 $0x80;
	s2 =	sadd.s32 @!p0 s1, s2  }
0x224: {  	s11 =	simm.s32 @!p0 $0x400;
	s19 =	simm.s32 @!p0 $0x0;
	s7 =	sadd.s32 @!p0 s6, s2  }
0x225: {  	[tilespmem:s19], [sflag:$0x1] =	stream.strided.gather @!p0 [hbm4b:s7+s10], $0x8280, s11, s10, $0x38;
	[tilespmem:$0x1C700] =	vst v63  }
0x226: {  	p1 =	por $0x0, $0x0;
	s7 =	simm.s32 $0xFFFFFFFC;
	s10 =	simm.s32 $0x0  }
.LBB2_39:
0x227: {  	s11 =	simm.s32 $0x1  }
0x228: {  	s11 =	simm.s32 @!p1 $0x0  }
0x229: {  	s11 =	sshll.u32 s11, $0x6  }
0x22a: {  	s11 =	sadd.s32 s11, s10  }
0x22b: {  	s19 =	sor.u32 $0x80, s11  }
0x22c: {  	v0 =	vld [tilespmem:s19+$0x18700];
	_ =	sdelay $0x4  }
0x22d: {  	v0 =	vadd.s32 $0xFFFF7D80, v0  }
0x22e: {  	vm0 =	vlt.u32 v0, $0x8280;
	_ =	sdelay $0x4  }
0x22f: {  	v1 =	vld [tilespmem:s19+$0x1A700]  }
0x230: {  	v0 =	vld.idx.msk [tilespmem:v0+s22+$0x0], vm0;
	_ =	sdelay $0x4  }
0x231: {  	v0 =	vsel vm0, v0, v1  }
0x232: {  	s21 =	sor.u32 $0x90, s11;
	[tilespmem:s19+$0x1A700] =	vst v0  }
0x233: {  	v0 =	vld [tilespmem:s21+$0x18700];
	_ =	sdelay $0x4  }
0x234: {  	v0 =	vadd.s32 $0xFFFF7D80, v0  }
0x235: {  	vm13 =	vlt.u32 v0, $0x8280;
	_ =	sdelay $0x4  }
0x236: {  	v61 =	vld [tilespmem:s21+$0x1A700]  }
0x237: {  	v0 =	vld.idx.msk [tilespmem:v0+s22+$0x0], vm13;
	_ =	sdelay $0x4  }
0x238: {  	v0 =	vsel vm13, v0, v61  }
0x239: {  	s30 =	sor.u32 $0xA0, s11;
	[tilespmem:s21+$0x1A700] =	vst v0  }
0x23a: {  	v0 =	vld [tilespmem:s30+$0x18700];
	_ =	sdelay $0x4  }
0x23b: {  	v0 =	vadd.s32 $0xFFFF7D80, v0  }
0x23c: {  	vm14 =	vlt.u32 v0, $0x8280;
	_ =	sdelay $0x4  }
0x23d: {  	v62 =	vld [tilespmem:s30+$0x1A700]  }
0x23e: {  	v0 =	vld.idx.msk [tilespmem:v0+s22+$0x0], vm14;
	_ =	sdelay $0x4  }
0x23f: {  	v0 =	vsel vm14, v0, v62  }
0x240: {  	s11 =	sor.u32 $0xB0, s11;
	[tilespmem:s30+$0x1A700] =	vst v0  }
0x241: {  	v0 =	vld [tilespmem:s11+$0x18700];
	_ =	sdelay $0x4  }
0x242: {  	v0 =	vadd.s32 $0xFFFF7D80, v0  }
0x243: {  	vm15 =	vlt.u32 v0, $0x8280;
	_ =	sdelay $0x4  }
0x244: {  	v63 =	vld [tilespmem:s11+$0x1A700]  }
0x245: {  	s7 =	sadd.s32 $0x4, s7;
	v0 =	vld.idx.msk [tilespmem:v0+s22+$0x0], vm15  }
0x246: {  	p2 =	slt.u32 s7, $0xFC  }
.Ltmp19:
0x247: {  	_ = 	snop;
	(pc) =	sbr.rel @p2 .LBB2_39-.Ltmp19, $3  }
0x248: {  	_ =	sdelay $0x1  }
0x249: {  	v0 =	vsel vm15, v0, v63  }
0x24a: {  	p1 =	por !p1, !p1;
	s10 =	sadd.s32 $0x80, s10;
	[tilespmem:s11+$0x1A700] =	vst v0  }
0x24b: {  	s7 =	sadd.s32 @!p0 s8, s2  }
0x24c: {  	s10 =	simm.s32 @!p0 $0x80;
	s11 =	simm.s32 @!p0 $0x400;
	s19 =	simm.s32 @!p0 $0x8280  }
0x24d: {  	[tilespmem:s19], [sflag:$0x2] =	stream.strided.gather @!p0 [hbm4b:s7+s10], $0x8280, s11, s10, $0x38;
	[tilespmem:$0x1C700] =	vst v63  }
0x24e: {  	p1 =	por $0x0, $0x0;
	s7 =	simm.s32 $0xFFFFFFFC;
	s10 =	simm.s32 $0x0  }
.LBB2_41:
0x24f: {  	s11 =	simm.s32 $0x1  }
0x250: {  	s11 =	simm.s32 @!p1 $0x0  }
0x251: {  	s11 =	sshll.u32 s11, $0x6  }
0x252: {  	s11 =	sadd.s32 s11, s10  }
0x253: {  	s19 =	sor.u32 $0x80, s11  }
0x254: {  	v0 =	vld [tilespmem:s19+$0x18700];
	_ =	sdelay $0x4  }
0x255: {  	vm0 =	vgt.s32 v0, $0x104FF  }
0x256: {  	v0 =	vadd.s32 $0xFFFEFB00, v0;
	_ =	sdelay $0x3  }
0x257: {  	v1 =	vld [tilespmem:s19+$0x1A700]  }
0x258: {  	v0 =	vld.idx.msk [tilespmem:v0+s23+$0x0], vm0;
	_ =	sdelay $0x4  }
0x259: {  	v0 =	vsel vm0, v0, v1  }
0x25a: {  	s21 =	sor.u32 $0x90, s11;
	[tilespmem:s19+$0x1A700] =	vst v0  }
0x25b: {  	v0 =	vld [tilespmem:s21+$0x18700];
	_ =	sdelay $0x4  }
0x25c: {  	vm13 =	vgt.s32 v0, $0x104FF  }
0x25d: {  	v0 =	vadd.s32 $0xFFFEFB00, v0;
	_ =	sdelay $0x3  }
0x25e: {  	v61 =	vld [tilespmem:s21+$0x1A700]  }
0x25f: {  	v0 =	vld.idx.msk [tilespmem:v0+s23+$0x0], vm13;
	_ =	sdelay $0x4  }
0x260: {  	v0 =	vsel vm13, v0, v61  }
0x261: {  	s30 =	sor.u32 $0xA0, s11;
	[tilespmem:s21+$0x1A700] =	vst v0  }
0x262: {  	v0 =	vld [tilespmem:s30+$0x18700];
	_ =	sdelay $0x4  }
0x263: {  	vm14 =	vgt.s32 v0, $0x104FF  }
0x264: {  	v0 =	vadd.s32 $0xFFFEFB00, v0;
	_ =	sdelay $0x3  }
0x265: {  	v62 =	vld [tilespmem:s30+$0x1A700]  }
0x266: {  	v0 =	vld.idx.msk [tilespmem:v0+s23+$0x0], vm14;
	_ =	sdelay $0x4  }
0x267: {  	v0 =	vsel vm14, v0, v62  }
0x268: {  	s11 =	sor.u32 $0xB0, s11;
	[tilespmem:s30+$0x1A700] =	vst v0  }
0x269: {  	v0 =	vld [tilespmem:s11+$0x18700];
	_ =	sdelay $0x4  }
0x26a: {  	vm15 =	vgt.s32 v0, $0x104FF  }
0x26b: {  	v0 =	vadd.s32 $0xFFFEFB00, v0;
	_ =	sdelay $0x3  }
0x26c: {  	v63 =	vld [tilespmem:s11+$0x1A700]  }
0x26d: {  	s7 =	sadd.s32 $0x4, s7;
	v0 =	vld.idx.msk [tilespmem:v0+s23+$0x0], vm15  }
0x26e: {  	p2 =	slt.u32 s7, $0xFC  }
.Ltmp20:
0x26f: {  	_ = 	snop;
	(pc) =	sbr.rel @p2 .LBB2_41-.Ltmp20, $3  }
0x270: {  	_ =	sdelay $0x1  }
0x271: {  	v0 =	vsel vm15, v0, v63  }
0x272: {  	p1 =	por !p1, !p1;
	s10 =	sadd.s32 $0x80, s10;
	[tilespmem:s11+$0x1A700] =	vst v0  }
0x273: {  	s2 =	sadd.s32 @!p0 s9, s2  }
0x274: {  	s7 =	simm.s32 @!p0 $0x80;
	s10 =	simm.s32 @!p0 $0x400;
	s11 =	simm.s32 @!p0 $0x10500  }
0x275: {  	[tilespmem:s11], [sflag:$0x3] =	stream.strided.gather @!p0 [hbm4b:s2+s7], $0x8200, s10, s7, $0x38;
	[tilespmem:$0x1C700] =	vst v63  }
0x276: {  	s0 =	sadd.s32 s0, s18;
	s2 =	simm.s32 $0x1A780  }
0x277: {  	s7 =	simm.s32 $0x80;
	s11 =	sadd.s32 $0x0, s0;
	s10 =	simm.s32 $0x1A880  }
.LBB2_43:
0x278: {  	[hbm4b:s11+s5] =	stream.linear.scatter [tilespmem:s2], [sflag:$0x5], $0x80, $0x38;
	[tilespmem:$0x1C700] =	vst v63  }
0x279: {  	s11 =	smov.u32 s7;
	s2 =	smov.u32 s10;
	p0 =	sne.s32 s7, $0xF80  }
.Ltmp21:
0x27a: {  	s7 =	sadd.s32 $0x80, s7;
	(pc) =	sbr.rel @p0 .LBB2_43-.Ltmp21, $2  }
0x27b: {  	_ =	sdelay $0x2  }
0x27c: {  	s10 =	sadd.s32 $0x100, s10;
	s11 =	sadd.s32 s11, s0  }
0x27d: {  	[hbm4b:s11+s5] =	stream.linear.scatter [tilespmem:s2], [sflag:$0x5], $0x80, $0x38;
	[tilespmem:$0x1C700] =	vst v63  }
0x27e: {  	p0 =	sne.s32 s31, $0x1A;
	_ =	swait.ge [sflag:s29], $0x1000  }
.Ltmp22:
0x27f: {  	[sflag:s29] =	ssyncset.done $0x0;
	(pc) =	sbr.rel @p0 .LBB2_3-.Ltmp22, $4  }
0x280: {  	[sflag:s29] =	ssyncadd.s32 $0xFFFFF000  }
0x281: {  	_ =	swait.ge [sflag:s29], $0x1000  }
0x282: {  	[sflag:s29] =	ssyncset.done $0x0  }
0x283: {  	[sflag:s29] =	ssyncadd.s32 $0xFFFFF000  }
0x284: {  	s2 =	rddreg [dreg:$0x8]  }
0x285: {  	s0 =	rddreg [dreg:$0x7];
	s2 =	sadd.s32 $0x1, s2  }
0x286: {  	p0 =	sne.s32 s2, s0  }
.Ltmp23:
0x287: {  	_ = 	snop;
	(pc) =	sbr.rel @p0 .LBB2_1-.Ltmp23, $1  }
0x288: {  	_ =	sdelay $0x3  }
0x289: {  	_ =	sfence.sel $0x180000  }
0x28a: {  	[bflag:$0x0] =	sbarrier.arrive $0xFFFF  }
0x28b: {  	_ =	strace $0x90000047  }
0x28c: {  	s0 =	stileid.u32;
	[bflag:$0x2] =	sbarrier.arrive $0xFFFF  }
0x28d: {  	p0 =	sne.s32 s0, $0x0;
	s0 =	rddreg [dreg:$0x3]  }
0x28e: {  	s0 =	sadd.s32 @!p0 $0x100000, s0  }
0x28f: {  	[sflag:s0] =	ssyncadd.tile.s32 @!p0 $0x1;
	_ =	shalt  }
.Lfunc_end2:
_tile_overlayer_lowered:
.L_overlay_start_2:
0x290: {  	(tag) =	ssettag $0x2  }
0x291: {  	s0 =	rddreg [dreg:$0x0];
	s2 =	stileid.u32  }
0x292: {  	s1 =	rddreg [dreg:$0x1];
	p0 =	sne.s32 s2, $0x0  }
0x293: {  	s3 =	rddreg [dreg:$0x2];
	[bflag:$0x3] =	sbarrier.arrive $0xFFFF;
	s2 =	simm.s32 @!p0 $0x1C06  }
0x294: {  	[timem:s3], [sflag:s2] =	dma.local @!p0 [hbm:s0], s1  }
0x295: {  	s0 =	simm.s32 @!p0 $0x6  }
0x296: {  	_ =	swait.ge @!p0 [sflag:s0], s1  }
0x297: {  	s1 =	ssub.s32 @!p0 $0x0, s1;
	[sflag:s0] =	ssyncset.done @!p0 $0x0  }
0x298: {  	[sflag:s0] =	ssyncadd.s32 @!p0 s1  }
0x299: {  	[bflag:$0x3] =	sbarrier.arrive $0xFFFF  }
0x29a: {  	_ =	shalt  }

</sc_bundles>
